<compile_context>
chip_gen: v7x
topology: tpu7x:2x2x1
jax: 0.10.2.dev20260603
libtpu: 0.0.44.dev20260713+nightly
codegen_flags: <defaults>
</compile_context>

<pallas_src>
import functools

import jax
import jax.numpy as jnp
from jax import lax
from jax.experimental import pallas as pl
from jax.experimental.pallas import tpu as pltpu
from jax.experimental.pallas import tpu_sc as plsc

N = 10000
E = 160000
D = 256
DH = 128
NEG_SLOPE = 0.2
BN_EPS = 1e-5

NE = E + N
NW = 16
G = 96
NCHUNK = 112
PCH = 2688
EPW = NCHUNK * G
NEPAD = NW * EPW
NPAD = 10240
ROWS_PER_TILE = NPAD // 16
RB = 128



_BLK_A = 1000


def _phase_a_body(x_ref, w_ref, asw_ref, adw_ref, h2_ref, as_ref, ad_ref):
    h = jnp.dot(x_ref[...], w_ref[...], preferred_element_type=jnp.float32)
    h2_ref[0] = h[:, :DH].astype(jnp.bfloat16)
    h2_ref[1] = h[:, DH:].astype(jnp.bfloat16)
    as_ref[...] = jnp.dot(h, asw_ref[...], preferred_element_type=jnp.float32)
    ad_ref[...] = jnp.dot(h, adw_ref[...], preferred_element_type=jnp.float32)


def _phase_a(x, W, att_src, att_dst):
    return pl.pallas_call(
        _phase_a_body,
        grid=(N // _BLK_A,),
        in_specs=[
            pl.BlockSpec((_BLK_A, D), lambda i: (i, 0)),
            pl.BlockSpec((D, D), lambda i: (0, 0)),
            pl.BlockSpec((D, 1), lambda i: (0, 0)),
            pl.BlockSpec((D, 1), lambda i: (0, 0)),
        ],
        out_specs=[
            pl.BlockSpec((2, _BLK_A, DH), lambda i: (0, i, 0)),
            pl.BlockSpec((_BLK_A, 1), lambda i: (i, 0)),
            pl.BlockSpec((_BLK_A, 1), lambda i: (i, 0)),
        ],
        out_shape=[
            jax.ShapeDtypeStruct((2, N, DH), jnp.bfloat16),
            jax.ShapeDtypeStruct((N, 1), jnp.float32),
            jax.ShapeDtypeStruct((N, 1), jnp.float32),
        ],
    )(x, W, att_src.reshape(D, 1), att_dst.reshape(D, 1))



def _sc_body(h2, asrc, adst, srcw, dstw, c16, out2, den_out,
             accum, p_all, c_v, si0, si1, di0, di1,
             gsem0, gsem1, ssem0, ssem1):
    core = lax.axis_index("c")
    sub = lax.axis_index("s")
    wid = sub

    pltpu.sync_copy(c16, c_v)

    zeros16 = jnp.zeros((16,), jnp.float32)
    ones16 = jnp.ones((16,), jnp.float32)
    iota16 = lax.iota(jnp.int32, 16)
    neg = jnp.float32(NEG_SLOPE)
    tab = h2.at[core]
    base = sub * ROWS_PER_TILE

    def _p_phase(asrc_v, adst_v, den_v, srcw_v, dstw_v):
        pltpu.sync_copy(asrc, asrc_v)
        pltpu.sync_copy(adst, adst_v)

        @plsc.parallel_loop(0, N // 16, unroll=8)
        def _zero_den(i):
            den_v[pl.ds(i * 16, 16)] = zeros16

        @plsc.parallel_loop(0, (NPAD - N) // 16, unroll=3)
        def _one_den(i):
            den_v[pl.ds(N + i * 16, 16)] = ones16

        for r in range(EPW // PCH):
            pltpu.sync_copy(srcw.at[wid].at[pl.ds(r * PCH, PCH)], srcw_v)
            pltpu.sync_copy(dstw.at[wid].at[pl.ds(r * PCH, PCH)], dstw_v)
            gbase = wid * EPW + r * PCH

            def _pblock(b, _):
                src16 = srcw_v[pl.ds(b * 16, 16)]
                dst16 = dstw_v[pl.ds(b * 16, 16)]
                a1 = plsc.load_gather(asrc_v, [src16])
                a2 = plsc.load_gather(adst_v, [dst16])
                e = a1 + a2
                e = jnp.where(e >= 0.0, e, e * neg)
                p = jnp.exp(e - c_v[...])
                gid = gbase + b * 16 + iota16
                p = jnp.where(gid < NE, p, 0.0)
                p_all[pl.ds(r * PCH + b * 16, 16)] = p
                plsc.addupdate_scatter(den_v, [dst16], p)
                return 0

            lax.fori_loop(0, PCH // 16, _pblock, 0)

        @pl.when(core == 0)
        def _():
            pltpu.sync_copy(den_v, den_out.at[pl.ds(sub * NPAD, NPAD)])

    pl.run_scoped(
        _p_phase,
        pltpu.VMEM((N,), jnp.float32),
        pltpu.VMEM((N,), jnp.float32),
        pltpu.VMEM((NPAD,), jnp.float32),
        pltpu.VMEM((PCH,), jnp.int32),
        pltpu.VMEM((PCH,), jnp.int32),
    )

    def _compute(chunk, gbuf, sbuf):
        pbase = chunk * G

        @plsc.parallel_loop(0, G, unroll=4)
        def _scale(r):
            pr = plsc.load_gather(p_all, [jnp.full((16,), pbase + r,
                                                   jnp.int32)])
            for cg in range(DH // 32):
                x32 = gbuf[r, pl.ds(cg * 32, 32)]
                ea, eb = plsc.unpack(x32, format=plsc.PackFormat.INTERLEAVED)
                sbuf[r, pl.ds(cg * 32, 16)] = ea * pr
                sbuf[r, pl.ds(cg * 32 + 16, 16)] = eb * pr

    def _row_phase(g0, g1, s0, s1):
        @plsc.parallel_loop(0, G * 8, unroll=8)
        def _zero_rows(i):
            r = i // 8
            col = (i % 8) * 16
            s0[r, pl.ds(col, 16)] = zeros16
        rb = []
        off = 0
        while off < ROWS_PER_TILE:
            step = min(G, ROWS_PER_TILE - off)
            rb.append((off, step))
            off += step
        for off, step in rb:
            pltpu.async_copy(s0.at[pl.ds(0, step)],
                             accum.at[pl.ds(base + off, step)], gsem0)
        for off, step in rb:
            pltpu.make_async_copy(s0.at[pl.ds(0, step)],
                                  accum.at[pl.ds(base + off, step)],
                                  gsem0).wait()
        plsc.subcore_barrier()

        pltpu.sync_copy(srcw.at[wid].at[pl.ds(0, G)], si0)
        pltpu.async_copy(tab.at[si0], g0, gsem0)

        def _pair(k, _):
            c0 = 2 * k

            @pl.when(k > 0)
            def _():
                pltpu.make_async_copy(s0, accum.at[di0], ssem0).wait()

            pltpu.sync_copy(srcw.at[wid].at[pl.ds((c0 + 1) * G, G)], si1)
            pltpu.async_copy(tab.at[si1], g1, gsem1)
            pltpu.make_async_copy(tab.at[si0], g0, gsem0).wait()
            pltpu.sync_copy(dstw.at[wid].at[pl.ds(c0 * G, G)], di0)
            _compute(c0, g0, s0)
            pltpu.async_copy(s0, accum.at[di0], ssem0, add=True)

            @pl.when(k > 0)
            def _():
                pltpu.make_async_copy(s1, accum.at[di1], ssem1).wait()

            @pl.when(k < NCHUNK // 2 - 1)
            def _():
                pltpu.sync_copy(srcw.at[wid].at[pl.ds((c0 + 2) * G, G)], si0)
                pltpu.async_copy(tab.at[si0], g0, gsem0)

            pltpu.make_async_copy(tab.at[si1], g1, gsem1).wait()
            pltpu.sync_copy(dstw.at[wid].at[pl.ds((c0 + 1) * G, G)], di1)
            _compute(c0 + 1, g1, s1)
            pltpu.async_copy(s1, accum.at[di1], ssem1, add=True)
            return 0

        lax.fori_loop(0, NCHUNK // 2, _pair, 0)
        pltpu.make_async_copy(s0, accum.at[di0], ssem0).wait()
        pltpu.make_async_copy(s1, accum.at[di1], ssem1).wait()
        plsc.subcore_barrier()

        sb = (s0, s1)
        wsem = (ssem0, ssem1)
        nrb = len(rb)
        for k, (off, step) in enumerate(rb):
            sl = pl.ds(base + off, step)
            if k >= 2:
                poff, pstep = rb[k - 2]
                prev = pl.ds(base + poff, pstep)
                pltpu.make_async_copy(
                    sb[k % 2].at[pl.ds(0, pstep)],
                    out2.at[core].at[prev], wsem[k % 2]).wait()
            pltpu.sync_copy(accum.at[sl], sb[k % 2].at[pl.ds(0, step)])
            pltpu.async_copy(sb[k % 2].at[pl.ds(0, step)],
                             out2.at[core].at[sl], wsem[k % 2])
        for k in range(nrb - 2, nrb):
            off, step = rb[k]
            sl = pl.ds(base + off, step)
            pltpu.make_async_copy(sb[k % 2].at[pl.ds(0, step)],
                                  out2.at[core].at[sl], wsem[k % 2]).wait()

    pl.run_scoped(
        _row_phase,
        pltpu.VMEM((G, DH), jnp.bfloat16),
        pltpu.VMEM((G, DH), jnp.bfloat16),
        pltpu.VMEM((G, DH), jnp.float32),
        pltpu.VMEM((G, DH), jnp.float32),
    )


def _phase_b(h2, asrc, adst, srcw, dstw, c16):
    mesh = plsc.VectorSubcoreMesh(core_axis_name="c", subcore_axis_name="s")
    return pl.kernel(
        _sc_body,
        out_type=[
            jax.ShapeDtypeStruct((2, NPAD, DH), jnp.float32),
            jax.ShapeDtypeStruct((16 * NPAD,), jnp.float32),
        ],
        mesh=mesh,
        compiler_params=pltpu.CompilerParams(
            needs_layout_passes=False, use_tc_tiling_on_sc=False),
        scratch_types=[
            pltpu.VMEM_SHARED((NPAD, DH), jnp.float32),
            pltpu.VMEM((EPW,), jnp.float32),
            pltpu.VMEM((16,), jnp.float32),
            pltpu.VMEM((G,), jnp.int32),
            pltpu.VMEM((G,), jnp.int32),
            pltpu.VMEM((G,), jnp.int32),
            pltpu.VMEM((G,), jnp.int32),
            pltpu.SemaphoreType.DMA,
            pltpu.SemaphoreType.DMA,
            pltpu.SemaphoreType.DMA,
            pltpu.SemaphoreType.DMA,
        ],
    )(h2, asrc, adst, srcw, dstw, c16)



_BLK_C = NPAD // 8


def _raw_block(out2_ref, dp_ref, bias_ref):
    den = jnp.sum(dp_ref[...], axis=0)[:, None]
    raw = jnp.concatenate([out2_ref[0], out2_ref[1]], axis=1)
    return raw / den + bias_ref[...]


def _bn_body(out2_ref, dp_ref, bias_ref, gamma_ref, beta_ref,
             stats_ref, o_ref):
    j = pl.program_id(0)
    i = pl.program_id(1)

    @pl.when((j == 0) & (i == 0))
    def _():
        stats_ref[...] = jnp.zeros_like(stats_ref)

    raw = _raw_block(out2_ref, dp_ref, bias_ref)

    @pl.when(j == 0)
    def _():
        rows = lax.broadcasted_iota(jnp.int32, (_BLK_C, 1), 0) + i * _BLK_C
        masked = jnp.where(rows < N, raw, 0.0)
        stats_ref[0:1, :] += jnp.sum(masked, axis=0)[None, :]
        stats_ref[1:2, :] += jnp.sum(masked * masked, axis=0)[None, :]

    @pl.when(j == 1)
    def _():
        mean = stats_ref[0:1, :] / N
        var = stats_ref[1:2, :] / N - mean * mean
        inv = lax.rsqrt(var + BN_EPS) * gamma_ref[...]
        o_ref[...] = (raw - mean) * inv + beta_ref[...]


def _phase_c(out2, den_parts, bias, gamma, beta):
    _, out = pl.pallas_call(
        _bn_body,
        grid=(2, 8),
        in_specs=[
            pl.BlockSpec((2, _BLK_C, DH), lambda j, i: (0, i, 0)),
            pl.BlockSpec((16, _BLK_C), lambda j, i: (0, i)),
            pl.BlockSpec((1, D), lambda j, i: (0, 0)),
            pl.BlockSpec((1, D), lambda j, i: (0, 0)),
            pl.BlockSpec((1, D), lambda j, i: (0, 0)),
        ],
        out_specs=[
            pl.BlockSpec((2, D), lambda j, i: (0, 0)),
            pl.BlockSpec((_BLK_C, D), lambda j, i: (i, 0)),
        ],
        out_shape=[
            jax.ShapeDtypeStruct((2, D), jnp.float32),
            jax.ShapeDtypeStruct((N, D), jnp.float32),
        ],
    )(out2, den_parts, bias.reshape(1, D), gamma.reshape(1, D),
      beta.reshape(1, D))
    return out



@jax.jit
def kernel(x, edge_index, W, att_src, att_dst, bias, gamma, beta):
    p = jnp.arange(D)
    q = p % 32
    sigma = p - q + jnp.where(q % 2 == 0, q // 2, 16 + q // 2)
    W = W[:, sigma]
    att_src = att_src[sigma]
    att_dst = att_dst[sigma]
    h2, asrc, adst = _phase_a(x, W, att_src, att_dst)
    asrc = asrc.reshape(N)
    adst = adst.reshape(N)

    loop = jnp.arange(N, dtype=jnp.int32)
    src = jnp.concatenate([edge_index[0].astype(jnp.int32), loop])
    dst = jnp.concatenate([edge_index[1].astype(jnp.int32), loop])
    src = jnp.pad(src, (0, NEPAD - NE)).reshape(NW, EPW)
    dst = jnp.pad(dst, (0, NEPAD - NE)).reshape(NW, EPW)

    c = jnp.maximum(jnp.max(asrc) + jnp.max(adst), 0.0)
    c16 = jnp.full((16,), c, jnp.float32)

    out2, den_parts = _phase_b(h2, asrc, adst, src, dst, c16)
    return _phase_c(out2, den_parts.reshape(16, NPAD), bias, gamma, beta)

# --- scband reference (transcript-rebuilt; emitter-appended) ---
"""Pipeline reference for scband-bn-gatconv-10247791968798 (READ-ONLY COPY).

The authoritative reference and input builder live on the scoring server;
editing this copy changes nothing except your own understanding.
"""

import jax, jax.numpy as jnp
import numpy as np

N = 10000
E = 160000
D_IN = 256
D_OUT = 256
NEG_SLOPE = 0.2
BN_EPS = 1e-5


def setup_inputs(seed: int = 0) -> dict:
    key = jax.random.key(seed)
    ks = jax.random.split(key, 8)
    x = jax.random.normal(ks[0], (N, D_IN), dtype=jnp.float32)
    edge_index = jax.random.randint(ks[1], (2, E), 0, N, dtype=jnp.int32)
    W = jax.random.normal(ks[2], (D_IN, D_OUT), dtype=jnp.float32) * (1.0 / np.sqrt(D_IN))
    att_src = jax.random.normal(ks[3], (D_OUT,), dtype=jnp.float32) * 0.1
    att_dst = jax.random.normal(ks[4], (D_OUT,), dtype=jnp.float32) * 0.1
    bias = jnp.zeros((D_OUT,), dtype=jnp.float32)
    gamma = jnp.ones((D_OUT,), dtype=jnp.float32)
    beta = jnp.zeros((D_OUT,), dtype=jnp.float32)
    return {"x": x, "edge_index": edge_index, "W": W, "att_src": att_src,
            "att_dst": att_dst, "bias": bias, "gamma": gamma, "beta": beta}


def reference(x, edge_index, W, att_src, att_dst, bias, gamma, beta):
    # GATConv (heads=1, concat=True, add_self_loops=True)
    h = x @ W                                   # [N, D_OUT]
    loop = jnp.arange(N, dtype=edge_index.dtype)
    src = jnp.concatenate([edge_index[0], loop])
    dst = jnp.concatenate([edge_index[1], loop])
    alpha_src = h @ att_src                     # [N]
    alpha_dst = h @ att_dst                     # [N]
    e = alpha_src[src] + alpha_dst[dst]         # [E+N]
    e = jax.nn.leaky_relu(e, NEG_SLOPE)
    # softmax over incoming edges per destination node
    e_max = jax.ops.segment_max(e, dst, num_segments=N)
    e = jnp.exp(e - e_max[dst])
    denom = jax.ops.segment_sum(e, dst, num_segments=N)
    alpha = e / (denom[dst] + 1e-16)
    out = jax.ops.segment_sum(h[src] * alpha[:, None], dst, num_segments=N)
    out = out + bias
    # BatchNorm1d (training mode, batch statistics)
    mean = out.mean(axis=0)
    var = out.var(axis=0)
    out = (out - mean) / jnp.sqrt(var + BN_EPS) * gamma + beta
    return out

if __name__ == "__main__":
    import jax
    _d = setup_inputs()
    print(jax.jit(kernel)(*tuple(_d.values())))

</pallas_src>

<mosaic_0001>
#map = affine_map<(d0, d1) -> (0, 0, 0)>
#map1 = affine_map<(d0, d1) -> (0)>
#map2 = affine_map<(d0, d1) -> (0, 0)>
module attributes {stable_mosaic.version = 14 : i64} {
  func.func @_sc_body(%arg0: i32, %arg1: i32, %arg2: memref<2x10000x128xbf16, #tpu.memory_space<hbm>>, %arg3: memref<10000xf32, #tpu.memory_space<hbm>>, %arg4: memref<10000xf32, #tpu.memory_space<hbm>>, %arg5: memref<16x10752xi32, #tpu.memory_space<hbm>>, %arg6: memref<16x10752xi32, #tpu.memory_space<hbm>>, %arg7: memref<16xf32, #tpu.memory_space<hbm>>, %arg8: memref<2x10240x128xf32, #tpu.memory_space<hbm>>, %arg9: memref<163840xf32, #tpu.memory_space<hbm>>, %arg10: memref<10240x128xf32, #tpu.memory_space<vmem_shared>>, %arg11: memref<10752xf32, #tpu.memory_space<vmem>>, %arg12: memref<16xf32, #tpu.memory_space<vmem>>, %arg13: memref<96xi32, #tpu.memory_space<vmem>>, %arg14: memref<96xi32, #tpu.memory_space<vmem>>, %arg15: memref<96xi32, #tpu.memory_space<vmem>>, %arg16: memref<96xi32, #tpu.memory_space<vmem>>, %arg17: memref<!tpu.dma_semaphore, #tpu.memory_space<semaphore_mem>>, %arg18: memref<!tpu.dma_semaphore, #tpu.memory_space<semaphore_mem>>, %arg19: memref<!tpu.dma_semaphore, #tpu.memory_space<semaphore_mem>>, %arg20: memref<!tpu.dma_semaphore, #tpu.memory_space<semaphore_mem>>) attributes {dimension_semantics = [#tpu.dimension_semantics<core_parallel>, #tpu.dimension_semantics<subcore_parallel>], iteration_bounds = array<i64: 2, 16>, scalar_prefetch = 0 : i64, scratch_operands = 11 : i64, tpu.core_type = #tpu.core_type<sc_vector_subcore>, window_params = [{transform_indices = #map}, {transform_indices = #map1}, {transform_indices = #map1}, {transform_indices = #map2}, {transform_indices = #map2}, {transform_indices = #map1}, {transform_indices = #map}, {transform_indices = #map1}]} {
    "tpu.region"() ({
      %run_scoped3A_4 = tpu.sem_alloc : memref<!tpu.dma_semaphore, #tpu.memory_space<semaphore_mem>>
      tpu.enqueue_dma source(%arg7 : memref<16xf32, #tpu.memory_space<hbm>>) target(%arg12 : memref<16xf32, #tpu.memory_space<vmem>>) target_semaphore(%run_scoped3A_4 : memref<!tpu.dma_semaphore, #tpu.memory_space<semaphore_mem>>)
      tpu.wait_dma2 semaphore(%run_scoped3A_4 : memref<!tpu.dma_semaphore, #tpu.memory_space<semaphore_mem>>) src(%arg7 : memref<16xf32, #tpu.memory_space<hbm>>) dst(%arg12 : memref<16xf32, #tpu.memory_space<vmem>>)
      tpu.yield
    }) : () -> ()
    %broadcast_in_dim3A = arith.constant 0.000000e+00 : f32
    %broadcast_in_dim3A_0 = vector.broadcast %broadcast_in_dim3A : f32 to vector<16xf32>
    %broadcast_in_dim3A_1 = arith.constant 1.000000e+00 : f32
    %broadcast_in_dim3A_2 = vector.broadcast %broadcast_in_dim3A_1 : f32 to vector<16xf32>
    %iota3A = tpu.iota {dimensions = array<i32: 0>} : vector<16xi32>
    %mul3A = arith.constant 640 : i32
    %mul3A_3 = arith.muli %arg1, %mul3A : i32
    %run_scoped3A = arith.constant 2.000000e-01 : f32
    "tpu.region"() ({
      %run_scoped3A_4 = memref.alloca() : memref<10000xf32, #tpu.memory_space<vmem>>
      %run_scoped3A_5 = memref.alloca() : memref<10000xf32, #tpu.memory_space<vmem>>
      %run_scoped3A_6 = memref.alloca() : memref<10240xf32, #tpu.memory_space<vmem>>
      %run_scoped3A_7 = memref.alloca() : memref<2688xi32, #tpu.memory_space<vmem>>
      %run_scoped3A_8 = memref.alloca() : memref<2688xi32, #tpu.memory_space<vmem>>
      "tpu.region"() ({
        %run_scoped3A_58 = tpu.sem_alloc : memref<!tpu.dma_semaphore, #tpu.memory_space<semaphore_mem>>
        tpu.enqueue_dma source(%arg3 : memref<10000xf32, #tpu.memory_space<hbm>>) target(%run_scoped3A_4 : memref<10000xf32, #tpu.memory_space<vmem>>) target_semaphore(%run_scoped3A_58 : memref<!tpu.dma_semaphore, #tpu.memory_space<semaphore_mem>>)
        tpu.wait_dma2 semaphore(%run_scoped3A_58 : memref<!tpu.dma_semaphore, #tpu.memory_space<semaphore_mem>>) src(%arg3 : memref<10000xf32, #tpu.memory_space<hbm>>) dst(%run_scoped3A_4 : memref<10000xf32, #tpu.memory_space<vmem>>)
        tpu.yield
      }) : () -> ()
      "tpu.region"() ({
        %run_scoped3A_58 = tpu.sem_alloc : memref<!tpu.dma_semaphore, #tpu.memory_space<semaphore_mem>>
        tpu.enqueue_dma source(%arg4 : memref<10000xf32, #tpu.memory_space<hbm>>) target(%run_scoped3A_5 : memref<10000xf32, #tpu.memory_space<vmem>>) target_semaphore(%run_scoped3A_58 : memref<!tpu.dma_semaphore, #tpu.memory_space<semaphore_mem>>)
        tpu.wait_dma2 semaphore(%run_scoped3A_58 : memref<!tpu.dma_semaphore, #tpu.memory_space<semaphore_mem>>) src(%arg4 : memref<10000xf32, #tpu.memory_space<hbm>>) dst(%run_scoped3A_5 : memref<10000xf32, #tpu.memory_space<vmem>>)
        tpu.yield
      }) : () -> ()
      %parallel_loop3A = arith.constant 0 : i32
      %parallel_loop3A_9 = arith.constant 625 : i32
      %parallel_loop3A_10 = arith.constant 1 : i32
      scf.for %parallel_loop3A_58 = %parallel_loop3A to %parallel_loop3A_9 step %parallel_loop3A_10  : i32 {
        %parallel_loop3A_59 = arith.constant 16 : i32
        %parallel_loop3A_60 = arith.muli %parallel_loop3A_58, %parallel_loop3A_59 : i32
        %parallel_loop3A_61 = arith.index_cast %parallel_loop3A_60 : i32 to index
        %parallel_loop3A_62 = tpu.vector_load %run_scoped3A_6[%parallel_loop3A_61] {strides = array<i32>} : memref<10240xf32, #tpu.memory_space<vmem>>, vector<16xf32>,
        tpu.vector_store %run_scoped3A_6[%parallel_loop3A_61], %broadcast_in_dim3A_0 {strides = array<i32>} : memref<10240xf32, #tpu.memory_space<vmem>>, vector<16xf32>,
      } {sc.loop_unroll_factor = 8 : i64, sc.parallel_access}
      %parallel_loop3A_11 = arith.constant 0 : i32
      %parallel_loop3A_12 = arith.constant 15 : i32
      %parallel_loop3A_13 = arith.constant 1 : i32
      scf.for %parallel_loop3A_58 = %parallel_loop3A_11 to %parallel_loop3A_12 step %parallel_loop3A_13  : i32 {
        %parallel_loop3A_59 = arith.constant 16 : i32
        %parallel_loop3A_60 = arith.muli %parallel_loop3A_58, %parallel_loop3A_59 : i32
        %parallel_loop3A_61 = arith.constant 10000 : i32
        %parallel_loop3A_62 = arith.addi %parallel_loop3A_61, %parallel_loop3A_60 : i32
        %parallel_loop3A_63 = arith.index_cast %parallel_loop3A_62 : i32 to index
        %parallel_loop3A_64 = tpu.vector_load %run_scoped3A_6[%parallel_loop3A_63] {strides = array<i32>} : memref<10240xf32, #tpu.memory_space<vmem>>, vector<16xf32>,
        tpu.vector_store %run_scoped3A_6[%parallel_loop3A_63], %broadcast_in_dim3A_2 {strides = array<i32>} : memref<10240xf32, #tpu.memory_space<vmem>>, vector<16xf32>,
      } {sc.loop_unroll_factor = 3 : i64, sc.parallel_access}
      "tpu.region"() ({
        %run_scoped3A_58 = tpu.sem_alloc : memref<!tpu.dma_semaphore, #tpu.memory_space<semaphore_mem>>
        %dma_start3A = arith.constant 0 : i32
        %dma_start3A_59 = tpu.memref_slice %arg5[%arg1, %dma_start3A] : memref<16x10752xi32, #tpu.memory_space<hbm>> -> memref<1x10752xi32, #tpu.memory_space<hbm>>
        %dma_start3A_60 = tpu.memref_squeeze %dma_start3A_59 : memref<1x10752xi32, #tpu.memory_space<hbm>> -> memref<10752xi32, #tpu.memory_space<hbm>>
        %dma_start3A_61 = arith.constant 0 : i32
        %dma_start3A_62 = tpu.memref_slice %dma_start3A_60[%dma_start3A_61] : memref<10752xi32, #tpu.memory_space<hbm>> -> memref<2688xi32, #tpu.memory_space<hbm>>
        %dma_start3A_63 = arith.constant 0 : i32
        %dma_start3A_64 = tpu.memref_slice %arg5[%arg1, %dma_start3A_63] : memref<16x10752xi32, #tpu.memory_space<hbm>> -> memref<1x10752xi32, #tpu.memory_space<hbm>>
        %dma_start3A_65 = tpu.memref_squeeze %dma_start3A_64 : memref<1x10752xi32, #tpu.memory_space<hbm>> -> memref<10752xi32, #tpu.memory_space<hbm>>
        %dma_start3A_66 = arith.constant 0 : i32
        %dma_start3A_67 = tpu.memref_slice %dma_start3A_65[%dma_start3A_66] : memref<10752xi32, #tpu.memory_space<hbm>> -> memref<2688xi32, #tpu.memory_space<hbm>>
        tpu.enqueue_dma source(%dma_start3A_67 : memref<2688xi32, #tpu.memory_space<hbm>>) target(%run_scoped3A_7 : memref<2688xi32, #tpu.memory_space<vmem>>) target_semaphore(%run_scoped3A_58 : memref<!tpu.dma_semaphore, #tpu.memory_space<semaphore_mem>>)
        %dma_wait3A = arith.constant 0 : i32
        %dma_wait3A_68 = tpu.memref_slice %arg5[%arg1, %dma_wait3A] : memref<16x10752xi32, #tpu.memory_space<hbm>> -> memref<1x10752xi32, #tpu.memory_space<hbm>>
        %dma_wait3A_69 = tpu.memref_squeeze %dma_wait3A_68 : memref<1x10752xi32, #tpu.memory_space<hbm>> -> memref<10752xi32, #tpu.memory_space<hbm>>
        %dma_wait3A_70 = arith.constant 0 : i32
        %dma_wait3A_71 = tpu.memref_slice %dma_wait3A_69[%dma_wait3A_70] : memref<10752xi32, #tpu.memory_space<hbm>> -> memref<2688xi32, #tpu.memory_space<hbm>>
        %dma_wait3A_72 = arith.constant 0 : i32
        %dma_wait3A_73 = tpu.memref_slice %arg5[%arg1, %dma_wait3A_72] : memref<16x10752xi32, #tpu.memory_space<hbm>> -> memref<1x10752xi32, #tpu.memory_space<hbm>>
        %dma_wait3A_74 = tpu.memref_squeeze %dma_wait3A_73 : memref<1x10752xi32, #tpu.memory_space<hbm>> -> memref<10752xi32, #tpu.memory_space<hbm>>
        %dma_wait3A_75 = arith.constant 0 : i32
        %dma_wait3A_76 = tpu.memref_slice %dma_wait3A_74[%dma_wait3A_75] : memref<10752xi32, #tpu.memory_space<hbm>> -> memref<2688xi32, #tpu.memory_space<hbm>>
        tpu.wait_dma2 semaphore(%run_scoped3A_58 : memref<!tpu.dma_semaphore, #tpu.memory_space<semaphore_mem>>) src(%dma_wait3A_76 : memref<2688xi32, #tpu.memory_space<hbm>>) dst(%run_scoped3A_7 : memref<2688xi32, #tpu.memory_space<vmem>>)
        tpu.yield
      }) : () -> ()
      "tpu.region"() ({
        %run_scoped3A_58 = tpu.sem_alloc : memref<!tpu.dma_semaphore, #tpu.memory_space<semaphore_mem>>
        %dma_start3A = arith.constant 0 : i32
        %dma_start3A_59 = tpu.memref_slice %arg6[%arg1, %dma_start3A] : memref<16x10752xi32, #tpu.memory_space<hbm>> -> memref<1x10752xi32, #tpu.memory_space<hbm>>
        %dma_start3A_60 = tpu.memref_squeeze %dma_start3A_59 : memref<1x10752xi32, #tpu.memory_space<hbm>> -> memref<10752xi32, #tpu.memory_space<hbm>>
        %dma_start3A_61 = arith.constant 0 : i32
        %dma_start3A_62 = tpu.memref_slice %dma_start3A_60[%dma_start3A_61] : memref<10752xi32, #tpu.memory_space<hbm>> -> memref<2688xi32, #tpu.memory_space<hbm>>
        %dma_start3A_63 = arith.constant 0 : i32
        %dma_start3A_64 = tpu.memref_slice %arg6[%arg1, %dma_start3A_63] : memref<16x10752xi32, #tpu.memory_space<hbm>> -> memref<1x10752xi32, #tpu.memory_space<hbm>>
        %dma_start3A_65 = tpu.memref_squeeze %dma_start3A_64 : memref<1x10752xi32, #tpu.memory_space<hbm>> -> memref<10752xi32, #tpu.memory_space<hbm>>
        %dma_start3A_66 = arith.constant 0 : i32
        %dma_start3A_67 = tpu.memref_slice %dma_start3A_65[%dma_start3A_66] : memref<10752xi32, #tpu.memory_space<hbm>> -> memref<2688xi32, #tpu.memory_space<hbm>>
        tpu.enqueue_dma source(%dma_start3A_67 : memref<2688xi32, #tpu.memory_space<hbm>>) target(%run_scoped3A_8 : memref<2688xi32, #tpu.memory_space<vmem>>) target_semaphore(%run_scoped3A_58 : memref<!tpu.dma_semaphore, #tpu.memory_space<semaphore_mem>>)
        %dma_wait3A = arith.constant 0 : i32
        %dma_wait3A_68 = tpu.memref_slice %arg6[%arg1, %dma_wait3A] : memref<16x10752xi32, #tpu.memory_space<hbm>> -> memref<1x10752xi32, #tpu.memory_space<hbm>>
        %dma_wait3A_69 = tpu.memref_squeeze %dma_wait3A_68 : memref<1x10752xi32, #tpu.memory_space<hbm>> -> memref<10752xi32, #tpu.memory_space<hbm>>
        %dma_wait3A_70 = arith.constant 0 : i32
        %dma_wait3A_71 = tpu.memref_slice %dma_wait3A_69[%dma_wait3A_70] : memref<10752xi32, #tpu.memory_space<hbm>> -> memref<2688xi32, #tpu.memory_space<hbm>>
        %dma_wait3A_72 = arith.constant 0 : i32
        %dma_wait3A_73 = tpu.memref_slice %arg6[%arg1, %dma_wait3A_72] : memref<16x10752xi32, #tpu.memory_space<hbm>> -> memref<1x10752xi32, #tpu.memory_space<hbm>>
        %dma_wait3A_74 = tpu.memref_squeeze %dma_wait3A_73 : memref<1x10752xi32, #tpu.memory_space<hbm>> -> memref<10752xi32, #tpu.memory_space<hbm>>
        %dma_wait3A_75 = arith.constant 0 : i32
        %dma_wait3A_76 = tpu.memref_slice %dma_wait3A_74[%dma_wait3A_75] : memref<10752xi32, #tpu.memory_space<hbm>> -> memref<2688xi32, #tpu.memory_space<hbm>>
        tpu.wait_dma2 semaphore(%run_scoped3A_58 : memref<!tpu.dma_semaphore, #tpu.memory_space<semaphore_mem>>) src(%dma_wait3A_76 : memref<2688xi32, #tpu.memory_space<hbm>>) dst(%run_scoped3A_8 : memref<2688xi32, #tpu.memory_space<vmem>>)
        tpu.yield
      }) : () -> ()
      %mul3A_14 = arith.constant 10752 : i32
      %mul3A_15 = arith.muli %arg1, %mul3A_14 : i32
      %add3A = arith.constant 0 : i32
      %add3A_16 = arith.addi %mul3A_15, %add3A : i32
      %scan3A = arith.constant 0 : i32
      %scan3A_17 = arith.constant 0 : i32
      %scan3A_18 = arith.constant 168 : i32
      %scan3A_19 = arith.addi %scan3A_17, %scan3A_18 : i32
      %scan3A_20 = arith.constant 1 : i32
      %scan3A_21 = scf.for %scan3A_58 = %scan3A_17 to %scan3A_19 step %scan3A_20 iter_args(%scan3A_59 = %scan3A) -> (i32)  : i32 {
        %mul3A_60 = arith.constant 16 : i32
        %mul3A_61 = arith.muli %scan3A_58, %mul3A_60 : i32
        %get3A = arith.index_cast %mul3A_61 : i32 to index
        %get3A_62 = tpu.vector_load %run_scoped3A_7[%get3A] {strides = array<i32>} : memref<2688xi32, #tpu.memory_space<vmem>>, vector<16xi32>,
        %mul3A_63 = arith.constant 16 : i32
        %mul3A_64 = arith.muli %scan3A_58, %mul3A_63 : i32
        %get3A_65 = arith.index_cast %mul3A_64 : i32 to index
        %get3A_66 = tpu.vector_load %run_scoped3A_8[%get3A_65] {strides = array<i32>} : memref<2688xi32, #tpu.memory_space<vmem>>, vector<16xi32>,
        %gather3A = tpu.vector_load_idx %run_scoped3A_4[%get3A_62] : memref<10000xf32, #tpu.memory_space<vmem>>[vector<16xi32>], vector<16xf32>,
        %gather3A_67 = tpu.vector_load_idx %run_scoped3A_5[%get3A_66] : memref<10000xf32, #tpu.memory_space<vmem>>[vector<16xi32>], vector<16xf32>,
        %add3A_68 = arith.addf %gather3A, %gather3A_67 : vector<16xf32>
        %ge3A = arith.constant 0.000000e+00 : f32
        %ge3A_69 = vector.broadcast %ge3A : f32 to vector<16xf32>
        %ge3A_70 = arith.cmpf oge, %add3A_68, %ge3A_69 : vector<16xf32>
        %mul3A_71 = vector.broadcast %run_scoped3A : f32 to vector<16xf32>
        %mul3A_72 = arith.mulf %add3A_68, %mul3A_71 : vector<16xf32>
        %select_n3A = arith.select %ge3A_70, %add3A_68, %mul3A_72 : vector<16xi1>, vector<16xf32>
        %get3A_73 = arith.constant 0 : index
        %get3A_74 = tpu.vector_load %arg12[%get3A_73] {strides = array<i32>} : memref<16xf32, #tpu.memory_space<vmem>>, vector<16xf32>,
        %sub3A = arith.subf %select_n3A, %get3A_74 : vector<16xf32>
        %exp3A = math.exp %sub3A : vector<16xf32>
        %mul3A_75 = arith.constant 16 : i32
        %mul3A_76 = arith.muli %scan3A_58, %mul3A_75 : i32
        %add3A_77 = arith.addi %add3A_16, %mul3A_76 : i32
        %add3A_78 = vector.broadcast %add3A_77 : i32 to vector<16xi32>
        %add3A_79 = arith.addi %add3A_78, %iota3A : vector<16xi32>
        %lt3A = arith.constant 170000 : i32
        %lt3A_80 = vector.broadcast %lt3A : i32 to vector<16xi32>
        %lt3A_81 = arith.cmpi slt, %add3A_79, %lt3A_80 : vector<16xi32>
        %jit3A = arith.constant 0.000000e+00 : f32
        %broadcast_in_dim3A_82 = vector.broadcast %jit3A : f32 to vector<16xf32>
        %select_n3A_83 = arith.select %lt3A_81, %exp3A, %broadcast_in_dim3A_82 : vector<16xi1>, vector<16xf32>
        %mul3A_84 = arith.constant 16 : i32
        %mul3A_85 = arith.muli %scan3A_58, %mul3A_84 : i32
        %add3A_86 = arith.constant 0 : i32
        %add3A_87 = arith.addi %add3A_86, %mul3A_85 : i32
        %swap3A = arith.index_cast %add3A_87 : i32 to index
        %swap3A_88 = tpu.vector_load %arg11[%swap3A] {strides = array<i32>} : memref<10752xf32, #tpu.memory_space<vmem>>, vector<16xf32>,
        tpu.vector_store %arg11[%swap3A], %select_n3A_83 {strides = array<i32>} : memref<10752xf32, #tpu.memory_space<vmem>>, vector<16xf32>,
        tpu.vector_store_idx %run_scoped3A_6[%get3A_66], %select_n3A_83 {add = true} : memref<10240xf32, #tpu.memory_space<vmem>>[vector<16xi32>], vector<16xf32>,
        %scan3A_89 = arith.constant 0 : i32
        scf.yield %scan3A_89 : i32
      }
      %scan3A_22 = arith.constant 168 : i32
      "tpu.region"() ({
        %run_scoped3A_58 = tpu.sem_alloc : memref<!tpu.dma_semaphore, #tpu.memory_space<semaphore_mem>>
        %dma_start3A = arith.constant 0 : i32
        %dma_start3A_59 = tpu.memref_slice %arg5[%arg1, %dma_start3A] : memref<16x10752xi32, #tpu.memory_space<hbm>> -> memref<1x10752xi32, #tpu.memory_space<hbm>>
        %dma_start3A_60 = tpu.memref_squeeze %dma_start3A_59 : memref<1x10752xi32, #tpu.memory_space<hbm>> -> memref<10752xi32, #tpu.memory_space<hbm>>
        %dma_start3A_61 = arith.constant 2688 : i32
        %dma_start3A_62 = tpu.memref_slice %dma_start3A_60[%dma_start3A_61] : memref<10752xi32, #tpu.memory_space<hbm>> -> memref<2688xi32, #tpu.memory_space<hbm>>
        %dma_start3A_63 = arith.constant 0 : i32
        %dma_start3A_64 = tpu.memref_slice %arg5[%arg1, %dma_start3A_63] : memref<16x10752xi32, #tpu.memory_space<hbm>> -> memref<1x10752xi32, #tpu.memory_space<hbm>>
        %dma_start3A_65 = tpu.memref_squeeze %dma_start3A_64 : memref<1x10752xi32, #tpu.memory_space<hbm>> -> memref<10752xi32, #tpu.memory_space<hbm>>
        %dma_start3A_66 = arith.constant 2688 : i32
        %dma_start3A_67 = tpu.memref_slice %dma_start3A_65[%dma_start3A_66] : memref<10752xi32, #tpu.memory_space<hbm>> -> memref<2688xi32, #tpu.memory_space<hbm>>
        tpu.enqueue_dma source(%dma_start3A_67 : memref<2688xi32, #tpu.memory_space<hbm>>) target(%run_scoped3A_7 : memref<2688xi32, #tpu.memory_space<vmem>>) target_semaphore(%run_scoped3A_58 : memref<!tpu.dma_semaphore, #tpu.memory_space<semaphore_mem>>)
        %dma_wait3A = arith.constant 0 : i32
        %dma_wait3A_68 = tpu.memref_slice %arg5[%arg1, %dma_wait3A] : memref<16x10752xi32, #tpu.memory_space<hbm>> -> memref<1x10752xi32, #tpu.memory_space<hbm>>
        %dma_wait3A_69 = tpu.memref_squeeze %dma_wait3A_68 : memref<1x10752xi32, #tpu.memory_space<hbm>> -> memref<10752xi32, #tpu.memory_space<hbm>>
        %dma_wait3A_70 = arith.constant 2688 : i32
        %dma_wait3A_71 = tpu.memref_slice %dma_wait3A_69[%dma_wait3A_70] : memref<10752xi32, #tpu.memory_space<hbm>> -> memref<2688xi32, #tpu.memory_space<hbm>>
        %dma_wait3A_72 = arith.constant 0 : i32
        %dma_wait3A_73 = tpu.memref_slice %arg5[%arg1, %dma_wait3A_72] : memref<16x10752xi32, #tpu.memory_space<hbm>> -> memref<1x10752xi32, #tpu.memory_space<hbm>>
        %dma_wait3A_74 = tpu.memref_squeeze %dma_wait3A_73 : memref<1x10752xi32, #tpu.memory_space<hbm>> -> memref<10752xi32, #tpu.memory_space<hbm>>
        %dma_wait3A_75 = arith.constant 2688 : i32
        %dma_wait3A_76 = tpu.memref_slice %dma_wait3A_74[%dma_wait3A_75] : memref<10752xi32, #tpu.memory_space<hbm>> -> memref<2688xi32, #tpu.memory_space<hbm>>
        tpu.wait_dma2 semaphore(%run_scoped3A_58 : memref<!tpu.dma_semaphore, #tpu.memory_space<semaphore_mem>>) src(%dma_wait3A_76 : memref<2688xi32, #tpu.memory_space<hbm>>) dst(%run_scoped3A_7 : memref<2688xi32, #tpu.memory_space<vmem>>)
        tpu.yield
      }) : () -> ()
      "tpu.region"() ({
        %run_scoped3A_58 = tpu.sem_alloc : memref<!tpu.dma_semaphore, #tpu.memory_space<semaphore_mem>>
        %dma_start3A = arith.constant 0 : i32
        %dma_start3A_59 = tpu.memref_slice %arg6[%arg1, %dma_start3A] : memref<16x10752xi32, #tpu.memory_space<hbm>> -> memref<1x10752xi32, #tpu.memory_space<hbm>>
        %dma_start3A_60 = tpu.memref_squeeze %dma_start3A_59 : memref<1x10752xi32, #tpu.memory_space<hbm>> -> memref<10752xi32, #tpu.memory_space<hbm>>
        %dma_start3A_61 = arith.constant 2688 : i32
        %dma_start3A_62 = tpu.memref_slice %dma_start3A_60[%dma_start3A_61] : memref<10752xi32, #tpu.memory_space<hbm>> -> memref<2688xi32, #tpu.memory_space<hbm>>
        %dma_start3A_63 = arith.constant 0 : i32
        %dma_start3A_64 = tpu.memref_slice %arg6[%arg1, %dma_start3A_63] : memref<16x10752xi32, #tpu.memory_space<hbm>> -> memref<1x10752xi32, #tpu.memory_space<hbm>>
        %dma_start3A_65 = tpu.memref_squeeze %dma_start3A_64 : memref<1x10752xi32, #tpu.memory_space<hbm>> -> memref<10752xi32, #tpu.memory_space<hbm>>
        %dma_start3A_66 = arith.constant 2688 : i32
        %dma_start3A_67 = tpu.memref_slice %dma_start3A_65[%dma_start3A_66] : memref<10752xi32, #tpu.memory_space<hbm>> -> memref<2688xi32, #tpu.memory_space<hbm>>
        tpu.enqueue_dma source(%dma_start3A_67 : memref<2688xi32, #tpu.memory_space<hbm>>) target(%run_scoped3A_8 : memref<2688xi32, #tpu.memory_space<vmem>>) target_semaphore(%run_scoped3A_58 : memref<!tpu.dma_semaphore, #tpu.memory_space<semaphore_mem>>)
        %dma_wait3A = arith.constant 0 : i32
        %dma_wait3A_68 = tpu.memref_slice %arg6[%arg1, %dma_wait3A] : memref<16x10752xi32, #tpu.memory_space<hbm>> -> memref<1x10752xi32, #tpu.memory_space<hbm>>
        %dma_wait3A_69 = tpu.memref_squeeze %dma_wait3A_68 : memref<1x10752xi32, #tpu.memory_space<hbm>> -> memref<10752xi32, #tpu.memory_space<hbm>>
        %dma_wait3A_70 = arith.constant 2688 : i32
        %dma_wait3A_71 = tpu.memref_slice %dma_wait3A_69[%dma_wait3A_70] : memref<10752xi32, #tpu.memory_space<hbm>> -> memref<2688xi32, #tpu.memory_space<hbm>>
        %dma_wait3A_72 = arith.constant 0 : i32
        %dma_wait3A_73 = tpu.memref_slice %arg6[%arg1, %dma_wait3A_72] : memref<16x10752xi32, #tpu.memory_space<hbm>> -> memref<1x10752xi32, #tpu.memory_space<hbm>>
        %dma_wait3A_74 = tpu.memref_squeeze %dma_wait3A_73 : memref<1x10752xi32, #tpu.memory_space<hbm>> -> memref<10752xi32, #tpu.memory_space<hbm>>
        %dma_wait3A_75 = arith.constant 2688 : i32
        %dma_wait3A_76 = tpu.memref_slice %dma_wait3A_74[%dma_wait3A_75] : memref<10752xi32, #tpu.memory_space<hbm>> -> memref<2688xi32, #tpu.memory_space<hbm>>
        tpu.wait_dma2 semaphore(%run_scoped3A_58 : memref<!tpu.dma_semaphore, #tpu.memory_space<semaphore_mem>>) src(%dma_wait3A_76 : memref<2688xi32, #tpu.memory_space<hbm>>) dst(%run_scoped3A_8 : memref<2688xi32, #tpu.memory_space<vmem>>)
        tpu.yield
      }) : () -> ()
      %mul3A_23 = arith.constant 10752 : i32
      %mul3A_24 = arith.muli %arg1, %mul3A_23 : i32
      %add3A_25 = arith.constant 2688 : i32
      %add3A_26 = arith.addi %mul3A_24, %add3A_25 : i32
      %scan3A_27 = arith.constant 0 : i32
      %scan3A_28 = arith.constant 0 : i32
      %scan3A_29 = arith.constant 168 : i32
      %scan3A_30 = arith.addi %scan3A_28, %scan3A_29 : i32
      %scan3A_31 = arith.constant 1 : i32
      %scan3A_32 = scf.for %scan3A_58 = %scan3A_28 to %scan3A_30 step %scan3A_31 iter_args(%scan3A_59 = %scan3A_27) -> (i32)  : i32 {
        %mul3A_60 = arith.constant 16 : i32
        %mul3A_61 = arith.muli %scan3A_58, %mul3A_60 : i32
        %get3A = arith.index_cast %mul3A_61 : i32 to index
        %get3A_62 = tpu.vector_load %run_scoped3A_7[%get3A] {strides = array<i32>} : memref<2688xi32, #tpu.memory_space<vmem>>, vector<16xi32>,
        %mul3A_63 = arith.constant 16 : i32
        %mul3A_64 = arith.muli %scan3A_58, %mul3A_63 : i32
        %get3A_65 = arith.index_cast %mul3A_64 : i32 to index
        %get3A_66 = tpu.vector_load %run_scoped3A_8[%get3A_65] {strides = array<i32>} : memref<2688xi32, #tpu.memory_space<vmem>>, vector<16xi32>,
        %gather3A = tpu.vector_load_idx %run_scoped3A_4[%get3A_62] : memref<10000xf32, #tpu.memory_space<vmem>>[vector<16xi32>], vector<16xf32>,
        %gather3A_67 = tpu.vector_load_idx %run_scoped3A_5[%get3A_66] : memref<10000xf32, #tpu.memory_space<vmem>>[vector<16xi32>], vector<16xf32>,
        %add3A_68 = arith.addf %gather3A, %gather3A_67 : vector<16xf32>
        %ge3A = arith.constant 0.000000e+00 : f32
        %ge3A_69 = vector.broadcast %ge3A : f32 to vector<16xf32>
        %ge3A_70 = arith.cmpf oge, %add3A_68, %ge3A_69 : vector<16xf32>
        %mul3A_71 = vector.broadcast %run_scoped3A : f32 to vector<16xf32>
        %mul3A_72 = arith.mulf %add3A_68, %mul3A_71 : vector<16xf32>
        %select_n3A = arith.select %ge3A_70, %add3A_68, %mul3A_72 : vector<16xi1>, vector<16xf32>
        %get3A_73 = arith.constant 0 : index
        %get3A_74 = tpu.vector_load %arg12[%get3A_73] {strides = array<i32>} : memref<16xf32, #tpu.memory_space<vmem>>, vector<16xf32>,
        %sub3A = arith.subf %select_n3A, %get3A_74 : vector<16xf32>
        %exp3A = math.exp %sub3A : vector<16xf32>
        %mul3A_75 = arith.constant 16 : i32
        %mul3A_76 = arith.muli %scan3A_58, %mul3A_75 : i32
        %add3A_77 = arith.addi %add3A_26, %mul3A_76 : i32
        %add3A_78 = vector.broadcast %add3A_77 : i32 to vector<16xi32>
        %add3A_79 = arith.addi %add3A_78, %iota3A : vector<16xi32>
        %lt3A = arith.constant 170000 : i32
        %lt3A_80 = vector.broadcast %lt3A : i32 to vector<16xi32>
        %lt3A_81 = arith.cmpi slt, %add3A_79, %lt3A_80 : vector<16xi32>
        %jit3A = arith.constant 0.000000e+00 : f32
        %broadcast_in_dim3A_82 = vector.broadcast %jit3A : f32 to vector<16xf32>
        %select_n3A_83 = arith.select %lt3A_81, %exp3A, %broadcast_in_dim3A_82 : vector<16xi1>, vector<16xf32>
        %mul3A_84 = arith.constant 16 : i32
        %mul3A_85 = arith.muli %scan3A_58, %mul3A_84 : i32
        %add3A_86 = arith.constant 2688 : i32
        %add3A_87 = arith.addi %add3A_86, %mul3A_85 : i32
        %swap3A = arith.index_cast %add3A_87 : i32 to index
        %swap3A_88 = tpu.vector_load %arg11[%swap3A] {strides = array<i32>} : memref<10752xf32, #tpu.memory_space<vmem>>, vector<16xf32>,
        tpu.vector_store %arg11[%swap3A], %select_n3A_83 {strides = array<i32>} : memref<10752xf32, #tpu.memory_space<vmem>>, vector<16xf32>,
        tpu.vector_store_idx %run_scoped3A_6[%get3A_66], %select_n3A_83 {add = true} : memref<10240xf32, #tpu.memory_space<vmem>>[vector<16xi32>], vector<16xf32>,
        %scan3A_89 = arith.constant 0 : i32
        scf.yield %scan3A_89 : i32
      }
      %scan3A_33 = arith.constant 168 : i32
      "tpu.region"() ({
        %run_scoped3A_58 = tpu.sem_alloc : memref<!tpu.dma_semaphore, #tpu.memory_space<semaphore_mem>>
        %dma_start3A = arith.constant 0 : i32
        %dma_start3A_59 = tpu.memref_slice %arg5[%arg1, %dma_start3A] : memref<16x10752xi32, #tpu.memory_space<hbm>> -> memref<1x10752xi32, #tpu.memory_space<hbm>>
        %dma_start3A_60 = tpu.memref_squeeze %dma_start3A_59 : memref<1x10752xi32, #tpu.memory_space<hbm>> -> memref<10752xi32, #tpu.memory_space<hbm>>
        %dma_start3A_61 = arith.constant 5376 : i32
        %dma_start3A_62 = tpu.memref_slice %dma_start3A_60[%dma_start3A_61] : memref<10752xi32, #tpu.memory_space<hbm>> -> memref<2688xi32, #tpu.memory_space<hbm>>
        %dma_start3A_63 = arith.constant 0 : i32
        %dma_start3A_64 = tpu.memref_slice %arg5[%arg1, %dma_start3A_63] : memref<16x10752xi32, #tpu.memory_space<hbm>> -> memref<1x10752xi32, #tpu.memory_space<hbm>>
        %dma_start3A_65 = tpu.memref_squeeze %dma_start3A_64 : memref<1x10752xi32, #tpu.memory_space<hbm>> -> memref<10752xi32, #tpu.memory_space<hbm>>
        %dma_start3A_66 = arith.constant 5376 : i32
        %dma_start3A_67 = tpu.memref_slice %dma_start3A_65[%dma_start3A_66] : memref<10752xi32, #tpu.memory_space<hbm>> -> memref<2688xi32, #tpu.memory_space<hbm>>
        tpu.enqueue_dma source(%dma_start3A_67 : memref<2688xi32, #tpu.memory_space<hbm>>) target(%run_scoped3A_7 : memref<2688xi32, #tpu.memory_space<vmem>>) target_semaphore(%run_scoped3A_58 : memref<!tpu.dma_semaphore, #tpu.memory_space<semaphore_mem>>)
        %dma_wait3A = arith.constant 0 : i32
        %dma_wait3A_68 = tpu.memref_slice %arg5[%arg1, %dma_wait3A] : memref<16x10752xi32, #tpu.memory_space<hbm>> -> memref<1x10752xi32, #tpu.memory_space<hbm>>
        %dma_wait3A_69 = tpu.memref_squeeze %dma_wait3A_68 : memref<1x10752xi32, #tpu.memory_space<hbm>> -> memref<10752xi32, #tpu.memory_space<hbm>>
        %dma_wait3A_70 = arith.constant 5376 : i32
        %dma_wait3A_71 = tpu.memref_slice %dma_wait3A_69[%dma_wait3A_70] : memref<10752xi32, #tpu.memory_space<hbm>> -> memref<2688xi32, #tpu.memory_space<hbm>>
        %dma_wait3A_72 = arith.constant 0 : i32
        %dma_wait3A_73 = tpu.memref_slice %arg5[%arg1, %dma_wait3A_72] : memref<16x10752xi32, #tpu.memory_space<hbm>> -> memref<1x10752xi32, #tpu.memory_space<hbm>>
        %dma_wait3A_74 = tpu.memref_squeeze %dma_wait3A_73 : memref<1x10752xi32, #tpu.memory_space<hbm>> -> memref<10752xi32, #tpu.memory_space<hbm>>
        %dma_wait3A_75 = arith.constant 5376 : i32
        %dma_wait3A_76 = tpu.memref_slice %dma_wait3A_74[%dma_wait3A_75] : memref<10752xi32, #tpu.memory_space<hbm>> -> memref<2688xi32, #tpu.memory_space<hbm>>
        tpu.wait_dma2 semaphore(%run_scoped3A_58 : memref<!tpu.dma_semaphore, #tpu.memory_space<semaphore_mem>>) src(%dma_wait3A_76 : memref<2688xi32, #tpu.memory_space<hbm>>) dst(%run_scoped3A_7 : memref<2688xi32, #tpu.memory_space<vmem>>)
        tpu.yield
      }) : () -> ()
      "tpu.region"() ({
        %run_scoped3A_58 = tpu.sem_alloc : memref<!tpu.dma_semaphore, #tpu.memory_space<semaphore_mem>>
        %dma_start3A = arith.constant 0 : i32
        %dma_start3A_59 = tpu.memref_slice %arg6[%arg1, %dma_start3A] : memref<16x10752xi32, #tpu.memory_space<hbm>> -> memref<1x10752xi32, #tpu.memory_space<hbm>>
        %dma_start3A_60 = tpu.memref_squeeze %dma_start3A_59 : memref<1x10752xi32, #tpu.memory_space<hbm>> -> memref<10752xi32, #tpu.memory_space<hbm>>
        %dma_start3A_61 = arith.constant 5376 : i32
        %dma_start3A_62 = tpu.memref_slice %dma_start3A_60[%dma_start3A_61] : memref<10752xi32, #tpu.memory_space<hbm>> -> memref<2688xi32, #tpu.memory_space<hbm>>
        %dma_start3A_63 = arith.constant 0 : i32
        %dma_start3A_64 = tpu.memref_slice %arg6[%arg1, %dma_start3A_63] : memref<16x10752xi32, #tpu.memory_space<hbm>> -> memref<1x10752xi32, #tpu.memory_space<hbm>>
        %dma_start3A_65 = tpu.memref_squeeze %dma_start3A_64 : memref<1x10752xi32, #tpu.memory_space<hbm>> -> memref<10752xi32, #tpu.memory_space<hbm>>
        %dma_start3A_66 = arith.constant 5376 : i32
        %dma_start3A_67 = tpu.memref_slice %dma_start3A_65[%dma_start3A_66] : memref<10752xi32, #tpu.memory_space<hbm>> -> memref<2688xi32, #tpu.memory_space<hbm>>
        tpu.enqueue_dma source(%dma_start3A_67 : memref<2688xi32, #tpu.memory_space<hbm>>) target(%run_scoped3A_8 : memref<2688xi32, #tpu.memory_space<vmem>>) target_semaphore(%run_scoped3A_58 : memref<!tpu.dma_semaphore, #tpu.memory_space<semaphore_mem>>)
        %dma_wait3A = arith.constant 0 : i32
        %dma_wait3A_68 = tpu.memref_slice %arg6[%arg1, %dma_wait3A] : memref<16x10752xi32, #tpu.memory_space<hbm>> -> memref<1x10752xi32, #tpu.memory_space<hbm>>
        %dma_wait3A_69 = tpu.memref_squeeze %dma_wait3A_68 : memref<1x10752xi32, #tpu.memory_space<hbm>> -> memref<10752xi32, #tpu.memory_space<hbm>>
        %dma_wait3A_70 = arith.constant 5376 : i32
        %dma_wait3A_71 = tpu.memref_slice %dma_wait3A_69[%dma_wait3A_70] : memref<10752xi32, #tpu.memory_space<hbm>> -> memref<2688xi32, #tpu.memory_space<hbm>>
        %dma_wait3A_72 = arith.constant 0 : i32
        %dma_wait3A_73 = tpu.memref_slice %arg6[%arg1, %dma_wait3A_72] : memref<16x10752xi32, #tpu.memory_space<hbm>> -> memref<1x10752xi32, #tpu.memory_space<hbm>>
        %dma_wait3A_74 = tpu.memref_squeeze %dma_wait3A_73 : memref<1x10752xi32, #tpu.memory_space<hbm>> -> memref<10752xi32, #tpu.memory_space<hbm>>
        %dma_wait3A_75 = arith.constant 5376 : i32
        %dma_wait3A_76 = tpu.memref_slice %dma_wait3A_74[%dma_wait3A_75] : memref<10752xi32, #tpu.memory_space<hbm>> -> memref<2688xi32, #tpu.memory_space<hbm>>
        tpu.wait_dma2 semaphore(%run_scoped3A_58 : memref<!tpu.dma_semaphore, #tpu.memory_space<semaphore_mem>>) src(%dma_wait3A_76 : memref<2688xi32, #tpu.memory_space<hbm>>) dst(%run_scoped3A_8 : memref<2688xi32, #tpu.memory_space<vmem>>)
        tpu.yield
      }) : () -> ()
      %mul3A_34 = arith.constant 10752 : i32
      %mul3A_35 = arith.muli %arg1, %mul3A_34 : i32
      %add3A_36 = arith.constant 5376 : i32
      %add3A_37 = arith.addi %mul3A_35, %add3A_36 : i32
      %scan3A_38 = arith.constant 0 : i32
      %scan3A_39 = arith.constant 0 : i32
      %scan3A_40 = arith.constant 168 : i32
      %scan3A_41 = arith.addi %scan3A_39, %scan3A_40 : i32
      %scan3A_42 = arith.constant 1 : i32
      %scan3A_43 = scf.for %scan3A_58 = %scan3A_39 to %scan3A_41 step %scan3A_42 iter_args(%scan3A_59 = %scan3A_38) -> (i32)  : i32 {
        %mul3A_60 = arith.constant 16 : i32
        %mul3A_61 = arith.muli %scan3A_58, %mul3A_60 : i32
        %get3A = arith.index_cast %mul3A_61 : i32 to index
        %get3A_62 = tpu.vector_load %run_scoped3A_7[%get3A] {strides = array<i32>} : memref<2688xi32, #tpu.memory_space<vmem>>, vector<16xi32>,
        %mul3A_63 = arith.constant 16 : i32
        %mul3A_64 = arith.muli %scan3A_58, %mul3A_63 : i32
        %get3A_65 = arith.index_cast %mul3A_64 : i32 to index
        %get3A_66 = tpu.vector_load %run_scoped3A_8[%get3A_65] {strides = array<i32>} : memref<2688xi32, #tpu.memory_space<vmem>>, vector<16xi32>,
        %gather3A = tpu.vector_load_idx %run_scoped3A_4[%get3A_62] : memref<10000xf32, #tpu.memory_space<vmem>>[vector<16xi32>], vector<16xf32>,
        %gather3A_67 = tpu.vector_load_idx %run_scoped3A_5[%get3A_66] : memref<10000xf32, #tpu.memory_space<vmem>>[vector<16xi32>], vector<16xf32>,
        %add3A_68 = arith.addf %gather3A, %gather3A_67 : vector<16xf32>
        %ge3A = arith.constant 0.000000e+00 : f32
        %ge3A_69 = vector.broadcast %ge3A : f32 to vector<16xf32>
        %ge3A_70 = arith.cmpf oge, %add3A_68, %ge3A_69 : vector<16xf32>
        %mul3A_71 = vector.broadcast %run_scoped3A : f32 to vector<16xf32>
        %mul3A_72 = arith.mulf %add3A_68, %mul3A_71 : vector<16xf32>
        %select_n3A = arith.select %ge3A_70, %add3A_68, %mul3A_72 : vector<16xi1>, vector<16xf32>
        %get3A_73 = arith.constant 0 : index
        %get3A_74 = tpu.vector_load %arg12[%get3A_73] {strides = array<i32>} : memref<16xf32, #tpu.memory_space<vmem>>, vector<16xf32>,
        %sub3A = arith.subf %select_n3A, %get3A_74 : vector<16xf32>
        %exp3A = math.exp %sub3A : vector<16xf32>
        %mul3A_75 = arith.constant 16 : i32
        %mul3A_76 = arith.muli %scan3A_58, %mul3A_75 : i32
        %add3A_77 = arith.addi %add3A_37, %mul3A_76 : i32
        %add3A_78 = vector.broadcast %add3A_77 : i32 to vector<16xi32>
        %add3A_79 = arith.addi %add3A_78, %iota3A : vector<16xi32>
        %lt3A = arith.constant 170000 : i32
        %lt3A_80 = vector.broadcast %lt3A : i32 to vector<16xi32>
        %lt3A_81 = arith.cmpi slt, %add3A_79, %lt3A_80 : vector<16xi32>
        %jit3A = arith.constant 0.000000e+00 : f32
        %broadcast_in_dim3A_82 = vector.broadcast %jit3A : f32 to vector<16xf32>
        %select_n3A_83 = arith.select %lt3A_81, %exp3A, %broadcast_in_dim3A_82 : vector<16xi1>, vector<16xf32>
        %mul3A_84 = arith.constant 16 : i32
        %mul3A_85 = arith.muli %scan3A_58, %mul3A_84 : i32
        %add3A_86 = arith.constant 5376 : i32
        %add3A_87 = arith.addi %add3A_86, %mul3A_85 : i32
        %swap3A = arith.index_cast %add3A_87 : i32 to index
        %swap3A_88 = tpu.vector_load %arg11[%swap3A] {strides = array<i32>} : memref<10752xf32, #tpu.memory_space<vmem>>, vector<16xf32>,
        tpu.vector_store %arg11[%swap3A], %select_n3A_83 {strides = array<i32>} : memref<10752xf32, #tpu.memory_space<vmem>>, vector<16xf32>,
        tpu.vector_store_idx %run_scoped3A_6[%get3A_66], %select_n3A_83 {add = true} : memref<10240xf32, #tpu.memory_space<vmem>>[vector<16xi32>], vector<16xf32>,
        %scan3A_89 = arith.constant 0 : i32
        scf.yield %scan3A_89 : i32
      }
      %scan3A_44 = arith.constant 168 : i32
      "tpu.region"() ({
        %run_scoped3A_58 = tpu.sem_alloc : memref<!tpu.dma_semaphore, #tpu.memory_space<semaphore_mem>>
        %dma_start3A = arith.constant 0 : i32
        %dma_start3A_59 = tpu.memref_slice %arg5[%arg1, %dma_start3A] : memref<16x10752xi32, #tpu.memory_space<hbm>> -> memref<1x10752xi32, #tpu.memory_space<hbm>>
        %dma_start3A_60 = tpu.memref_squeeze %dma_start3A_59 : memref<1x10752xi32, #tpu.memory_space<hbm>> -> memref<10752xi32, #tpu.memory_space<hbm>>
        %dma_start3A_61 = arith.constant 8064 : i32
        %dma_start3A_62 = tpu.memref_slice %dma_start3A_60[%dma_start3A_61] : memref<10752xi32, #tpu.memory_space<hbm>> -> memref<2688xi32, #tpu.memory_space<hbm>>
        %dma_start3A_63 = arith.constant 0 : i32
        %dma_start3A_64 = tpu.memref_slice %arg5[%arg1, %dma_start3A_63] : memref<16x10752xi32, #tpu.memory_space<hbm>> -> memref<1x10752xi32, #tpu.memory_space<hbm>>
        %dma_start3A_65 = tpu.memref_squeeze %dma_start3A_64 : memref<1x10752xi32, #tpu.memory_space<hbm>> -> memref<10752xi32, #tpu.memory_space<hbm>>
        %dma_start3A_66 = arith.constant 8064 : i32
        %dma_start3A_67 = tpu.memref_slice %dma_start3A_65[%dma_start3A_66] : memref<10752xi32, #tpu.memory_space<hbm>> -> memref<2688xi32, #tpu.memory_space<hbm>>
        tpu.enqueue_dma source(%dma_start3A_67 : memref<2688xi32, #tpu.memory_space<hbm>>) target(%run_scoped3A_7 : memref<2688xi32, #tpu.memory_space<vmem>>) target_semaphore(%run_scoped3A_58 : memref<!tpu.dma_semaphore, #tpu.memory_space<semaphore_mem>>)
        %dma_wait3A = arith.constant 0 : i32
        %dma_wait3A_68 = tpu.memref_slice %arg5[%arg1, %dma_wait3A] : memref<16x10752xi32, #tpu.memory_space<hbm>> -> memref<1x10752xi32, #tpu.memory_space<hbm>>
        %dma_wait3A_69 = tpu.memref_squeeze %dma_wait3A_68 : memref<1x10752xi32, #tpu.memory_space<hbm>> -> memref<10752xi32, #tpu.memory_space<hbm>>
        %dma_wait3A_70 = arith.constant 8064 : i32
        %dma_wait3A_71 = tpu.memref_slice %dma_wait3A_69[%dma_wait3A_70] : memref<10752xi32, #tpu.memory_space<hbm>> -> memref<2688xi32, #tpu.memory_space<hbm>>
        %dma_wait3A_72 = arith.constant 0 : i32
        %dma_wait3A_73 = tpu.memref_slice %arg5[%arg1, %dma_wait3A_72] : memref<16x10752xi32, #tpu.memory_space<hbm>> -> memref<1x10752xi32, #tpu.memory_space<hbm>>
        %dma_wait3A_74 = tpu.memref_squeeze %dma_wait3A_73 : memref<1x10752xi32, #tpu.memory_space<hbm>> -> memref<10752xi32, #tpu.memory_space<hbm>>
        %dma_wait3A_75 = arith.constant 8064 : i32
        %dma_wait3A_76 = tpu.memref_slice %dma_wait3A_74[%dma_wait3A_75] : memref<10752xi32, #tpu.memory_space<hbm>> -> memref<2688xi32, #tpu.memory_space<hbm>>
        tpu.wait_dma2 semaphore(%run_scoped3A_58 : memref<!tpu.dma_semaphore, #tpu.memory_space<semaphore_mem>>) src(%dma_wait3A_76 : memref<2688xi32, #tpu.memory_space<hbm>>) dst(%run_scoped3A_7 : memref<2688xi32, #tpu.memory_space<vmem>>)
        tpu.yield
      }) : () -> ()
      "tpu.region"() ({
        %run_scoped3A_58 = tpu.sem_alloc : memref<!tpu.dma_semaphore, #tpu.memory_space<semaphore_mem>>
        %dma_start3A = arith.constant 0 : i32
        %dma_start3A_59 = tpu.memref_slice %arg6[%arg1, %dma_start3A] : memref<16x10752xi32, #tpu.memory_space<hbm>> -> memref<1x10752xi32, #tpu.memory_space<hbm>>
        %dma_start3A_60 = tpu.memref_squeeze %dma_start3A_59 : memref<1x10752xi32, #tpu.memory_space<hbm>> -> memref<10752xi32, #tpu.memory_space<hbm>>
        %dma_start3A_61 = arith.constant 8064 : i32
        %dma_start3A_62 = tpu.memref_slice %dma_start3A_60[%dma_start3A_61] : memref<10752xi32, #tpu.memory_space<hbm>> -> memref<2688xi32, #tpu.memory_space<hbm>>
        %dma_start3A_63 = arith.constant 0 : i32
        %dma_start3A_64 = tpu.memref_slice %arg6[%arg1, %dma_start3A_63] : memref<16x10752xi32, #tpu.memory_space<hbm>> -> memref<1x10752xi32, #tpu.memory_space<hbm>>
        %dma_start3A_65 = tpu.memref_squeeze %dma_start3A_64 : memref<1x10752xi32, #tpu.memory_space<hbm>> -> memref<10752xi32, #tpu.memory_space<hbm>>
        %dma_start3A_66 = arith.constant 8064 : i32
        %dma_start3A_67 = tpu.memref_slice %dma_start3A_65[%dma_start3A_66] : memref<10752xi32, #tpu.memory_space<hbm>> -> memref<2688xi32, #tpu.memory_space<hbm>>
        tpu.enqueue_dma source(%dma_start3A_67 : memref<2688xi32, #tpu.memory_space<hbm>>) target(%run_scoped3A_8 : memref<2688xi32, #tpu.memory_space<vmem>>) target_semaphore(%run_scoped3A_58 : memref<!tpu.dma_semaphore, #tpu.memory_space<semaphore_mem>>)
        %dma_wait3A = arith.constant 0 : i32
        %dma_wait3A_68 = tpu.memref_slice %arg6[%arg1, %dma_wait3A] : memref<16x10752xi32, #tpu.memory_space<hbm>> -> memref<1x10752xi32, #tpu.memory_space<hbm>>
        %dma_wait3A_69 = tpu.memref_squeeze %dma_wait3A_68 : memref<1x10752xi32, #tpu.memory_space<hbm>> -> memref<10752xi32, #tpu.memory_space<hbm>>
        %dma_wait3A_70 = arith.constant 8064 : i32
        %dma_wait3A_71 = tpu.memref_slice %dma_wait3A_69[%dma_wait3A_70] : memref<10752xi32, #tpu.memory_space<hbm>> -> memref<2688xi32, #tpu.memory_space<hbm>>
        %dma_wait3A_72 = arith.constant 0 : i32
        %dma_wait3A_73 = tpu.memref_slice %arg6[%arg1, %dma_wait3A_72] : memref<16x10752xi32, #tpu.memory_space<hbm>> -> memref<1x10752xi32, #tpu.memory_space<hbm>>
        %dma_wait3A_74 = tpu.memref_squeeze %dma_wait3A_73 : memref<1x10752xi32, #tpu.memory_space<hbm>> -> memref<10752xi32, #tpu.memory_space<hbm>>
        %dma_wait3A_75 = arith.constant 8064 : i32
        %dma_wait3A_76 = tpu.memref_slice %dma_wait3A_74[%dma_wait3A_75] : memref<10752xi32, #tpu.memory_space<hbm>> -> memref<2688xi32, #tpu.memory_space<hbm>>
        tpu.wait_dma2 semaphore(%run_scoped3A_58 : memref<!tpu.dma_semaphore, #tpu.memory_space<semaphore_mem>>) src(%dma_wait3A_76 : memref<2688xi32, #tpu.memory_space<hbm>>) dst(%run_scoped3A_8 : memref<2688xi32, #tpu.memory_space<vmem>>)
        tpu.yield
      }) : () -> ()
      %mul3A_45 = arith.constant 10752 : i32
      %mul3A_46 = arith.muli %arg1, %mul3A_45 : i32
      %add3A_47 = arith.constant 8064 : i32
      %add3A_48 = arith.addi %mul3A_46, %add3A_47 : i32
      %scan3A_49 = arith.constant 0 : i32
      %scan3A_50 = arith.constant 0 : i32
      %scan3A_51 = arith.constant 168 : i32
      %scan3A_52 = arith.addi %scan3A_50, %scan3A_51 : i32
      %scan3A_53 = arith.constant 1 : i32
      %scan3A_54 = scf.for %scan3A_58 = %scan3A_50 to %scan3A_52 step %scan3A_53 iter_args(%scan3A_59 = %scan3A_49) -> (i32)  : i32 {
        %mul3A_60 = arith.constant 16 : i32
        %mul3A_61 = arith.muli %scan3A_58, %mul3A_60 : i32
        %get3A = arith.index_cast %mul3A_61 : i32 to index
        %get3A_62 = tpu.vector_load %run_scoped3A_7[%get3A] {strides = array<i32>} : memref<2688xi32, #tpu.memory_space<vmem>>, vector<16xi32>,
        %mul3A_63 = arith.constant 16 : i32
        %mul3A_64 = arith.muli %scan3A_58, %mul3A_63 : i32
        %get3A_65 = arith.index_cast %mul3A_64 : i32 to index
        %get3A_66 = tpu.vector_load %run_scoped3A_8[%get3A_65] {strides = array<i32>} : memref<2688xi32, #tpu.memory_space<vmem>>, vector<16xi32>,
        %gather3A = tpu.vector_load_idx %run_scoped3A_4[%get3A_62] : memref<10000xf32, #tpu.memory_space<vmem>>[vector<16xi32>], vector<16xf32>,
        %gather3A_67 = tpu.vector_load_idx %run_scoped3A_5[%get3A_66] : memref<10000xf32, #tpu.memory_space<vmem>>[vector<16xi32>], vector<16xf32>,
        %add3A_68 = arith.addf %gather3A, %gather3A_67 : vector<16xf32>
        %ge3A = arith.constant 0.000000e+00 : f32
        %ge3A_69 = vector.broadcast %ge3A : f32 to vector<16xf32>
        %ge3A_70 = arith.cmpf oge, %add3A_68, %ge3A_69 : vector<16xf32>
        %mul3A_71 = vector.broadcast %run_scoped3A : f32 to vector<16xf32>
        %mul3A_72 = arith.mulf %add3A_68, %mul3A_71 : vector<16xf32>
        %select_n3A = arith.select %ge3A_70, %add3A_68, %mul3A_72 : vector<16xi1>, vector<16xf32>
        %get3A_73 = arith.constant 0 : index
        %get3A_74 = tpu.vector_load %arg12[%get3A_73] {strides = array<i32>} : memref<16xf32, #tpu.memory_space<vmem>>, vector<16xf32>,
        %sub3A = arith.subf %select_n3A, %get3A_74 : vector<16xf32>
        %exp3A = math.exp %sub3A : vector<16xf32>
        %mul3A_75 = arith.constant 16 : i32
        %mul3A_76 = arith.muli %scan3A_58, %mul3A_75 : i32
        %add3A_77 = arith.addi %add3A_48, %mul3A_76 : i32
        %add3A_78 = vector.broadcast %add3A_77 : i32 to vector<16xi32>
        %add3A_79 = arith.addi %add3A_78, %iota3A : vector<16xi32>
        %lt3A = arith.constant 170000 : i32
        %lt3A_80 = vector.broadcast %lt3A : i32 to vector<16xi32>
        %lt3A_81 = arith.cmpi slt, %add3A_79, %lt3A_80 : vector<16xi32>
        %jit3A = arith.constant 0.000000e+00 : f32
        %broadcast_in_dim3A_82 = vector.broadcast %jit3A : f32 to vector<16xf32>
        %select_n3A_83 = arith.select %lt3A_81, %exp3A, %broadcast_in_dim3A_82 : vector<16xi1>, vector<16xf32>
        %mul3A_84 = arith.constant 16 : i32
        %mul3A_85 = arith.muli %scan3A_58, %mul3A_84 : i32
        %add3A_86 = arith.constant 8064 : i32
        %add3A_87 = arith.addi %add3A_86, %mul3A_85 : i32
        %swap3A = arith.index_cast %add3A_87 : i32 to index
        %swap3A_88 = tpu.vector_load %arg11[%swap3A] {strides = array<i32>} : memref<10752xf32, #tpu.memory_space<vmem>>, vector<16xf32>,
        tpu.vector_store %arg11[%swap3A], %select_n3A_83 {strides = array<i32>} : memref<10752xf32, #tpu.memory_space<vmem>>, vector<16xf32>,
        tpu.vector_store_idx %run_scoped3A_6[%get3A_66], %select_n3A_83 {add = true} : memref<10240xf32, #tpu.memory_space<vmem>>[vector<16xi32>], vector<16xf32>,
        %scan3A_89 = arith.constant 0 : i32
        scf.yield %scan3A_89 : i32
      }
      %scan3A_55 = arith.constant 168 : i32
      %eq3A = arith.constant 0 : i32
      %eq3A_56 = arith.cmpi eq, %arg0, %eq3A : i32
      %convert_element_type3A = arith.extui %eq3A_56 : i1 to i32
      %cond3A = arith.constant 0 : i32
      %cond3A_57 = arith.cmpi ne, %convert_element_type3A, %cond3A : i32
      scf.if %cond3A_57 {
        %mul3A_58 = arith.constant 10240 : i32
        %mul3A_59 = arith.muli %arg1, %mul3A_58 : i32
        "tpu.region"() ({
          %run_scoped3A_60 = tpu.sem_alloc : memref<!tpu.dma_semaphore, #tpu.memory_space<semaphore_mem>>
          %dma_start3A = tpu.memref_slice %arg9[%mul3A_59] : memref<163840xf32, #tpu.memory_space<hbm>> -> memref<10240xf32, #tpu.memory_space<hbm>>
          %dma_start3A_61 = tpu.memref_slice %arg9[%mul3A_59] : memref<163840xf32, #tpu.memory_space<hbm>> -> memref<10240xf32, #tpu.memory_space<hbm>>
          tpu.enqueue_dma source(%run_scoped3A_6 : memref<10240xf32, #tpu.memory_space<vmem>>) target(%dma_start3A_61 : memref<10240xf32, #tpu.memory_space<hbm>>) target_semaphore(%run_scoped3A_60 : memref<!tpu.dma_semaphore, #tpu.memory_space<semaphore_mem>>)
          %dma_wait3A = tpu.memref_slice %arg9[%mul3A_59] : memref<163840xf32, #tpu.memory_space<hbm>> -> memref<10240xf32, #tpu.memory_space<hbm>>
          %dma_wait3A_62 = tpu.memref_slice %arg9[%mul3A_59] : memref<163840xf32, #tpu.memory_space<hbm>> -> memref<10240xf32, #tpu.memory_space<hbm>>
          tpu.wait_dma2 semaphore(%run_scoped3A_60 : memref<!tpu.dma_semaphore, #tpu.memory_space<semaphore_mem>>) src(%run_scoped3A_6 : memref<10240xf32, #tpu.memory_space<vmem>>) dst(%dma_wait3A_62 : memref<10240xf32, #tpu.memory_space<hbm>>)
          tpu.yield
        }) : () -> ()
      } else {
      }
      tpu.yield
    }) : () -> ()
    "tpu.region"() ({
      %run_scoped3A_4 = memref.alloca() : memref<96x128xbf16, #tpu.memory_space<vmem>>
      %run_scoped3A_5 = memref.alloca() : memref<96x128xbf16, #tpu.memory_space<vmem>>
      %run_scoped3A_6 = memref.alloca() : memref<96x128xf32, #tpu.memory_space<vmem>>
      %run_scoped3A_7 = memref.alloca() : memref<96x128xf32, #tpu.memory_space<vmem>>
      %parallel_loop3A = arith.constant 0 : i32
      %parallel_loop3A_8 = arith.constant 768 : i32
      %parallel_loop3A_9 = arith.constant 1 : i32
      scf.for %parallel_loop3A_475 = %parallel_loop3A to %parallel_loop3A_8 step %parallel_loop3A_9  : i32 {
        %parallel_loop3A_476 = arith.constant 8 : i32
        %parallel_loop3A_477 = arith.divsi %parallel_loop3A_475, %parallel_loop3A_476 : i32
        %parallel_loop3A_478 = arith.constant 0 : i32
        %parallel_loop3A_479 = arith.cmpi sgt, %parallel_loop3A_475, %parallel_loop3A_478 : i32
        %parallel_loop3A_480 = arith.extui %parallel_loop3A_479 : i1 to i32
        %parallel_loop3A_481 = arith.constant 0 : i32
        %parallel_loop3A_482 = arith.cmpi slt, %parallel_loop3A_475, %parallel_loop3A_481 : i32
        %parallel_loop3A_483 = arith.extui %parallel_loop3A_482 : i1 to i32
        %parallel_loop3A_484 = arith.subi %parallel_loop3A_480, %parallel_loop3A_483 : i32
        %parallel_loop3A_485 = arith.constant 0 : i32
        %parallel_loop3A_486 = arith.cmpi sgt, %parallel_loop3A_476, %parallel_loop3A_485 : i32
        %parallel_loop3A_487 = arith.extui %parallel_loop3A_486 : i1 to i32
        %parallel_loop3A_488 = arith.constant 0 : i32
        %parallel_loop3A_489 = arith.cmpi slt, %parallel_loop3A_476, %parallel_loop3A_488 : i32
        %parallel_loop3A_490 = arith.extui %parallel_loop3A_489 : i1 to i32
        %parallel_loop3A_491 = arith.subi %parallel_loop3A_487, %parallel_loop3A_490 : i32
        %parallel_loop3A_492 = arith.cmpi ne, %parallel_loop3A_484, %parallel_loop3A_491 : i32
        %parallel_loop3A_493 = arith.remsi %parallel_loop3A_475, %parallel_loop3A_476 : i32
        %parallel_loop3A_494 = arith.constant 0 : i32
        %parallel_loop3A_495 = arith.cmpi ne, %parallel_loop3A_493, %parallel_loop3A_494 : i32
        %parallel_loop3A_496 = arith.andi %parallel_loop3A_492, %parallel_loop3A_495 : i1
        %parallel_loop3A_497 = arith.constant 1 : i32
        %parallel_loop3A_498 = arith.subi %parallel_loop3A_477, %parallel_loop3A_497 : i32
        %parallel_loop3A_499 = arith.select %parallel_loop3A_496, %parallel_loop3A_498, %parallel_loop3A_477 : i32
        %parallel_loop3A_500 = arith.constant 8 : i32
        %parallel_loop3A_501 = arith.constant 0 : i32
        %parallel_loop3A_502 = arith.cmpi eq, %parallel_loop3A_500, %parallel_loop3A_501 : i32
        %parallel_loop3A_503 = arith.constant 1 : i32
        %parallel_loop3A_504 = arith.select %parallel_loop3A_502, %parallel_loop3A_503, %parallel_loop3A_500 : i32
        %parallel_loop3A_505 = arith.remsi %parallel_loop3A_475, %parallel_loop3A_504 : i32
        %parallel_loop3A_506 = arith.constant 0 : i32
        %parallel_loop3A_507 = arith.cmpi ne, %parallel_loop3A_505, %parallel_loop3A_506 : i32
        %parallel_loop3A_508 = arith.constant 0 : i32
        %parallel_loop3A_509 = arith.cmpi slt, %parallel_loop3A_505, %parallel_loop3A_508 : i32
        %parallel_loop3A_510 = arith.constant 0 : i32
        %parallel_loop3A_511 = arith.cmpi slt, %parallel_loop3A_504, %parallel_loop3A_510 : i32
        %parallel_loop3A_512 = arith.xori %parallel_loop3A_509, %parallel_loop3A_511 : i1
        %parallel_loop3A_513 = arith.andi %parallel_loop3A_512, %parallel_loop3A_507 : i1
        %parallel_loop3A_514 = arith.addi %parallel_loop3A_505, %parallel_loop3A_504 : i32
        %parallel_loop3A_515 = arith.select %parallel_loop3A_513, %parallel_loop3A_514, %parallel_loop3A_505 : i32
        %parallel_loop3A_516 = arith.constant 16 : i32
        %parallel_loop3A_517 = arith.muli %parallel_loop3A_515, %parallel_loop3A_516 : i32
        %parallel_loop3A_518 = arith.index_cast %parallel_loop3A_499 : i32 to index
        %parallel_loop3A_519 = arith.index_cast %parallel_loop3A_517 : i32 to index
        %parallel_loop3A_520 = tpu.vector_load %run_scoped3A_6[%parallel_loop3A_518, %parallel_loop3A_519] {strides = array<i32>} : memref<96x128xf32, #tpu.memory_space<vmem>>, vector<16xf32>,
        tpu.vector_store %run_scoped3A_6[%parallel_loop3A_518, %parallel_loop3A_519], %broadcast_in_dim3A_0 {strides = array<i32>} : memref<96x128xf32, #tpu.memory_space<vmem>>, vector<16xf32>,
      } {sc.loop_unroll_factor = 8 : i64, sc.parallel_access}
      %add3A = arith.constant 0 : i32
      %add3A_10 = arith.addi %mul3A_3, %add3A : i32
      %dma_start3A = arith.constant 0 : i32
      %dma_start3A_11 = arith.constant 0 : i32
      %dma_start3A_12 = tpu.memref_slice %run_scoped3A_6[%dma_start3A, %dma_start3A_11] : memref<96x128xf32, #tpu.memory_space<vmem>> -> memref<96x128xf32, #tpu.memory_space<vmem>>
      %dma_start3A_13 = arith.constant 0 : i32
      %dma_start3A_14 = tpu.memref_slice %arg10[%add3A_10, %dma_start3A_13] : memref<10240x128xf32, #tpu.memory_space<vmem_shared>> -> memref<96x128xf32, #tpu.memory_space<vmem_shared>>
      %dma_start3A_15 = arith.constant 0 : i32
      %dma_start3A_16 = tpu.memref_slice %arg10[%add3A_10, %dma_start3A_15] : memref<10240x128xf32, #tpu.memory_space<vmem_shared>> -> memref<96x128xf32, #tpu.memory_space<vmem_shared>>
      %dma_start3A_17 = arith.constant 0 : i32
      %dma_start3A_18 = arith.constant 0 : i32
      %dma_start3A_19 = tpu.memref_slice %run_scoped3A_6[%dma_start3A_17, %dma_start3A_18] : memref<96x128xf32, #tpu.memory_space<vmem>> -> memref<96x128xf32, #tpu.memory_space<vmem>>
      tpu.enqueue_dma source(%dma_start3A_19 : memref<96x128xf32, #tpu.memory_space<vmem>>) target(%dma_start3A_16 : memref<96x128xf32, #tpu.memory_space<vmem_shared>>) target_semaphore(%arg17 : memref<!tpu.dma_semaphore, #tpu.memory_space<semaphore_mem>>)
      %add3A_20 = arith.constant 96 : i32
      %add3A_21 = arith.addi %mul3A_3, %add3A_20 : i32
      %dma_start3A_22 = arith.constant 0 : i32
      %dma_start3A_23 = arith.constant 0 : i32
      %dma_start3A_24 = tpu.memref_slice %run_scoped3A_6[%dma_start3A_22, %dma_start3A_23] : memref<96x128xf32, #tpu.memory_space<vmem>> -> memref<96x128xf32, #tpu.memory_space<vmem>>
      %dma_start3A_25 = arith.constant 0 : i32
      %dma_start3A_26 = tpu.memref_slice %arg10[%add3A_21, %dma_start3A_25] : memref<10240x128xf32, #tpu.memory_space<vmem_shared>> -> memref<96x128xf32, #tpu.memory_space<vmem_shared>>
      %dma_start3A_27 = arith.constant 0 : i32
      %dma_start3A_28 = tpu.memref_slice %arg10[%add3A_21, %dma_start3A_27] : memref<10240x128xf32, #tpu.memory_space<vmem_shared>> -> memref<96x128xf32, #tpu.memory_space<vmem_shared>>
      %dma_start3A_29 = arith.constant 0 : i32
      %dma_start3A_30 = arith.constant 0 : i32
      %dma_start3A_31 = tpu.memref_slice %run_scoped3A_6[%dma_start3A_29, %dma_start3A_30] : memref<96x128xf32, #tpu.memory_space<vmem>> -> memref<96x128xf32, #tpu.memory_space<vmem>>
      tpu.enqueue_dma source(%dma_start3A_31 : memref<96x128xf32, #tpu.memory_space<vmem>>) target(%dma_start3A_28 : memref<96x128xf32, #tpu.memory_space<vmem_shared>>) target_semaphore(%arg17 : memref<!tpu.dma_semaphore, #tpu.memory_space<semaphore_mem>>)
      %add3A_32 = arith.constant 192 : i32
      %add3A_33 = arith.addi %mul3A_3, %add3A_32 : i32
      %dma_start3A_34 = arith.constant 0 : i32
      %dma_start3A_35 = arith.constant 0 : i32
      %dma_start3A_36 = tpu.memref_slice %run_scoped3A_6[%dma_start3A_34, %dma_start3A_35] : memref<96x128xf32, #tpu.memory_space<vmem>> -> memref<96x128xf32, #tpu.memory_space<vmem>>
      %dma_start3A_37 = arith.constant 0 : i32
      %dma_start3A_38 = tpu.memref_slice %arg10[%add3A_33, %dma_start3A_37] : memref<10240x128xf32, #tpu.memory_space<vmem_shared>> -> memref<96x128xf32, #tpu.memory_space<vmem_shared>>
      %dma_start3A_39 = arith.constant 0 : i32
      %dma_start3A_40 = tpu.memref_slice %arg10[%add3A_33, %dma_start3A_39] : memref<10240x128xf32, #tpu.memory_space<vmem_shared>> -> memref<96x128xf32, #tpu.memory_space<vmem_shared>>
      %dma_start3A_41 = arith.constant 0 : i32
      %dma_start3A_42 = arith.constant 0 : i32
      %dma_start3A_43 = tpu.memref_slice %run_scoped3A_6[%dma_start3A_41, %dma_start3A_42] : memref<96x128xf32, #tpu.memory_space<vmem>> -> memref<96x128xf32, #tpu.memory_space<vmem>>
      tpu.enqueue_dma source(%dma_start3A_43 : memref<96x128xf32, #tpu.memory_space<vmem>>) target(%dma_start3A_40 : memref<96x128xf32, #tpu.memory_space<vmem_shared>>) target_semaphore(%arg17 : memref<!tpu.dma_semaphore, #tpu.memory_space<semaphore_mem>>)
      %add3A_44 = arith.constant 288 : i32
      %add3A_45 = arith.addi %mul3A_3, %add3A_44 : i32
      %dma_start3A_46 = arith.constant 0 : i32
      %dma_start3A_47 = arith.constant 0 : i32
      %dma_start3A_48 = tpu.memref_slice %run_scoped3A_6[%dma_start3A_46, %dma_start3A_47] : memref<96x128xf32, #tpu.memory_space<vmem>> -> memref<96x128xf32, #tpu.memory_space<vmem>>
      %dma_start3A_49 = arith.constant 0 : i32
      %dma_start3A_50 = tpu.memref_slice %arg10[%add3A_45, %dma_start3A_49] : memref<10240x128xf32, #tpu.memory_space<vmem_shared>> -> memref<96x128xf32, #tpu.memory_space<vmem_shared>>
      %dma_start3A_51 = arith.constant 0 : i32
      %dma_start3A_52 = tpu.memref_slice %arg10[%add3A_45, %dma_start3A_51] : memref<10240x128xf32, #tpu.memory_space<vmem_shared>> -> memref<96x128xf32, #tpu.memory_space<vmem_shared>>
      %dma_start3A_53 = arith.constant 0 : i32
      %dma_start3A_54 = arith.constant 0 : i32
      %dma_start3A_55 = tpu.memref_slice %run_scoped3A_6[%dma_start3A_53, %dma_start3A_54] : memref<96x128xf32, #tpu.memory_space<vmem>> -> memref<96x128xf32, #tpu.memory_space<vmem>>
      tpu.enqueue_dma source(%dma_start3A_55 : memref<96x128xf32, #tpu.memory_space<vmem>>) target(%dma_start3A_52 : memref<96x128xf32, #tpu.memory_space<vmem_shared>>) target_semaphore(%arg17 : memref<!tpu.dma_semaphore, #tpu.memory_space<semaphore_mem>>)
      %add3A_56 = arith.constant 384 : i32
      %add3A_57 = arith.addi %mul3A_3, %add3A_56 : i32
      %dma_start3A_58 = arith.constant 0 : i32
      %dma_start3A_59 = arith.constant 0 : i32
      %dma_start3A_60 = tpu.memref_slice %run_scoped3A_6[%dma_start3A_58, %dma_start3A_59] : memref<96x128xf32, #tpu.memory_space<vmem>> -> memref<96x128xf32, #tpu.memory_space<vmem>>
      %dma_start3A_61 = arith.constant 0 : i32
      %dma_start3A_62 = tpu.memref_slice %arg10[%add3A_57, %dma_start3A_61] : memref<10240x128xf32, #tpu.memory_space<vmem_shared>> -> memref<96x128xf32, #tpu.memory_space<vmem_shared>>
      %dma_start3A_63 = arith.constant 0 : i32
      %dma_start3A_64 = tpu.memref_slice %arg10[%add3A_57, %dma_start3A_63] : memref<10240x128xf32, #tpu.memory_space<vmem_shared>> -> memref<96x128xf32, #tpu.memory_space<vmem_shared>>
      %dma_start3A_65 = arith.constant 0 : i32
      %dma_start3A_66 = arith.constant 0 : i32
      %dma_start3A_67 = tpu.memref_slice %run_scoped3A_6[%dma_start3A_65, %dma_start3A_66] : memref<96x128xf32, #tpu.memory_space<vmem>> -> memref<96x128xf32, #tpu.memory_space<vmem>>
      tpu.enqueue_dma source(%dma_start3A_67 : memref<96x128xf32, #tpu.memory_space<vmem>>) target(%dma_start3A_64 : memref<96x128xf32, #tpu.memory_space<vmem_shared>>) target_semaphore(%arg17 : memref<!tpu.dma_semaphore, #tpu.memory_space<semaphore_mem>>)
      %add3A_68 = arith.constant 480 : i32
      %add3A_69 = arith.addi %mul3A_3, %add3A_68 : i32
      %dma_start3A_70 = arith.constant 0 : i32
      %dma_start3A_71 = arith.constant 0 : i32
      %dma_start3A_72 = tpu.memref_slice %run_scoped3A_6[%dma_start3A_70, %dma_start3A_71] : memref<96x128xf32, #tpu.memory_space<vmem>> -> memref<96x128xf32, #tpu.memory_space<vmem>>
      %dma_start3A_73 = arith.constant 0 : i32
      %dma_start3A_74 = tpu.memref_slice %arg10[%add3A_69, %dma_start3A_73] : memref<10240x128xf32, #tpu.memory_space<vmem_shared>> -> memref<96x128xf32, #tpu.memory_space<vmem_shared>>
      %dma_start3A_75 = arith.constant 0 : i32
      %dma_start3A_76 = tpu.memref_slice %arg10[%add3A_69, %dma_start3A_75] : memref<10240x128xf32, #tpu.memory_space<vmem_shared>> -> memref<96x128xf32, #tpu.memory_space<vmem_shared>>
      %dma_start3A_77 = arith.constant 0 : i32
      %dma_start3A_78 = arith.constant 0 : i32
      %dma_start3A_79 = tpu.memref_slice %run_scoped3A_6[%dma_start3A_77, %dma_start3A_78] : memref<96x128xf32, #tpu.memory_space<vmem>> -> memref<96x128xf32, #tpu.memory_space<vmem>>
      tpu.enqueue_dma source(%dma_start3A_79 : memref<96x128xf32, #tpu.memory_space<vmem>>) target(%dma_start3A_76 : memref<96x128xf32, #tpu.memory_space<vmem_shared>>) target_semaphore(%arg17 : memref<!tpu.dma_semaphore, #tpu.memory_space<semaphore_mem>>)
      %add3A_80 = arith.constant 576 : i32
      %add3A_81 = arith.addi %mul3A_3, %add3A_80 : i32
      %dma_start3A_82 = arith.constant 0 : i32
      %dma_start3A_83 = arith.constant 0 : i32
      %dma_start3A_84 = tpu.memref_slice %run_scoped3A_6[%dma_start3A_82, %dma_start3A_83] : memref<96x128xf32, #tpu.memory_space<vmem>> -> memref<64x128xf32, #tpu.memory_space<vmem>>
      %dma_start3A_85 = arith.constant 0 : i32
      %dma_start3A_86 = tpu.memref_slice %arg10[%add3A_81, %dma_start3A_85] : memref<10240x128xf32, #tpu.memory_space<vmem_shared>> -> memref<64x128xf32, #tpu.memory_space<vmem_shared>>
      %dma_start3A_87 = arith.constant 0 : i32
      %dma_start3A_88 = tpu.memref_slice %arg10[%add3A_81, %dma_start3A_87] : memref<10240x128xf32, #tpu.memory_space<vmem_shared>> -> memref<64x128xf32, #tpu.memory_space<vmem_shared>>
      %dma_start3A_89 = arith.constant 0 : i32
      %dma_start3A_90 = arith.constant 0 : i32
      %dma_start3A_91 = tpu.memref_slice %run_scoped3A_6[%dma_start3A_89, %dma_start3A_90] : memref<96x128xf32, #tpu.memory_space<vmem>> -> memref<64x128xf32, #tpu.memory_space<vmem>>
      tpu.enqueue_dma source(%dma_start3A_91 : memref<64x128xf32, #tpu.memory_space<vmem>>) target(%dma_start3A_88 : memref<64x128xf32, #tpu.memory_space<vmem_shared>>) target_semaphore(%arg17 : memref<!tpu.dma_semaphore, #tpu.memory_space<semaphore_mem>>)
      %add3A_92 = arith.constant 0 : i32
      %add3A_93 = arith.addi %mul3A_3, %add3A_92 : i32
      %dma_wait3A = arith.constant 0 : i32
      %dma_wait3A_94 = arith.constant 0 : i32
      %dma_wait3A_95 = tpu.memref_slice %run_scoped3A_6[%dma_wait3A, %dma_wait3A_94] : memref<96x128xf32, #tpu.memory_space<vmem>> -> memref<96x128xf32, #tpu.memory_space<vmem>>
      %dma_wait3A_96 = arith.constant 0 : i32
      %dma_wait3A_97 = tpu.memref_slice %arg10[%add3A_93, %dma_wait3A_96] : memref<10240x128xf32, #tpu.memory_space<vmem_shared>> -> memref<96x128xf32, #tpu.memory_space<vmem_shared>>
      %dma_wait3A_98 = arith.constant 0 : i32
      %dma_wait3A_99 = tpu.memref_slice %arg10[%add3A_93, %dma_wait3A_98] : memref<10240x128xf32, #tpu.memory_space<vmem_shared>> -> memref<96x128xf32, #tpu.memory_space<vmem_shared>>
      %dma_wait3A_100 = arith.constant 0 : i32
      %dma_wait3A_101 = arith.constant 0 : i32
      %dma_wait3A_102 = tpu.memref_slice %run_scoped3A_6[%dma_wait3A_100, %dma_wait3A_101] : memref<96x128xf32, #tpu.memory_space<vmem>> -> memref<96x128xf32, #tpu.memory_space<vmem>>
      tpu.wait_dma2 semaphore(%arg17 : memref<!tpu.dma_semaphore, #tpu.memory_space<semaphore_mem>>) src(%dma_wait3A_102 : memref<96x128xf32, #tpu.memory_space<vmem>>) dst(%dma_wait3A_99 : memref<96x128xf32, #tpu.memory_space<vmem_shared>>)
      %add3A_103 = arith.constant 96 : i32
      %add3A_104 = arith.addi %mul3A_3, %add3A_103 : i32
      %dma_wait3A_105 = arith.constant 0 : i32
      %dma_wait3A_106 = arith.constant 0 : i32
      %dma_wait3A_107 = tpu.memref_slice %run_scoped3A_6[%dma_wait3A_105, %dma_wait3A_106] : memref<96x128xf32, #tpu.memory_space<vmem>> -> memref<96x128xf32, #tpu.memory_space<vmem>>
      %dma_wait3A_108 = arith.constant 0 : i32
      %dma_wait3A_109 = tpu.memref_slice %arg10[%add3A_104, %dma_wait3A_108] : memref<10240x128xf32, #tpu.memory_space<vmem_shared>> -> memref<96x128xf32, #tpu.memory_space<vmem_shared>>
      %dma_wait3A_110 = arith.constant 0 : i32
      %dma_wait3A_111 = tpu.memref_slice %arg10[%add3A_104, %dma_wait3A_110] : memref<10240x128xf32, #tpu.memory_space<vmem_shared>> -> memref<96x128xf32, #tpu.memory_space<vmem_shared>>
      %dma_wait3A_112 = arith.constant 0 : i32
      %dma_wait3A_113 = arith.constant 0 : i32
      %dma_wait3A_114 = tpu.memref_slice %run_scoped3A_6[%dma_wait3A_112, %dma_wait3A_113] : memref<96x128xf32, #tpu.memory_space<vmem>> -> memref<96x128xf32, #tpu.memory_space<vmem>>
      tpu.wait_dma2 semaphore(%arg17 : memref<!tpu.dma_semaphore, #tpu.memory_space<semaphore_mem>>) src(%dma_wait3A_114 : memref<96x128xf32, #tpu.memory_space<vmem>>) dst(%dma_wait3A_111 : memref<96x128xf32, #tpu.memory_space<vmem_shared>>)
      %add3A_115 = arith.constant 192 : i32
      %add3A_116 = arith.addi %mul3A_3, %add3A_115 : i32
      %dma_wait3A_117 = arith.constant 0 : i32
      %dma_wait3A_118 = arith.constant 0 : i32
      %dma_wait3A_119 = tpu.memref_slice %run_scoped3A_6[%dma_wait3A_117, %dma_wait3A_118] : memref<96x128xf32, #tpu.memory_space<vmem>> -> memref<96x128xf32, #tpu.memory_space<vmem>>
      %dma_wait3A_120 = arith.constant 0 : i32
      %dma_wait3A_121 = tpu.memref_slice %arg10[%add3A_116, %dma_wait3A_120] : memref<10240x128xf32, #tpu.memory_space<vmem_shared>> -> memref<96x128xf32, #tpu.memory_space<vmem_shared>>
      %dma_wait3A_122 = arith.constant 0 : i32
      %dma_wait3A_123 = tpu.memref_slice %arg10[%add3A_116, %dma_wait3A_122] : memref<10240x128xf32, #tpu.memory_space<vmem_shared>> -> memref<96x128xf32, #tpu.memory_space<vmem_shared>>
      %dma_wait3A_124 = arith.constant 0 : i32
      %dma_wait3A_125 = arith.constant 0 : i32
      %dma_wait3A_126 = tpu.memref_slice %run_scoped3A_6[%dma_wait3A_124, %dma_wait3A_125] : memref<96x128xf32, #tpu.memory_space<vmem>> -> memref<96x128xf32, #tpu.memory_space<vmem>>
      tpu.wait_dma2 semaphore(%arg17 : memref<!tpu.dma_semaphore, #tpu.memory_space<semaphore_mem>>) src(%dma_wait3A_126 : memref<96x128xf32, #tpu.memory_space<vmem>>) dst(%dma_wait3A_123 : memref<96x128xf32, #tpu.memory_space<vmem_shared>>)
      %add3A_127 = arith.constant 288 : i32
      %add3A_128 = arith.addi %mul3A_3, %add3A_127 : i32
      %dma_wait3A_129 = arith.constant 0 : i32
      %dma_wait3A_130 = arith.constant 0 : i32
      %dma_wait3A_131 = tpu.memref_slice %run_scoped3A_6[%dma_wait3A_129, %dma_wait3A_130] : memref<96x128xf32, #tpu.memory_space<vmem>> -> memref<96x128xf32, #tpu.memory_space<vmem>>
      %dma_wait3A_132 = arith.constant 0 : i32
      %dma_wait3A_133 = tpu.memref_slice %arg10[%add3A_128, %dma_wait3A_132] : memref<10240x128xf32, #tpu.memory_space<vmem_shared>> -> memref<96x128xf32, #tpu.memory_space<vmem_shared>>
      %dma_wait3A_134 = arith.constant 0 : i32
      %dma_wait3A_135 = tpu.memref_slice %arg10[%add3A_128, %dma_wait3A_134] : memref<10240x128xf32, #tpu.memory_space<vmem_shared>> -> memref<96x128xf32, #tpu.memory_space<vmem_shared>>
      %dma_wait3A_136 = arith.constant 0 : i32
      %dma_wait3A_137 = arith.constant 0 : i32
      %dma_wait3A_138 = tpu.memref_slice %run_scoped3A_6[%dma_wait3A_136, %dma_wait3A_137] : memref<96x128xf32, #tpu.memory_space<vmem>> -> memref<96x128xf32, #tpu.memory_space<vmem>>
      tpu.wait_dma2 semaphore(%arg17 : memref<!tpu.dma_semaphore, #tpu.memory_space<semaphore_mem>>) src(%dma_wait3A_138 : memref<96x128xf32, #tpu.memory_space<vmem>>) dst(%dma_wait3A_135 : memref<96x128xf32, #tpu.memory_space<vmem_shared>>)
      %add3A_139 = arith.constant 384 : i32
      %add3A_140 = arith.addi %mul3A_3, %add3A_139 : i32
      %dma_wait3A_141 = arith.constant 0 : i32
      %dma_wait3A_142 = arith.constant 0 : i32
      %dma_wait3A_143 = tpu.memref_slice %run_scoped3A_6[%dma_wait3A_141, %dma_wait3A_142] : memref<96x128xf32, #tpu.memory_space<vmem>> -> memref<96x128xf32, #tpu.memory_space<vmem>>
      %dma_wait3A_144 = arith.constant 0 : i32
      %dma_wait3A_145 = tpu.memref_slice %arg10[%add3A_140, %dma_wait3A_144] : memref<10240x128xf32, #tpu.memory_space<vmem_shared>> -> memref<96x128xf32, #tpu.memory_space<vmem_shared>>
      %dma_wait3A_146 = arith.constant 0 : i32
      %dma_wait3A_147 = tpu.memref_slice %arg10[%add3A_140, %dma_wait3A_146] : memref<10240x128xf32, #tpu.memory_space<vmem_shared>> -> memref<96x128xf32, #tpu.memory_space<vmem_shared>>
      %dma_wait3A_148 = arith.constant 0 : i32
      %dma_wait3A_149 = arith.constant 0 : i32
      %dma_wait3A_150 = tpu.memref_slice %run_scoped3A_6[%dma_wait3A_148, %dma_wait3A_149] : memref<96x128xf32, #tpu.memory_space<vmem>> -> memref<96x128xf32, #tpu.memory_space<vmem>>
      tpu.wait_dma2 semaphore(%arg17 : memref<!tpu.dma_semaphore, #tpu.memory_space<semaphore_mem>>) src(%dma_wait3A_150 : memref<96x128xf32, #tpu.memory_space<vmem>>) dst(%dma_wait3A_147 : memref<96x128xf32, #tpu.memory_space<vmem_shared>>)
      %add3A_151 = arith.constant 480 : i32
      %add3A_152 = arith.addi %mul3A_3, %add3A_151 : i32
      %dma_wait3A_153 = arith.constant 0 : i32
      %dma_wait3A_154 = arith.constant 0 : i32
      %dma_wait3A_155 = tpu.memref_slice %run_scoped3A_6[%dma_wait3A_153, %dma_wait3A_154] : memref<96x128xf32, #tpu.memory_space<vmem>> -> memref<96x128xf32, #tpu.memory_space<vmem>>
      %dma_wait3A_156 = arith.constant 0 : i32
      %dma_wait3A_157 = tpu.memref_slice %arg10[%add3A_152, %dma_wait3A_156] : memref<10240x128xf32, #tpu.memory_space<vmem_shared>> -> memref<96x128xf32, #tpu.memory_space<vmem_shared>>
      %dma_wait3A_158 = arith.constant 0 : i32
      %dma_wait3A_159 = tpu.memref_slice %arg10[%add3A_152, %dma_wait3A_158] : memref<10240x128xf32, #tpu.memory_space<vmem_shared>> -> memref<96x128xf32, #tpu.memory_space<vmem_shared>>
      %dma_wait3A_160 = arith.constant 0 : i32
      %dma_wait3A_161 = arith.constant 0 : i32
      %dma_wait3A_162 = tpu.memref_slice %run_scoped3A_6[%dma_wait3A_160, %dma_wait3A_161] : memref<96x128xf32, #tpu.memory_space<vmem>> -> memref<96x128xf32, #tpu.memory_space<vmem>>
      tpu.wait_dma2 semaphore(%arg17 : memref<!tpu.dma_semaphore, #tpu.memory_space<semaphore_mem>>) src(%dma_wait3A_162 : memref<96x128xf32, #tpu.memory_space<vmem>>) dst(%dma_wait3A_159 : memref<96x128xf32, #tpu.memory_space<vmem_shared>>)
      %add3A_163 = arith.constant 576 : i32
      %add3A_164 = arith.addi %mul3A_3, %add3A_163 : i32
      %dma_wait3A_165 = arith.constant 0 : i32
      %dma_wait3A_166 = arith.constant 0 : i32
      %dma_wait3A_167 = tpu.memref_slice %run_scoped3A_6[%dma_wait3A_165, %dma_wait3A_166] : memref<96x128xf32, #tpu.memory_space<vmem>> -> memref<64x128xf32, #tpu.memory_space<vmem>>
      %dma_wait3A_168 = arith.constant 0 : i32
      %dma_wait3A_169 = tpu.memref_slice %arg10[%add3A_164, %dma_wait3A_168] : memref<10240x128xf32, #tpu.memory_space<vmem_shared>> -> memref<64x128xf32, #tpu.memory_space<vmem_shared>>
      %dma_wait3A_170 = arith.constant 0 : i32
      %dma_wait3A_171 = tpu.memref_slice %arg10[%add3A_164, %dma_wait3A_170] : memref<10240x128xf32, #tpu.memory_space<vmem_shared>> -> memref<64x128xf32, #tpu.memory_space<vmem_shared>>
      %dma_wait3A_172 = arith.constant 0 : i32
      %dma_wait3A_173 = arith.constant 0 : i32
      %dma_wait3A_174 = tpu.memref_slice %run_scoped3A_6[%dma_wait3A_172, %dma_wait3A_173] : memref<96x128xf32, #tpu.memory_space<vmem>> -> memref<64x128xf32, #tpu.memory_space<vmem>>
      tpu.wait_dma2 semaphore(%arg17 : memref<!tpu.dma_semaphore, #tpu.memory_space<semaphore_mem>>) src(%dma_wait3A_174 : memref<64x128xf32, #tpu.memory_space<vmem>>) dst(%dma_wait3A_171 : memref<64x128xf32, #tpu.memory_space<vmem_shared>>)
      %barrier3A = arith.constant 0 : index
      tpu.barrier barrier_id(%barrier3A)
      "tpu.region"() ({
        %run_scoped3A_475 = tpu.sem_alloc : memref<!tpu.dma_semaphore, #tpu.memory_space<semaphore_mem>>
        %dma_start3A_476 = arith.constant 0 : i32
        %dma_start3A_477 = tpu.memref_slice %arg5[%arg1, %dma_start3A_476] : memref<16x10752xi32, #tpu.memory_space<hbm>> -> memref<1x10752xi32, #tpu.memory_space<hbm>>
        %dma_start3A_478 = tpu.memref_squeeze %dma_start3A_477 : memref<1x10752xi32, #tpu.memory_space<hbm>> -> memref<10752xi32, #tpu.memory_space<hbm>>
        %dma_start3A_479 = arith.constant 0 : i32
        %dma_start3A_480 = tpu.memref_slice %dma_start3A_478[%dma_start3A_479] : memref<10752xi32, #tpu.memory_space<hbm>> -> memref<96xi32, #tpu.memory_space<hbm>>
        %dma_start3A_481 = arith.constant 0 : i32
        %dma_start3A_482 = tpu.memref_slice %arg5[%arg1, %dma_start3A_481] : memref<16x10752xi32, #tpu.memory_space<hbm>> -> memref<1x10752xi32, #tpu.memory_space<hbm>>
        %dma_start3A_483 = tpu.memref_squeeze %dma_start3A_482 : memref<1x10752xi32, #tpu.memory_space<hbm>> -> memref<10752xi32, #tpu.memory_space<hbm>>
        %dma_start3A_484 = arith.constant 0 : i32
        %dma_start3A_485 = tpu.memref_slice %dma_start3A_483[%dma_start3A_484] : memref<10752xi32, #tpu.memory_space<hbm>> -> memref<96xi32, #tpu.memory_space<hbm>>
        tpu.enqueue_dma source(%dma_start3A_485 : memref<96xi32, #tpu.memory_space<hbm>>) target(%arg13 : memref<96xi32, #tpu.memory_space<vmem>>) target_semaphore(%run_scoped3A_475 : memref<!tpu.dma_semaphore, #tpu.memory_space<semaphore_mem>>)
        %dma_wait3A_486 = arith.constant 0 : i32
        %dma_wait3A_487 = tpu.memref_slice %arg5[%arg1, %dma_wait3A_486] : memref<16x10752xi32, #tpu.memory_space<hbm>> -> memref<1x10752xi32, #tpu.memory_space<hbm>>
        %dma_wait3A_488 = tpu.memref_squeeze %dma_wait3A_487 : memref<1x10752xi32, #tpu.memory_space<hbm>> -> memref<10752xi32, #tpu.memory_space<hbm>>
        %dma_wait3A_489 = arith.constant 0 : i32
        %dma_wait3A_490 = tpu.memref_slice %dma_wait3A_488[%dma_wait3A_489] : memref<10752xi32, #tpu.memory_space<hbm>> -> memref<96xi32, #tpu.memory_space<hbm>>
        %dma_wait3A_491 = arith.constant 0 : i32
        %dma_wait3A_492 = tpu.memref_slice %arg5[%arg1, %dma_wait3A_491] : memref<16x10752xi32, #tpu.memory_space<hbm>> -> memref<1x10752xi32, #tpu.memory_space<hbm>>
        %dma_wait3A_493 = tpu.memref_squeeze %dma_wait3A_492 : memref<1x10752xi32, #tpu.memory_space<hbm>> -> memref<10752xi32, #tpu.memory_space<hbm>>
        %dma_wait3A_494 = arith.constant 0 : i32
        %dma_wait3A_495 = tpu.memref_slice %dma_wait3A_493[%dma_wait3A_494] : memref<10752xi32, #tpu.memory_space<hbm>> -> memref<96xi32, #tpu.memory_space<hbm>>
        tpu.wait_dma2 semaphore(%run_scoped3A_475 : memref<!tpu.dma_semaphore, #tpu.memory_space<semaphore_mem>>) src(%dma_wait3A_495 : memref<96xi32, #tpu.memory_space<hbm>>) dst(%arg13 : memref<96xi32, #tpu.memory_space<vmem>>)
        tpu.yield
      }) : () -> ()
      %dma_start3A_175 = arith.constant 0 : i32
      %dma_start3A_176 = arith.constant 0 : i32
      %dma_start3A_177 = tpu.memref_slice %arg2[%arg0, %dma_start3A_175, %dma_start3A_176] : memref<2x10000x128xbf16, #tpu.memory_space<hbm>> -> memref<1x10000x128xbf16, #tpu.memory_space<hbm>>
      %dma_start3A_178 = tpu.memref_squeeze %dma_start3A_177 : memref<1x10000x128xbf16, #tpu.memory_space<hbm>> -> memref<10000x128xbf16, #tpu.memory_space<hbm>>
      %dma_start3A_179 = arith.constant 0 : i32
      %dma_start3A_180 = arith.constant 0 : i32
      %dma_start3A_181 = tpu.memref_slice %dma_start3A_178[%dma_start3A_179, %dma_start3A_180] : memref<10000x128xbf16, #tpu.memory_space<hbm>> -> memref<10000x128xbf16, #tpu.memory_space<hbm>>
      tpu.enqueue_indirect_dma source(%dma_start3A_181 : memref<10000x128xbf16, #tpu.memory_space<hbm>>) target(%run_scoped3A_4 : memref<96x128xbf16, #tpu.memory_space<vmem>>) offsets(%arg13 : memref<96xi32, #tpu.memory_space<vmem>>) semaphore(%arg17 : memref<!tpu.dma_semaphore, #tpu.memory_space<semaphore_mem>>)
      %scan3A = arith.constant 0 : i32
      %scan3A_182 = arith.constant 0 : i32
      %scan3A_183 = arith.constant 56 : i32
      %scan3A_184 = arith.addi %scan3A_182, %scan3A_183 : i32
      %scan3A_185 = arith.constant 1 : i32
      %scan3A_186 = scf.for %scan3A_475 = %scan3A_182 to %scan3A_184 step %scan3A_185 iter_args(%scan3A_476 = %scan3A) -> (i32)  : i32 {
        %mul3A_477 = arith.constant 2 : i32
        %mul3A_478 = arith.muli %mul3A_477, %scan3A_475 : i32
        %gt3A = arith.constant 0 : i32
        %gt3A_479 = arith.cmpi sgt, %scan3A_475, %gt3A : i32
        %convert_element_type3A = arith.extui %gt3A_479 : i1 to i32
        %cond3A = arith.constant 0 : i32
        %cond3A_480 = arith.cmpi ne, %convert_element_type3A, %cond3A : i32
        scf.if %cond3A_480 {
          %dma_wait3A_540 = arith.constant 0 : i32
          %dma_wait3A_541 = arith.constant 0 : i32
          %dma_wait3A_542 = tpu.memref_slice %arg10[%dma_wait3A_540, %dma_wait3A_541] : memref<10240x128xf32, #tpu.memory_space<vmem_shared>> -> memref<10240x128xf32, #tpu.memory_space<vmem_shared>>
          tpu.wait_indirect_dma semaphore(%arg19 : memref<!tpu.dma_semaphore, #tpu.memory_space<semaphore_mem>>) src(%run_scoped3A_6 : memref<96x128xf32, #tpu.memory_space<vmem>>) dst(%dma_wait3A_542 : memref<10240x128xf32, #tpu.memory_space<vmem_shared>>)
        } else {
        }
        %add3A_481 = arith.constant 1 : i32
        %add3A_482 = arith.addi %mul3A_478, %add3A_481 : i32
        %mul3A_483 = arith.constant 96 : i32
        %mul3A_484 = arith.muli %add3A_482, %mul3A_483 : i32
        "tpu.region"() ({
          %run_scoped3A_540 = tpu.sem_alloc : memref<!tpu.dma_semaphore, #tpu.memory_space<semaphore_mem>>
          %dma_start3A_541 = arith.constant 0 : i32
          %dma_start3A_542 = tpu.memref_slice %arg5[%arg1, %dma_start3A_541] : memref<16x10752xi32, #tpu.memory_space<hbm>> -> memref<1x10752xi32, #tpu.memory_space<hbm>>
          %dma_start3A_543 = tpu.memref_squeeze %dma_start3A_542 : memref<1x10752xi32, #tpu.memory_space<hbm>> -> memref<10752xi32, #tpu.memory_space<hbm>>
          %dma_start3A_544 = tpu.memref_slice %dma_start3A_543[%mul3A_484] : memref<10752xi32, #tpu.memory_space<hbm>> -> memref<96xi32, #tpu.memory_space<hbm>>
          %dma_start3A_545 = arith.constant 0 : i32
          %dma_start3A_546 = tpu.memref_slice %arg5[%arg1, %dma_start3A_545] : memref<16x10752xi32, #tpu.memory_space<hbm>> -> memref<1x10752xi32, #tpu.memory_space<hbm>>
          %dma_start3A_547 = tpu.memref_squeeze %dma_start3A_546 : memref<1x10752xi32, #tpu.memory_space<hbm>> -> memref<10752xi32, #tpu.memory_space<hbm>>
          %dma_start3A_548 = tpu.memref_slice %dma_start3A_547[%mul3A_484] : memref<10752xi32, #tpu.memory_space<hbm>> -> memref<96xi32, #tpu.memory_space<hbm>>
          tpu.enqueue_dma source(%dma_start3A_548 : memref<96xi32, #tpu.memory_space<hbm>>) target(%arg14 : memref<96xi32, #tpu.memory_space<vmem>>) target_semaphore(%run_scoped3A_540 : memref<!tpu.dma_semaphore, #tpu.memory_space<semaphore_mem>>)
          %dma_wait3A_549 = arith.constant 0 : i32
          %dma_wait3A_550 = tpu.memref_slice %arg5[%arg1, %dma_wait3A_549] : memref<16x10752xi32, #tpu.memory_space<hbm>> -> memref<1x10752xi32, #tpu.memory_space<hbm>>
          %dma_wait3A_551 = tpu.memref_squeeze %dma_wait3A_550 : memref<1x10752xi32, #tpu.memory_space<hbm>> -> memref<10752xi32, #tpu.memory_space<hbm>>
          %dma_wait3A_552 = tpu.memref_slice %dma_wait3A_551[%mul3A_484] : memref<10752xi32, #tpu.memory_space<hbm>> -> memref<96xi32, #tpu.memory_space<hbm>>
          %dma_wait3A_553 = arith.constant 0 : i32
          %dma_wait3A_554 = tpu.memref_slice %arg5[%arg1, %dma_wait3A_553] : memref<16x10752xi32, #tpu.memory_space<hbm>> -> memref<1x10752xi32, #tpu.memory_space<hbm>>
          %dma_wait3A_555 = tpu.memref_squeeze %dma_wait3A_554 : memref<1x10752xi32, #tpu.memory_space<hbm>> -> memref<10752xi32, #tpu.memory_space<hbm>>
          %dma_wait3A_556 = tpu.memref_slice %dma_wait3A_555[%mul3A_484] : memref<10752xi32, #tpu.memory_space<hbm>> -> memref<96xi32, #tpu.memory_space<hbm>>
          tpu.wait_dma2 semaphore(%run_scoped3A_540 : memref<!tpu.dma_semaphore, #tpu.memory_space<semaphore_mem>>) src(%dma_wait3A_556 : memref<96xi32, #tpu.memory_space<hbm>>) dst(%arg14 : memref<96xi32, #tpu.memory_space<vmem>>)
          tpu.yield
        }) : () -> ()
        %dma_start3A_485 = arith.constant 0 : i32
        %dma_start3A_486 = arith.constant 0 : i32
        %dma_start3A_487 = tpu.memref_slice %arg2[%arg0, %dma_start3A_485, %dma_start3A_486] : memref<2x10000x128xbf16, #tpu.memory_space<hbm>> -> memref<1x10000x128xbf16, #tpu.memory_space<hbm>>
        %dma_start3A_488 = tpu.memref_squeeze %dma_start3A_487 : memref<1x10000x128xbf16, #tpu.memory_space<hbm>> -> memref<10000x128xbf16, #tpu.memory_space<hbm>>
        %dma_start3A_489 = arith.constant 0 : i32
        %dma_start3A_490 = arith.constant 0 : i32
        %dma_start3A_491 = tpu.memref_slice %dma_start3A_488[%dma_start3A_489, %dma_start3A_490] : memref<10000x128xbf16, #tpu.memory_space<hbm>> -> memref<10000x128xbf16, #tpu.memory_space<hbm>>
        tpu.enqueue_indirect_dma source(%dma_start3A_491 : memref<10000x128xbf16, #tpu.memory_space<hbm>>) target(%run_scoped3A_5 : memref<96x128xbf16, #tpu.memory_space<vmem>>) offsets(%arg14 : memref<96xi32, #tpu.memory_space<vmem>>) semaphore(%arg18 : memref<!tpu.dma_semaphore, #tpu.memory_space<semaphore_mem>>)
        %dma_wait3A_492 = arith.constant 0 : i32
        %dma_wait3A_493 = arith.constant 0 : i32
        %dma_wait3A_494 = tpu.memref_slice %arg2[%arg0, %dma_wait3A_492, %dma_wait3A_493] : memref<2x10000x128xbf16, #tpu.memory_space<hbm>> -> memref<1x10000x128xbf16, #tpu.memory_space<hbm>>
        %dma_wait3A_495 = tpu.memref_squeeze %dma_wait3A_494 : memref<1x10000x128xbf16, #tpu.memory_space<hbm>> -> memref<10000x128xbf16, #tpu.memory_space<hbm>>
        %dma_wait3A_496 = arith.constant 0 : i32
        %dma_wait3A_497 = arith.constant 0 : i32
        %dma_wait3A_498 = tpu.memref_slice %dma_wait3A_495[%dma_wait3A_496, %dma_wait3A_497] : memref<10000x128xbf16, #tpu.memory_space<hbm>> -> memref<10000x128xbf16, #tpu.memory_space<hbm>>
        tpu.wait_indirect_dma semaphore(%arg17 : memref<!tpu.dma_semaphore, #tpu.memory_space<semaphore_mem>>) src(%dma_wait3A_498 : memref<10000x128xbf16, #tpu.memory_space<hbm>>) dst(%run_scoped3A_4 : memref<96x128xbf16, #tpu.memory_space<vmem>>)
        %mul3A_499 = arith.constant 96 : i32
        %mul3A_500 = arith.muli %mul3A_478, %mul3A_499 : i32
        "tpu.region"() ({
          %run_scoped3A_540 = tpu.sem_alloc : memref<!tpu.dma_semaphore, #tpu.memory_space<semaphore_mem>>
          %dma_start3A_541 = arith.constant 0 : i32
          %dma_start3A_542 = tpu.memref_slice %arg6[%arg1, %dma_start3A_541] : memref<16x10752xi32, #tpu.memory_space<hbm>> -> memref<1x10752xi32, #tpu.memory_space<hbm>>
          %dma_start3A_543 = tpu.memref_squeeze %dma_start3A_542 : memref<1x10752xi32, #tpu.memory_space<hbm>> -> memref<10752xi32, #tpu.memory_space<hbm>>
          %dma_start3A_544 = tpu.memref_slice %dma_start3A_543[%mul3A_500] : memref<10752xi32, #tpu.memory_space<hbm>> -> memref<96xi32, #tpu.memory_space<hbm>>
          %dma_start3A_545 = arith.constant 0 : i32
          %dma_start3A_546 = tpu.memref_slice %arg6[%arg1, %dma_start3A_545] : memref<16x10752xi32, #tpu.memory_space<hbm>> -> memref<1x10752xi32, #tpu.memory_space<hbm>>
          %dma_start3A_547 = tpu.memref_squeeze %dma_start3A_546 : memref<1x10752xi32, #tpu.memory_space<hbm>> -> memref<10752xi32, #tpu.memory_space<hbm>>
          %dma_start3A_548 = tpu.memref_slice %dma_start3A_547[%mul3A_500] : memref<10752xi32, #tpu.memory_space<hbm>> -> memref<96xi32, #tpu.memory_space<hbm>>
          tpu.enqueue_dma source(%dma_start3A_548 : memref<96xi32, #tpu.memory_space<hbm>>) target(%arg15 : memref<96xi32, #tpu.memory_space<vmem>>) target_semaphore(%run_scoped3A_540 : memref<!tpu.dma_semaphore, #tpu.memory_space<semaphore_mem>>)
          %dma_wait3A_549 = arith.constant 0 : i32
          %dma_wait3A_550 = tpu.memref_slice %arg6[%arg1, %dma_wait3A_549] : memref<16x10752xi32, #tpu.memory_space<hbm>> -> memref<1x10752xi32, #tpu.memory_space<hbm>>
          %dma_wait3A_551 = tpu.memref_squeeze %dma_wait3A_550 : memref<1x10752xi32, #tpu.memory_space<hbm>> -> memref<10752xi32, #tpu.memory_space<hbm>>
          %dma_wait3A_552 = tpu.memref_slice %dma_wait3A_551[%mul3A_500] : memref<10752xi32, #tpu.memory_space<hbm>> -> memref<96xi32, #tpu.memory_space<hbm>>
          %dma_wait3A_553 = arith.constant 0 : i32
          %dma_wait3A_554 = tpu.memref_slice %arg6[%arg1, %dma_wait3A_553] : memref<16x10752xi32, #tpu.memory_space<hbm>> -> memref<1x10752xi32, #tpu.memory_space<hbm>>
          %dma_wait3A_555 = tpu.memref_squeeze %dma_wait3A_554 : memref<1x10752xi32, #tpu.memory_space<hbm>> -> memref<10752xi32, #tpu.memory_space<hbm>>
          %dma_wait3A_556 = tpu.memref_slice %dma_wait3A_555[%mul3A_500] : memref<10752xi32, #tpu.memory_space<hbm>> -> memref<96xi32, #tpu.memory_space<hbm>>
          tpu.wait_dma2 semaphore(%run_scoped3A_540 : memref<!tpu.dma_semaphore, #tpu.memory_space<semaphore_mem>>) src(%dma_wait3A_556 : memref<96xi32, #tpu.memory_space<hbm>>) dst(%arg15 : memref<96xi32, #tpu.memory_space<vmem>>)
          tpu.yield
        }) : () -> ()
        %mul3A_501 = arith.constant 96 : i32
        %mul3A_502 = arith.muli %mul3A_478, %mul3A_501 : i32
        %parallel_loop3A_503 = arith.constant 0 : i32
        %parallel_loop3A_504 = arith.constant 96 : i32
        %parallel_loop3A_505 = arith.constant 1 : i32
        scf.for %parallel_loop3A_540 = %parallel_loop3A_503 to %parallel_loop3A_504 step %parallel_loop3A_505  : i32 {
          %parallel_loop3A_541 = arith.addi %mul3A_502, %parallel_loop3A_540 : i32
          %parallel_loop3A_542 = vector.broadcast %parallel_loop3A_541 : i32 to vector<16xi32>
          %parallel_loop3A_543 = tpu.vector_load_idx %arg11[%parallel_loop3A_542] : memref<10752xf32, #tpu.memory_space<vmem>>[vector<16xi32>], vector<16xf32>,
          %parallel_loop3A_544 = arith.index_cast %parallel_loop3A_540 : i32 to index
          %parallel_loop3A_545 = arith.constant 0 : index
          %parallel_loop3A_546 = tpu.vector_load %run_scoped3A_4[%parallel_loop3A_544, %parallel_loop3A_545] {strides = array<i32>} : memref<96x128xbf16, #tpu.memory_space<vmem>>, vector<32xbf16>,
          %parallel_loop3A_547 = tpu.unpack_subelements %parallel_loop3A_546, 0 {pack_format = #tpu.pack_format<interleaved>} : vector<32xbf16> -> vector<16xf32>
          %parallel_loop3A_548 = tpu.unpack_subelements %parallel_loop3A_546, 1 {pack_format = #tpu.pack_format<interleaved>} : vector<32xbf16> -> vector<16xf32>
          %parallel_loop3A_549 = arith.mulf %parallel_loop3A_547, %parallel_loop3A_543 : vector<16xf32>
          %parallel_loop3A_550 = arith.index_cast %parallel_loop3A_540 : i32 to index
          %parallel_loop3A_551 = arith.constant 0 : index
          %parallel_loop3A_552 = tpu.vector_load %run_scoped3A_6[%parallel_loop3A_550, %parallel_loop3A_551] {strides = array<i32>} : memref<96x128xf32, #tpu.memory_space<vmem>>, vector<16xf32>,
          tpu.vector_store %run_scoped3A_6[%parallel_loop3A_550, %parallel_loop3A_551], %parallel_loop3A_549 {strides = array<i32>} : memref<96x128xf32, #tpu.memory_space<vmem>>, vector<16xf32>,
          %parallel_loop3A_553 = arith.mulf %parallel_loop3A_548, %parallel_loop3A_543 : vector<16xf32>
          %parallel_loop3A_554 = arith.index_cast %parallel_loop3A_540 : i32 to index
          %parallel_loop3A_555 = arith.constant 16 : index
          %parallel_loop3A_556 = tpu.vector_load %run_scoped3A_6[%parallel_loop3A_554, %parallel_loop3A_555] {strides = array<i32>} : memref<96x128xf32, #tpu.memory_space<vmem>>, vector<16xf32>,
          tpu.vector_store %run_scoped3A_6[%parallel_loop3A_554, %parallel_loop3A_555], %parallel_loop3A_553 {strides = array<i32>} : memref<96x128xf32, #tpu.memory_space<vmem>>, vector<16xf32>,
          %parallel_loop3A_557 = arith.index_cast %parallel_loop3A_540 : i32 to index
          %parallel_loop3A_558 = arith.constant 32 : index
          %parallel_loop3A_559 = tpu.vector_load %run_scoped3A_4[%parallel_loop3A_557, %parallel_loop3A_558] {strides = array<i32>} : memref<96x128xbf16, #tpu.memory_space<vmem>>, vector<32xbf16>,
          %parallel_loop3A_560 = tpu.unpack_subelements %parallel_loop3A_559, 0 {pack_format = #tpu.pack_format<interleaved>} : vector<32xbf16> -> vector<16xf32>
          %parallel_loop3A_561 = tpu.unpack_subelements %parallel_loop3A_559, 1 {pack_format = #tpu.pack_format<interleaved>} : vector<32xbf16> -> vector<16xf32>
          %parallel_loop3A_562 = arith.mulf %parallel_loop3A_560, %parallel_loop3A_543 : vector<16xf32>
          %parallel_loop3A_563 = arith.index_cast %parallel_loop3A_540 : i32 to index
          %parallel_loop3A_564 = arith.constant 32 : index
          %parallel_loop3A_565 = tpu.vector_load %run_scoped3A_6[%parallel_loop3A_563, %parallel_loop3A_564] {strides = array<i32>} : memref<96x128xf32, #tpu.memory_space<vmem>>, vector<16xf32>,
          tpu.vector_store %run_scoped3A_6[%parallel_loop3A_563, %parallel_loop3A_564], %parallel_loop3A_562 {strides = array<i32>} : memref<96x128xf32, #tpu.memory_space<vmem>>, vector<16xf32>,
          %parallel_loop3A_566 = arith.mulf %parallel_loop3A_561, %parallel_loop3A_543 : vector<16xf32>
          %parallel_loop3A_567 = arith.index_cast %parallel_loop3A_540 : i32 to index
          %parallel_loop3A_568 = arith.constant 48 : index
          %parallel_loop3A_569 = tpu.vector_load %run_scoped3A_6[%parallel_loop3A_567, %parallel_loop3A_568] {strides = array<i32>} : memref<96x128xf32, #tpu.memory_space<vmem>>, vector<16xf32>,
          tpu.vector_store %run_scoped3A_6[%parallel_loop3A_567, %parallel_loop3A_568], %parallel_loop3A_566 {strides = array<i32>} : memref<96x128xf32, #tpu.memory_space<vmem>>, vector<16xf32>,
          %parallel_loop3A_570 = arith.index_cast %parallel_loop3A_540 : i32 to index
          %parallel_loop3A_571 = arith.constant 64 : index
          %parallel_loop3A_572 = tpu.vector_load %run_scoped3A_4[%parallel_loop3A_570, %parallel_loop3A_571] {strides = array<i32>} : memref<96x128xbf16, #tpu.memory_space<vmem>>, vector<32xbf16>,
          %parallel_loop3A_573 = tpu.unpack_subelements %parallel_loop3A_572, 0 {pack_format = #tpu.pack_format<interleaved>} : vector<32xbf16> -> vector<16xf32>
          %parallel_loop3A_574 = tpu.unpack_subelements %parallel_loop3A_572, 1 {pack_format = #tpu.pack_format<interleaved>} : vector<32xbf16> -> vector<16xf32>
          %parallel_loop3A_575 = arith.mulf %parallel_loop3A_573, %parallel_loop3A_543 : vector<16xf32>
          %parallel_loop3A_576 = arith.index_cast %parallel_loop3A_540 : i32 to index
          %parallel_loop3A_577 = arith.constant 64 : index
          %parallel_loop3A_578 = tpu.vector_load %run_scoped3A_6[%parallel_loop3A_576, %parallel_loop3A_577] {strides = array<i32>} : memref<96x128xf32, #tpu.memory_space<vmem>>, vector<16xf32>,
          tpu.vector_store %run_scoped3A_6[%parallel_loop3A_576, %parallel_loop3A_577], %parallel_loop3A_575 {strides = array<i32>} : memref<96x128xf32, #tpu.memory_space<vmem>>, vector<16xf32>,
          %parallel_loop3A_579 = arith.mulf %parallel_loop3A_574, %parallel_loop3A_543 : vector<16xf32>
          %parallel_loop3A_580 = arith.index_cast %parallel_loop3A_540 : i32 to index
          %parallel_loop3A_581 = arith.constant 80 : index
          %parallel_loop3A_582 = tpu.vector_load %run_scoped3A_6[%parallel_loop3A_580, %parallel_loop3A_581] {strides = array<i32>} : memref<96x128xf32, #tpu.memory_space<vmem>>, vector<16xf32>,
          tpu.vector_store %run_scoped3A_6[%parallel_loop3A_580, %parallel_loop3A_581], %parallel_loop3A_579 {strides = array<i32>} : memref<96x128xf32, #tpu.memory_space<vmem>>, vector<16xf32>,
          %parallel_loop3A_583 = arith.index_cast %parallel_loop3A_540 : i32 to index
          %parallel_loop3A_584 = arith.constant 96 : index
          %parallel_loop3A_585 = tpu.vector_load %run_scoped3A_4[%parallel_loop3A_583, %parallel_loop3A_584] {strides = array<i32>} : memref<96x128xbf16, #tpu.memory_space<vmem>>, vector<32xbf16>,
          %parallel_loop3A_586 = tpu.unpack_subelements %parallel_loop3A_585, 0 {pack_format = #tpu.pack_format<interleaved>} : vector<32xbf16> -> vector<16xf32>
          %parallel_loop3A_587 = tpu.unpack_subelements %parallel_loop3A_585, 1 {pack_format = #tpu.pack_format<interleaved>} : vector<32xbf16> -> vector<16xf32>
          %parallel_loop3A_588 = arith.mulf %parallel_loop3A_586, %parallel_loop3A_543 : vector<16xf32>
          %parallel_loop3A_589 = arith.index_cast %parallel_loop3A_540 : i32 to index
          %parallel_loop3A_590 = arith.constant 96 : index
          %parallel_loop3A_591 = tpu.vector_load %run_scoped3A_6[%parallel_loop3A_589, %parallel_loop3A_590] {strides = array<i32>} : memref<96x128xf32, #tpu.memory_space<vmem>>, vector<16xf32>,
          tpu.vector_store %run_scoped3A_6[%parallel_loop3A_589, %parallel_loop3A_590], %parallel_loop3A_588 {strides = array<i32>} : memref<96x128xf32, #tpu.memory_space<vmem>>, vector<16xf32>,
          %parallel_loop3A_592 = arith.mulf %parallel_loop3A_587, %parallel_loop3A_543 : vector<16xf32>
          %parallel_loop3A_593 = arith.index_cast %parallel_loop3A_540 : i32 to index
          %parallel_loop3A_594 = arith.constant 112 : index
          %parallel_loop3A_595 = tpu.vector_load %run_scoped3A_6[%parallel_loop3A_593, %parallel_loop3A_594] {strides = array<i32>} : memref<96x128xf32, #tpu.memory_space<vmem>>, vector<16xf32>,
          tpu.vector_store %run_scoped3A_6[%parallel_loop3A_593, %parallel_loop3A_594], %parallel_loop3A_592 {strides = array<i32>} : memref<96x128xf32, #tpu.memory_space<vmem>>, vector<16xf32>,
        } {sc.loop_unroll_factor = 4 : i64, sc.parallel_access}
        %dma_start3A_506 = arith.constant 0 : i32
        %dma_start3A_507 = arith.constant 0 : i32
        %dma_start3A_508 = tpu.memref_slice %arg10[%dma_start3A_506, %dma_start3A_507] : memref<10240x128xf32, #tpu.memory_space<vmem_shared>> -> memref<10240x128xf32, #tpu.memory_space<vmem_shared>>
        tpu.enqueue_indirect_dma source(%run_scoped3A_6 : memref<96x128xf32, #tpu.memory_space<vmem>>) target(%dma_start3A_508 : memref<10240x128xf32, #tpu.memory_space<vmem_shared>>) offsets(%arg15 : memref<96xi32, #tpu.memory_space<vmem>>) semaphore(%arg19 : memref<!tpu.dma_semaphore, #tpu.memory_space<semaphore_mem>>) {add = true}
        %gt3A_509 = arith.constant 0 : i32
        %gt3A_510 = arith.cmpi sgt, %scan3A_475, %gt3A_509 : i32
        %convert_element_type3A_511 = arith.extui %gt3A_510 : i1 to i32
        %cond3A_512 = arith.constant 0 : i32
        %cond3A_513 = arith.cmpi ne, %convert_element_type3A_511, %cond3A_512 : i32
        scf.if %cond3A_513 {
          %dma_wait3A_540 = arith.constant 0 : i32
          %dma_wait3A_541 = arith.constant 0 : i32
          %dma_wait3A_542 = tpu.memref_slice %arg10[%dma_wait3A_540, %dma_wait3A_541] : memref<10240x128xf32, #tpu.memory_space<vmem_shared>> -> memref<10240x128xf32, #tpu.memory_space<vmem_shared>>
          tpu.wait_indirect_dma semaphore(%arg20 : memref<!tpu.dma_semaphore, #tpu.memory_space<semaphore_mem>>) src(%run_scoped3A_7 : memref<96x128xf32, #tpu.memory_space<vmem>>) dst(%dma_wait3A_542 : memref<10240x128xf32, #tpu.memory_space<vmem_shared>>)
        } else {
        }
        %lt3A = arith.constant 55 : i32
        %lt3A_514 = arith.cmpi slt, %scan3A_475, %lt3A : i32
        %convert_element_type3A_515 = arith.extui %lt3A_514 : i1 to i32
        %cond3A_516 = arith.constant 0 : i32
        %cond3A_517 = arith.cmpi ne, %convert_element_type3A_515, %cond3A_516 : i32
        scf.if %cond3A_517 {
          %add3A_540 = arith.constant 2 : i32
          %add3A_541 = arith.addi %mul3A_478, %add3A_540 : i32
          %mul3A_542 = arith.constant 96 : i32
          %mul3A_543 = arith.muli %add3A_541, %mul3A_542 : i32
          "tpu.region"() ({
            %run_scoped3A_551 = tpu.sem_alloc : memref<!tpu.dma_semaphore, #tpu.memory_space<semaphore_mem>>
            %dma_start3A_552 = arith.constant 0 : i32
            %dma_start3A_553 = tpu.memref_slice %arg5[%arg1, %dma_start3A_552] : memref<16x10752xi32, #tpu.memory_space<hbm>> -> memref<1x10752xi32, #tpu.memory_space<hbm>>
            %dma_start3A_554 = tpu.memref_squeeze %dma_start3A_553 : memref<1x10752xi32, #tpu.memory_space<hbm>> -> memref<10752xi32, #tpu.memory_space<hbm>>
            %dma_start3A_555 = tpu.memref_slice %dma_start3A_554[%mul3A_543] : memref<10752xi32, #tpu.memory_space<hbm>> -> memref<96xi32, #tpu.memory_space<hbm>>
            %dma_start3A_556 = arith.constant 0 : i32
            %dma_start3A_557 = tpu.memref_slice %arg5[%arg1, %dma_start3A_556] : memref<16x10752xi32, #tpu.memory_space<hbm>> -> memref<1x10752xi32, #tpu.memory_space<hbm>>
            %dma_start3A_558 = tpu.memref_squeeze %dma_start3A_557 : memref<1x10752xi32, #tpu.memory_space<hbm>> -> memref<10752xi32, #tpu.memory_space<hbm>>
            %dma_start3A_559 = tpu.memref_slice %dma_start3A_558[%mul3A_543] : memref<10752xi32, #tpu.memory_space<hbm>> -> memref<96xi32, #tpu.memory_space<hbm>>
            tpu.enqueue_dma source(%dma_start3A_559 : memref<96xi32, #tpu.memory_space<hbm>>) target(%arg13 : memref<96xi32, #tpu.memory_space<vmem>>) target_semaphore(%run_scoped3A_551 : memref<!tpu.dma_semaphore, #tpu.memory_space<semaphore_mem>>)
            %dma_wait3A_560 = arith.constant 0 : i32
            %dma_wait3A_561 = tpu.memref_slice %arg5[%arg1, %dma_wait3A_560] : memref<16x10752xi32, #tpu.memory_space<hbm>> -> memref<1x10752xi32, #tpu.memory_space<hbm>>
            %dma_wait3A_562 = tpu.memref_squeeze %dma_wait3A_561 : memref<1x10752xi32, #tpu.memory_space<hbm>> -> memref<10752xi32, #tpu.memory_space<hbm>>
            %dma_wait3A_563 = tpu.memref_slice %dma_wait3A_562[%mul3A_543] : memref<10752xi32, #tpu.memory_space<hbm>> -> memref<96xi32, #tpu.memory_space<hbm>>
            %dma_wait3A_564 = arith.constant 0 : i32
            %dma_wait3A_565 = tpu.memref_slice %arg5[%arg1, %dma_wait3A_564] : memref<16x10752xi32, #tpu.memory_space<hbm>> -> memref<1x10752xi32, #tpu.memory_space<hbm>>
            %dma_wait3A_566 = tpu.memref_squeeze %dma_wait3A_565 : memref<1x10752xi32, #tpu.memory_space<hbm>> -> memref<10752xi32, #tpu.memory_space<hbm>>
            %dma_wait3A_567 = tpu.memref_slice %dma_wait3A_566[%mul3A_543] : memref<10752xi32, #tpu.memory_space<hbm>> -> memref<96xi32, #tpu.memory_space<hbm>>
            tpu.wait_dma2 semaphore(%run_scoped3A_551 : memref<!tpu.dma_semaphore, #tpu.memory_space<semaphore_mem>>) src(%dma_wait3A_567 : memref<96xi32, #tpu.memory_space<hbm>>) dst(%arg13 : memref<96xi32, #tpu.memory_space<vmem>>)
            tpu.yield
          }) : () -> ()
          %dma_start3A_544 = arith.constant 0 : i32
          %dma_start3A_545 = arith.constant 0 : i32
          %dma_start3A_546 = tpu.memref_slice %arg2[%arg0, %dma_start3A_544, %dma_start3A_545] : memref<2x10000x128xbf16, #tpu.memory_space<hbm>> -> memref<1x10000x128xbf16, #tpu.memory_space<hbm>>
          %dma_start3A_547 = tpu.memref_squeeze %dma_start3A_546 : memref<1x10000x128xbf16, #tpu.memory_space<hbm>> -> memref<10000x128xbf16, #tpu.memory_space<hbm>>
          %dma_start3A_548 = arith.constant 0 : i32
          %dma_start3A_549 = arith.constant 0 : i32
          %dma_start3A_550 = tpu.memref_slice %dma_start3A_547[%dma_start3A_548, %dma_start3A_549] : memref<10000x128xbf16, #tpu.memory_space<hbm>> -> memref<10000x128xbf16, #tpu.memory_space<hbm>>
          tpu.enqueue_indirect_dma source(%dma_start3A_550 : memref<10000x128xbf16, #tpu.memory_space<hbm>>) target(%run_scoped3A_4 : memref<96x128xbf16, #tpu.memory_space<vmem>>) offsets(%arg13 : memref<96xi32, #tpu.memory_space<vmem>>) semaphore(%arg17 : memref<!tpu.dma_semaphore, #tpu.memory_space<semaphore_mem>>)
        } else {
        }
        %dma_wait3A_518 = arith.constant 0 : i32
        %dma_wait3A_519 = arith.constant 0 : i32
        %dma_wait3A_520 = tpu.memref_slice %arg2[%arg0, %dma_wait3A_518, %dma_wait3A_519] : memref<2x10000x128xbf16, #tpu.memory_space<hbm>> -> memref<1x10000x128xbf16, #tpu.memory_space<hbm>>
        %dma_wait3A_521 = tpu.memref_squeeze %dma_wait3A_520 : memref<1x10000x128xbf16, #tpu.memory_space<hbm>> -> memref<10000x128xbf16, #tpu.memory_space<hbm>>
        %dma_wait3A_522 = arith.constant 0 : i32
        %dma_wait3A_523 = arith.constant 0 : i32
        %dma_wait3A_524 = tpu.memref_slice %dma_wait3A_521[%dma_wait3A_522, %dma_wait3A_523] : memref<10000x128xbf16, #tpu.memory_space<hbm>> -> memref<10000x128xbf16, #tpu.memory_space<hbm>>
        tpu.wait_indirect_dma semaphore(%arg18 : memref<!tpu.dma_semaphore, #tpu.memory_space<semaphore_mem>>) src(%dma_wait3A_524 : memref<10000x128xbf16, #tpu.memory_space<hbm>>) dst(%run_scoped3A_5 : memref<96x128xbf16, #tpu.memory_space<vmem>>)
        %add3A_525 = arith.constant 1 : i32
        %add3A_526 = arith.addi %mul3A_478, %add3A_525 : i32
        %mul3A_527 = arith.constant 96 : i32
        %mul3A_528 = arith.muli %add3A_526, %mul3A_527 : i32
        "tpu.region"() ({
          %run_scoped3A_540 = tpu.sem_alloc : memref<!tpu.dma_semaphore, #tpu.memory_space<semaphore_mem>>
          %dma_start3A_541 = arith.constant 0 : i32
          %dma_start3A_542 = tpu.memref_slice %arg6[%arg1, %dma_start3A_541] : memref<16x10752xi32, #tpu.memory_space<hbm>> -> memref<1x10752xi32, #tpu.memory_space<hbm>>
          %dma_start3A_543 = tpu.memref_squeeze %dma_start3A_542 : memref<1x10752xi32, #tpu.memory_space<hbm>> -> memref<10752xi32, #tpu.memory_space<hbm>>
          %dma_start3A_544 = tpu.memref_slice %dma_start3A_543[%mul3A_528] : memref<10752xi32, #tpu.memory_space<hbm>> -> memref<96xi32, #tpu.memory_space<hbm>>
          %dma_start3A_545 = arith.constant 0 : i32
          %dma_start3A_546 = tpu.memref_slice %arg6[%arg1, %dma_start3A_545] : memref<16x10752xi32, #tpu.memory_space<hbm>> -> memref<1x10752xi32, #tpu.memory_space<hbm>>
          %dma_start3A_547 = tpu.memref_squeeze %dma_start3A_546 : memref<1x10752xi32, #tpu.memory_space<hbm>> -> memref<10752xi32, #tpu.memory_space<hbm>>
          %dma_start3A_548 = tpu.memref_slice %dma_start3A_547[%mul3A_528] : memref<10752xi32, #tpu.memory_space<hbm>> -> memref<96xi32, #tpu.memory_space<hbm>>
          tpu.enqueue_dma source(%dma_start3A_548 : memref<96xi32, #tpu.memory_space<hbm>>) target(%arg16 : memref<96xi32, #tpu.memory_space<vmem>>) target_semaphore(%run_scoped3A_540 : memref<!tpu.dma_semaphore, #tpu.memory_space<semaphore_mem>>)
          %dma_wait3A_549 = arith.constant 0 : i32
          %dma_wait3A_550 = tpu.memref_slice %arg6[%arg1, %dma_wait3A_549] : memref<16x10752xi32, #tpu.memory_space<hbm>> -> memref<1x10752xi32, #tpu.memory_space<hbm>>
          %dma_wait3A_551 = tpu.memref_squeeze %dma_wait3A_550 : memref<1x10752xi32, #tpu.memory_space<hbm>> -> memref<10752xi32, #tpu.memory_space<hbm>>
          %dma_wait3A_552 = tpu.memref_slice %dma_wait3A_551[%mul3A_528] : memref<10752xi32, #tpu.memory_space<hbm>> -> memref<96xi32, #tpu.memory_space<hbm>>
          %dma_wait3A_553 = arith.constant 0 : i32
          %dma_wait3A_554 = tpu.memref_slice %arg6[%arg1, %dma_wait3A_553] : memref<16x10752xi32, #tpu.memory_space<hbm>> -> memref<1x10752xi32, #tpu.memory_space<hbm>>
          %dma_wait3A_555 = tpu.memref_squeeze %dma_wait3A_554 : memref<1x10752xi32, #tpu.memory_space<hbm>> -> memref<10752xi32, #tpu.memory_space<hbm>>
          %dma_wait3A_556 = tpu.memref_slice %dma_wait3A_555[%mul3A_528] : memref<10752xi32, #tpu.memory_space<hbm>> -> memref<96xi32, #tpu.memory_space<hbm>>
          tpu.wait_dma2 semaphore(%run_scoped3A_540 : memref<!tpu.dma_semaphore, #tpu.memory_space<semaphore_mem>>) src(%dma_wait3A_556 : memref<96xi32, #tpu.memory_space<hbm>>) dst(%arg16 : memref<96xi32, #tpu.memory_space<vmem>>)
          tpu.yield
        }) : () -> ()
        %add3A_529 = arith.constant 1 : i32
        %add3A_530 = arith.addi %mul3A_478, %add3A_529 : i32
        %mul3A_531 = arith.constant 96 : i32
        %mul3A_532 = arith.muli %add3A_530, %mul3A_531 : i32
        %parallel_loop3A_533 = arith.constant 0 : i32
        %parallel_loop3A_534 = arith.constant 96 : i32
        %parallel_loop3A_535 = arith.constant 1 : i32
        scf.for %parallel_loop3A_540 = %parallel_loop3A_533 to %parallel_loop3A_534 step %parallel_loop3A_535  : i32 {
          %parallel_loop3A_541 = arith.addi %mul3A_532, %parallel_loop3A_540 : i32
          %parallel_loop3A_542 = vector.broadcast %parallel_loop3A_541 : i32 to vector<16xi32>
          %parallel_loop3A_543 = tpu.vector_load_idx %arg11[%parallel_loop3A_542] : memref<10752xf32, #tpu.memory_space<vmem>>[vector<16xi32>], vector<16xf32>,
          %parallel_loop3A_544 = arith.index_cast %parallel_loop3A_540 : i32 to index
          %parallel_loop3A_545 = arith.constant 0 : index
          %parallel_loop3A_546 = tpu.vector_load %run_scoped3A_5[%parallel_loop3A_544, %parallel_loop3A_545] {strides = array<i32>} : memref<96x128xbf16, #tpu.memory_space<vmem>>, vector<32xbf16>,
          %parallel_loop3A_547 = tpu.unpack_subelements %parallel_loop3A_546, 0 {pack_format = #tpu.pack_format<interleaved>} : vector<32xbf16> -> vector<16xf32>
          %parallel_loop3A_548 = tpu.unpack_subelements %parallel_loop3A_546, 1 {pack_format = #tpu.pack_format<interleaved>} : vector<32xbf16> -> vector<16xf32>
          %parallel_loop3A_549 = arith.mulf %parallel_loop3A_547, %parallel_loop3A_543 : vector<16xf32>
          %parallel_loop3A_550 = arith.index_cast %parallel_loop3A_540 : i32 to index
          %parallel_loop3A_551 = arith.constant 0 : index
          %parallel_loop3A_552 = tpu.vector_load %run_scoped3A_7[%parallel_loop3A_550, %parallel_loop3A_551] {strides = array<i32>} : memref<96x128xf32, #tpu.memory_space<vmem>>, vector<16xf32>,
          tpu.vector_store %run_scoped3A_7[%parallel_loop3A_550, %parallel_loop3A_551], %parallel_loop3A_549 {strides = array<i32>} : memref<96x128xf32, #tpu.memory_space<vmem>>, vector<16xf32>,
          %parallel_loop3A_553 = arith.mulf %parallel_loop3A_548, %parallel_loop3A_543 : vector<16xf32>
          %parallel_loop3A_554 = arith.index_cast %parallel_loop3A_540 : i32 to index
          %parallel_loop3A_555 = arith.constant 16 : index
          %parallel_loop3A_556 = tpu.vector_load %run_scoped3A_7[%parallel_loop3A_554, %parallel_loop3A_555] {strides = array<i32>} : memref<96x128xf32, #tpu.memory_space<vmem>>, vector<16xf32>,
          tpu.vector_store %run_scoped3A_7[%parallel_loop3A_554, %parallel_loop3A_555], %parallel_loop3A_553 {strides = array<i32>} : memref<96x128xf32, #tpu.memory_space<vmem>>, vector<16xf32>,
          %parallel_loop3A_557 = arith.index_cast %parallel_loop3A_540 : i32 to index
          %parallel_loop3A_558 = arith.constant 32 : index
          %parallel_loop3A_559 = tpu.vector_load %run_scoped3A_5[%parallel_loop3A_557, %parallel_loop3A_558] {strides = array<i32>} : memref<96x128xbf16, #tpu.memory_space<vmem>>, vector<32xbf16>,
          %parallel_loop3A_560 = tpu.unpack_subelements %parallel_loop3A_559, 0 {pack_format = #tpu.pack_format<interleaved>} : vector<32xbf16> -> vector<16xf32>
          %parallel_loop3A_561 = tpu.unpack_subelements %parallel_loop3A_559, 1 {pack_format = #tpu.pack_format<interleaved>} : vector<32xbf16> -> vector<16xf32>
          %parallel_loop3A_562 = arith.mulf %parallel_loop3A_560, %parallel_loop3A_543 : vector<16xf32>
          %parallel_loop3A_563 = arith.index_cast %parallel_loop3A_540 : i32 to index
          %parallel_loop3A_564 = arith.constant 32 : index
          %parallel_loop3A_565 = tpu.vector_load %run_scoped3A_7[%parallel_loop3A_563, %parallel_loop3A_564] {strides = array<i32>} : memref<96x128xf32, #tpu.memory_space<vmem>>, vector<16xf32>,
          tpu.vector_store %run_scoped3A_7[%parallel_loop3A_563, %parallel_loop3A_564], %parallel_loop3A_562 {strides = array<i32>} : memref<96x128xf32, #tpu.memory_space<vmem>>, vector<16xf32>,
          %parallel_loop3A_566 = arith.mulf %parallel_loop3A_561, %parallel_loop3A_543 : vector<16xf32>
          %parallel_loop3A_567 = arith.index_cast %parallel_loop3A_540 : i32 to index
          %parallel_loop3A_568 = arith.constant 48 : index
          %parallel_loop3A_569 = tpu.vector_load %run_scoped3A_7[%parallel_loop3A_567, %parallel_loop3A_568] {strides = array<i32>} : memref<96x128xf32, #tpu.memory_space<vmem>>, vector<16xf32>,
          tpu.vector_store %run_scoped3A_7[%parallel_loop3A_567, %parallel_loop3A_568], %parallel_loop3A_566 {strides = array<i32>} : memref<96x128xf32, #tpu.memory_space<vmem>>, vector<16xf32>,
          %parallel_loop3A_570 = arith.index_cast %parallel_loop3A_540 : i32 to index
          %parallel_loop3A_571 = arith.constant 64 : index
          %parallel_loop3A_572 = tpu.vector_load %run_scoped3A_5[%parallel_loop3A_570, %parallel_loop3A_571] {strides = array<i32>} : memref<96x128xbf16, #tpu.memory_space<vmem>>, vector<32xbf16>,
          %parallel_loop3A_573 = tpu.unpack_subelements %parallel_loop3A_572, 0 {pack_format = #tpu.pack_format<interleaved>} : vector<32xbf16> -> vector<16xf32>
          %parallel_loop3A_574 = tpu.unpack_subelements %parallel_loop3A_572, 1 {pack_format = #tpu.pack_format<interleaved>} : vector<32xbf16> -> vector<16xf32>
          %parallel_loop3A_575 = arith.mulf %parallel_loop3A_573, %parallel_loop3A_543 : vector<16xf32>
          %parallel_loop3A_576 = arith.index_cast %parallel_loop3A_540 : i32 to index
          %parallel_loop3A_577 = arith.constant 64 : index
          %parallel_loop3A_578 = tpu.vector_load %run_scoped3A_7[%parallel_loop3A_576, %parallel_loop3A_577] {strides = array<i32>} : memref<96x128xf32, #tpu.memory_space<vmem>>, vector<16xf32>,
          tpu.vector_store %run_scoped3A_7[%parallel_loop3A_576, %parallel_loop3A_577], %parallel_loop3A_575 {strides = array<i32>} : memref<96x128xf32, #tpu.memory_space<vmem>>, vector<16xf32>,
          %parallel_loop3A_579 = arith.mulf %parallel_loop3A_574, %parallel_loop3A_543 : vector<16xf32>
          %parallel_loop3A_580 = arith.index_cast %parallel_loop3A_540 : i32 to index
          %parallel_loop3A_581 = arith.constant 80 : index
          %parallel_loop3A_582 = tpu.vector_load %run_scoped3A_7[%parallel_loop3A_580, %parallel_loop3A_581] {strides = array<i32>} : memref<96x128xf32, #tpu.memory_space<vmem>>, vector<16xf32>,
          tpu.vector_store %run_scoped3A_7[%parallel_loop3A_580, %parallel_loop3A_581], %parallel_loop3A_579 {strides = array<i32>} : memref<96x128xf32, #tpu.memory_space<vmem>>, vector<16xf32>,
          %parallel_loop3A_583 = arith.index_cast %parallel_loop3A_540 : i32 to index
          %parallel_loop3A_584 = arith.constant 96 : index
          %parallel_loop3A_585 = tpu.vector_load %run_scoped3A_5[%parallel_loop3A_583, %parallel_loop3A_584] {strides = array<i32>} : memref<96x128xbf16, #tpu.memory_space<vmem>>, vector<32xbf16>,
          %parallel_loop3A_586 = tpu.unpack_subelements %parallel_loop3A_585, 0 {pack_format = #tpu.pack_format<interleaved>} : vector<32xbf16> -> vector<16xf32>
          %parallel_loop3A_587 = tpu.unpack_subelements %parallel_loop3A_585, 1 {pack_format = #tpu.pack_format<interleaved>} : vector<32xbf16> -> vector<16xf32>
          %parallel_loop3A_588 = arith.mulf %parallel_loop3A_586, %parallel_loop3A_543 : vector<16xf32>
          %parallel_loop3A_589 = arith.index_cast %parallel_loop3A_540 : i32 to index
          %parallel_loop3A_590 = arith.constant 96 : index
          %parallel_loop3A_591 = tpu.vector_load %run_scoped3A_7[%parallel_loop3A_589, %parallel_loop3A_590] {strides = array<i32>} : memref<96x128xf32, #tpu.memory_space<vmem>>, vector<16xf32>,
          tpu.vector_store %run_scoped3A_7[%parallel_loop3A_589, %parallel_loop3A_590], %parallel_loop3A_588 {strides = array<i32>} : memref<96x128xf32, #tpu.memory_space<vmem>>, vector<16xf32>,
          %parallel_loop3A_592 = arith.mulf %parallel_loop3A_587, %parallel_loop3A_543 : vector<16xf32>
          %parallel_loop3A_593 = arith.index_cast %parallel_loop3A_540 : i32 to index
          %parallel_loop3A_594 = arith.constant 112 : index
          %parallel_loop3A_595 = tpu.vector_load %run_scoped3A_7[%parallel_loop3A_593, %parallel_loop3A_594] {strides = array<i32>} : memref<96x128xf32, #tpu.memory_space<vmem>>, vector<16xf32>,
          tpu.vector_store %run_scoped3A_7[%parallel_loop3A_593, %parallel_loop3A_594], %parallel_loop3A_592 {strides = array<i32>} : memref<96x128xf32, #tpu.memory_space<vmem>>, vector<16xf32>,
        } {sc.loop_unroll_factor = 4 : i64, sc.parallel_access}
        %dma_start3A_536 = arith.constant 0 : i32
        %dma_start3A_537 = arith.constant 0 : i32
        %dma_start3A_538 = tpu.memref_slice %arg10[%dma_start3A_536, %dma_start3A_537] : memref<10240x128xf32, #tpu.memory_space<vmem_shared>> -> memref<10240x128xf32, #tpu.memory_space<vmem_shared>>
        tpu.enqueue_indirect_dma source(%run_scoped3A_7 : memref<96x128xf32, #tpu.memory_space<vmem>>) target(%dma_start3A_538 : memref<10240x128xf32, #tpu.memory_space<vmem_shared>>) offsets(%arg16 : memref<96xi32, #tpu.memory_space<vmem>>) semaphore(%arg20 : memref<!tpu.dma_semaphore, #tpu.memory_space<semaphore_mem>>) {add = true}
        %scan3A_539 = arith.constant 0 : i32
        scf.yield %scan3A_539 : i32
      }
      %scan3A_187 = arith.constant 56 : i32
      %dma_wait3A_188 = arith.constant 0 : i32
      %dma_wait3A_189 = arith.constant 0 : i32
      %dma_wait3A_190 = tpu.memref_slice %arg10[%dma_wait3A_188, %dma_wait3A_189] : memref<10240x128xf32, #tpu.memory_space<vmem_shared>> -> memref<10240x128xf32, #tpu.memory_space<vmem_shared>>
      tpu.wait_indirect_dma semaphore(%arg19 : memref<!tpu.dma_semaphore, #tpu.memory_space<semaphore_mem>>) src(%run_scoped3A_6 : memref<96x128xf32, #tpu.memory_space<vmem>>) dst(%dma_wait3A_190 : memref<10240x128xf32, #tpu.memory_space<vmem_shared>>)
      %dma_wait3A_191 = arith.constant 0 : i32
      %dma_wait3A_192 = arith.constant 0 : i32
      %dma_wait3A_193 = tpu.memref_slice %arg10[%dma_wait3A_191, %dma_wait3A_192] : memref<10240x128xf32, #tpu.memory_space<vmem_shared>> -> memref<10240x128xf32, #tpu.memory_space<vmem_shared>>
      tpu.wait_indirect_dma semaphore(%arg20 : memref<!tpu.dma_semaphore, #tpu.memory_space<semaphore_mem>>) src(%run_scoped3A_7 : memref<96x128xf32, #tpu.memory_space<vmem>>) dst(%dma_wait3A_193 : memref<10240x128xf32, #tpu.memory_space<vmem_shared>>)
      %barrier3A_194 = arith.constant 0 : index
      tpu.barrier barrier_id(%barrier3A_194)
      %add3A_195 = arith.constant 0 : i32
      %add3A_196 = arith.addi %mul3A_3, %add3A_195 : i32
      "tpu.region"() ({
        %run_scoped3A_475 = tpu.sem_alloc : memref<!tpu.dma_semaphore, #tpu.memory_space<semaphore_mem>>
        %dma_start3A_476 = arith.constant 0 : i32
        %dma_start3A_477 = arith.constant 0 : i32
        %dma_start3A_478 = tpu.memref_slice %run_scoped3A_6[%dma_start3A_476, %dma_start3A_477] : memref<96x128xf32, #tpu.memory_space<vmem>> -> memref<96x128xf32, #tpu.memory_space<vmem>>
        %dma_start3A_479 = arith.constant 0 : i32
        %dma_start3A_480 = tpu.memref_slice %arg10[%add3A_196, %dma_start3A_479] : memref<10240x128xf32, #tpu.memory_space<vmem_shared>> -> memref<96x128xf32, #tpu.memory_space<vmem_shared>>
        %dma_start3A_481 = arith.constant 0 : i32
        %dma_start3A_482 = arith.constant 0 : i32
        %dma_start3A_483 = tpu.memref_slice %run_scoped3A_6[%dma_start3A_481, %dma_start3A_482] : memref<96x128xf32, #tpu.memory_space<vmem>> -> memref<96x128xf32, #tpu.memory_space<vmem>>
        %dma_start3A_484 = arith.constant 0 : i32
        %dma_start3A_485 = tpu.memref_slice %arg10[%add3A_196, %dma_start3A_484] : memref<10240x128xf32, #tpu.memory_space<vmem_shared>> -> memref<96x128xf32, #tpu.memory_space<vmem_shared>>
        tpu.enqueue_dma source(%dma_start3A_485 : memref<96x128xf32, #tpu.memory_space<vmem_shared>>) target(%dma_start3A_483 : memref<96x128xf32, #tpu.memory_space<vmem>>) target_semaphore(%run_scoped3A_475 : memref<!tpu.dma_semaphore, #tpu.memory_space<semaphore_mem>>)
        %dma_wait3A_486 = arith.constant 0 : i32
        %dma_wait3A_487 = arith.constant 0 : i32
        %dma_wait3A_488 = tpu.memref_slice %run_scoped3A_6[%dma_wait3A_486, %dma_wait3A_487] : memref<96x128xf32, #tpu.memory_space<vmem>> -> memref<96x128xf32, #tpu.memory_space<vmem>>
        %dma_wait3A_489 = arith.constant 0 : i32
        %dma_wait3A_490 = tpu.memref_slice %arg10[%add3A_196, %dma_wait3A_489] : memref<10240x128xf32, #tpu.memory_space<vmem_shared>> -> memref<96x128xf32, #tpu.memory_space<vmem_shared>>
        %dma_wait3A_491 = arith.constant 0 : i32
        %dma_wait3A_492 = arith.constant 0 : i32
        %dma_wait3A_493 = tpu.memref_slice %run_scoped3A_6[%dma_wait3A_491, %dma_wait3A_492] : memref<96x128xf32, #tpu.memory_space<vmem>> -> memref<96x128xf32, #tpu.memory_space<vmem>>
        %dma_wait3A_494 = arith.constant 0 : i32
        %dma_wait3A_495 = tpu.memref_slice %arg10[%add3A_196, %dma_wait3A_494] : memref<10240x128xf32, #tpu.memory_space<vmem_shared>> -> memref<96x128xf32, #tpu.memory_space<vmem_shared>>
        tpu.wait_dma2 semaphore(%run_scoped3A_475 : memref<!tpu.dma_semaphore, #tpu.memory_space<semaphore_mem>>) src(%dma_wait3A_495 : memref<96x128xf32, #tpu.memory_space<vmem_shared>>) dst(%dma_wait3A_493 : memref<96x128xf32, #tpu.memory_space<vmem>>)
        tpu.yield
      }) : () -> ()
      %dma_start3A_197 = arith.constant 0 : i32
      %dma_start3A_198 = arith.constant 0 : i32
      %dma_start3A_199 = tpu.memref_slice %run_scoped3A_6[%dma_start3A_197, %dma_start3A_198] : memref<96x128xf32, #tpu.memory_space<vmem>> -> memref<96x128xf32, #tpu.memory_space<vmem>>
      %dma_start3A_200 = arith.constant 0 : i32
      %dma_start3A_201 = arith.constant 0 : i32
      %dma_start3A_202 = tpu.memref_slice %arg8[%arg0, %dma_start3A_200, %dma_start3A_201] : memref<2x10240x128xf32, #tpu.memory_space<hbm>> -> memref<1x10240x128xf32, #tpu.memory_space<hbm>>
      %dma_start3A_203 = tpu.memref_squeeze %dma_start3A_202 : memref<1x10240x128xf32, #tpu.memory_space<hbm>> -> memref<10240x128xf32, #tpu.memory_space<hbm>>
      %dma_start3A_204 = arith.constant 0 : i32
      %dma_start3A_205 = tpu.memref_slice %dma_start3A_203[%add3A_196, %dma_start3A_204] : memref<10240x128xf32, #tpu.memory_space<hbm>> -> memref<96x128xf32, #tpu.memory_space<hbm>>
      %dma_start3A_206 = arith.constant 0 : i32
      %dma_start3A_207 = arith.constant 0 : i32
      %dma_start3A_208 = tpu.memref_slice %arg8[%arg0, %dma_start3A_206, %dma_start3A_207] : memref<2x10240x128xf32, #tpu.memory_space<hbm>> -> memref<1x10240x128xf32, #tpu.memory_space<hbm>>
      %dma_start3A_209 = tpu.memref_squeeze %dma_start3A_208 : memref<1x10240x128xf32, #tpu.memory_space<hbm>> -> memref<10240x128xf32, #tpu.memory_space<hbm>>
      %dma_start3A_210 = arith.constant 0 : i32
      %dma_start3A_211 = tpu.memref_slice %dma_start3A_209[%add3A_196, %dma_start3A_210] : memref<10240x128xf32, #tpu.memory_space<hbm>> -> memref<96x128xf32, #tpu.memory_space<hbm>>
      %dma_start3A_212 = arith.constant 0 : i32
      %dma_start3A_213 = arith.constant 0 : i32
      %dma_start3A_214 = tpu.memref_slice %run_scoped3A_6[%dma_start3A_212, %dma_start3A_213] : memref<96x128xf32, #tpu.memory_space<vmem>> -> memref<96x128xf32, #tpu.memory_space<vmem>>
      tpu.enqueue_dma source(%dma_start3A_214 : memref<96x128xf32, #tpu.memory_space<vmem>>) target(%dma_start3A_211 : memref<96x128xf32, #tpu.memory_space<hbm>>) target_semaphore(%arg19 : memref<!tpu.dma_semaphore, #tpu.memory_space<semaphore_mem>>)
      %add3A_215 = arith.constant 96 : i32
      %add3A_216 = arith.addi %mul3A_3, %add3A_215 : i32
      "tpu.region"() ({
        %run_scoped3A_475 = tpu.sem_alloc : memref<!tpu.dma_semaphore, #tpu.memory_space<semaphore_mem>>
        %dma_start3A_476 = arith.constant 0 : i32
        %dma_start3A_477 = arith.constant 0 : i32
        %dma_start3A_478 = tpu.memref_slice %run_scoped3A_7[%dma_start3A_476, %dma_start3A_477] : memref<96x128xf32, #tpu.memory_space<vmem>> -> memref<96x128xf32, #tpu.memory_space<vmem>>
        %dma_start3A_479 = arith.constant 0 : i32
        %dma_start3A_480 = tpu.memref_slice %arg10[%add3A_216, %dma_start3A_479] : memref<10240x128xf32, #tpu.memory_space<vmem_shared>> -> memref<96x128xf32, #tpu.memory_space<vmem_shared>>
        %dma_start3A_481 = arith.constant 0 : i32
        %dma_start3A_482 = arith.constant 0 : i32
        %dma_start3A_483 = tpu.memref_slice %run_scoped3A_7[%dma_start3A_481, %dma_start3A_482] : memref<96x128xf32, #tpu.memory_space<vmem>> -> memref<96x128xf32, #tpu.memory_space<vmem>>
        %dma_start3A_484 = arith.constant 0 : i32
        %dma_start3A_485 = tpu.memref_slice %arg10[%add3A_216, %dma_start3A_484] : memref<10240x128xf32, #tpu.memory_space<vmem_shared>> -> memref<96x128xf32, #tpu.memory_space<vmem_shared>>
        tpu.enqueue_dma source(%dma_start3A_485 : memref<96x128xf32, #tpu.memory_space<vmem_shared>>) target(%dma_start3A_483 : memref<96x128xf32, #tpu.memory_space<vmem>>) target_semaphore(%run_scoped3A_475 : memref<!tpu.dma_semaphore, #tpu.memory_space<semaphore_mem>>)
        %dma_wait3A_486 = arith.constant 0 : i32
        %dma_wait3A_487 = arith.constant 0 : i32
        %dma_wait3A_488 = tpu.memref_slice %run_scoped3A_7[%dma_wait3A_486, %dma_wait3A_487] : memref<96x128xf32, #tpu.memory_space<vmem>> -> memref<96x128xf32, #tpu.memory_space<vmem>>
        %dma_wait3A_489 = arith.constant 0 : i32
        %dma_wait3A_490 = tpu.memref_slice %arg10[%add3A_216, %dma_wait3A_489] : memref<10240x128xf32, #tpu.memory_space<vmem_shared>> -> memref<96x128xf32, #tpu.memory_space<vmem_shared>>
        %dma_wait3A_491 = arith.constant 0 : i32
        %dma_wait3A_492 = arith.constant 0 : i32
        %dma_wait3A_493 = tpu.memref_slice %run_scoped3A_7[%dma_wait3A_491, %dma_wait3A_492] : memref<96x128xf32, #tpu.memory_space<vmem>> -> memref<96x128xf32, #tpu.memory_space<vmem>>
        %dma_wait3A_494 = arith.constant 0 : i32
        %dma_wait3A_495 = tpu.memref_slice %arg10[%add3A_216, %dma_wait3A_494] : memref<10240x128xf32, #tpu.memory_space<vmem_shared>> -> memref<96x128xf32, #tpu.memory_space<vmem_shared>>
        tpu.wait_dma2 semaphore(%run_scoped3A_475 : memref<!tpu.dma_semaphore, #tpu.memory_space<semaphore_mem>>) src(%dma_wait3A_495 : memref<96x128xf32, #tpu.memory_space<vmem_shared>>) dst(%dma_wait3A_493 : memref<96x128xf32, #tpu.memory_space<vmem>>)
        tpu.yield
      }) : () -> ()
      %dma_start3A_217 = arith.constant 0 : i32
      %dma_start3A_218 = arith.constant 0 : i32
      %dma_start3A_219 = tpu.memref_slice %run_scoped3A_7[%dma_start3A_217, %dma_start3A_218] : memref<96x128xf32, #tpu.memory_space<vmem>> -> memref<96x128xf32, #tpu.memory_space<vmem>>
      %dma_start3A_220 = arith.constant 0 : i32
      %dma_start3A_221 = arith.constant 0 : i32
      %dma_start3A_222 = tpu.memref_slice %arg8[%arg0, %dma_start3A_220, %dma_start3A_221] : memref<2x10240x128xf32, #tpu.memory_space<hbm>> -> memref<1x10240x128xf32, #tpu.memory_space<hbm>>
      %dma_start3A_223 = tpu.memref_squeeze %dma_start3A_222 : memref<1x10240x128xf32, #tpu.memory_space<hbm>> -> memref<10240x128xf32, #tpu.memory_space<hbm>>
      %dma_start3A_224 = arith.constant 0 : i32
      %dma_start3A_225 = tpu.memref_slice %dma_start3A_223[%add3A_216, %dma_start3A_224] : memref<10240x128xf32, #tpu.memory_space<hbm>> -> memref<96x128xf32, #tpu.memory_space<hbm>>
      %dma_start3A_226 = arith.constant 0 : i32
      %dma_start3A_227 = arith.constant 0 : i32
      %dma_start3A_228 = tpu.memref_slice %arg8[%arg0, %dma_start3A_226, %dma_start3A_227] : memref<2x10240x128xf32, #tpu.memory_space<hbm>> -> memref<1x10240x128xf32, #tpu.memory_space<hbm>>
      %dma_start3A_229 = tpu.memref_squeeze %dma_start3A_228 : memref<1x10240x128xf32, #tpu.memory_space<hbm>> -> memref<10240x128xf32, #tpu.memory_space<hbm>>
      %dma_start3A_230 = arith.constant 0 : i32
      %dma_start3A_231 = tpu.memref_slice %dma_start3A_229[%add3A_216, %dma_start3A_230] : memref<10240x128xf32, #tpu.memory_space<hbm>> -> memref<96x128xf32, #tpu.memory_space<hbm>>
      %dma_start3A_232 = arith.constant 0 : i32
      %dma_start3A_233 = arith.constant 0 : i32
      %dma_start3A_234 = tpu.memref_slice %run_scoped3A_7[%dma_start3A_232, %dma_start3A_233] : memref<96x128xf32, #tpu.memory_space<vmem>> -> memref<96x128xf32, #tpu.memory_space<vmem>>
      tpu.enqueue_dma source(%dma_start3A_234 : memref<96x128xf32, #tpu.memory_space<vmem>>) target(%dma_start3A_231 : memref<96x128xf32, #tpu.memory_space<hbm>>) target_semaphore(%arg20 : memref<!tpu.dma_semaphore, #tpu.memory_space<semaphore_mem>>)
      %add3A_235 = arith.constant 192 : i32
      %add3A_236 = arith.addi %mul3A_3, %add3A_235 : i32
      %add3A_237 = arith.constant 0 : i32
      %add3A_238 = arith.addi %mul3A_3, %add3A_237 : i32
      %dma_wait3A_239 = arith.constant 0 : i32
      %dma_wait3A_240 = arith.constant 0 : i32
      %dma_wait3A_241 = tpu.memref_slice %run_scoped3A_6[%dma_wait3A_239, %dma_wait3A_240] : memref<96x128xf32, #tpu.memory_space<vmem>> -> memref<96x128xf32, #tpu.memory_space<vmem>>
      %dma_wait3A_242 = arith.constant 0 : i32
      %dma_wait3A_243 = arith.constant 0 : i32
      %dma_wait3A_244 = tpu.memref_slice %arg8[%arg0, %dma_wait3A_242, %dma_wait3A_243] : memref<2x10240x128xf32, #tpu.memory_space<hbm>> -> memref<1x10240x128xf32, #tpu.memory_space<hbm>>
      %dma_wait3A_245 = tpu.memref_squeeze %dma_wait3A_244 : memref<1x10240x128xf32, #tpu.memory_space<hbm>> -> memref<10240x128xf32, #tpu.memory_space<hbm>>
      %dma_wait3A_246 = arith.constant 0 : i32
      %dma_wait3A_247 = tpu.memref_slice %dma_wait3A_245[%add3A_238, %dma_wait3A_246] : memref<10240x128xf32, #tpu.memory_space<hbm>> -> memref<96x128xf32, #tpu.memory_space<hbm>>
      %dma_wait3A_248 = arith.constant 0 : i32
      %dma_wait3A_249 = arith.constant 0 : i32
      %dma_wait3A_250 = tpu.memref_slice %arg8[%arg0, %dma_wait3A_248, %dma_wait3A_249] : memref<2x10240x128xf32, #tpu.memory_space<hbm>> -> memref<1x10240x128xf32, #tpu.memory_space<hbm>>
      %dma_wait3A_251 = tpu.memref_squeeze %dma_wait3A_250 : memref<1x10240x128xf32, #tpu.memory_space<hbm>> -> memref<10240x128xf32, #tpu.memory_space<hbm>>
      %dma_wait3A_252 = arith.constant 0 : i32
      %dma_wait3A_253 = tpu.memref_slice %dma_wait3A_251[%add3A_238, %dma_wait3A_252] : memref<10240x128xf32, #tpu.memory_space<hbm>> -> memref<96x128xf32, #tpu.memory_space<hbm>>
      %dma_wait3A_254 = arith.constant 0 : i32
      %dma_wait3A_255 = arith.constant 0 : i32
      %dma_wait3A_256 = tpu.memref_slice %run_scoped3A_6[%dma_wait3A_254, %dma_wait3A_255] : memref<96x128xf32, #tpu.memory_space<vmem>> -> memref<96x128xf32, #tpu.memory_space<vmem>>
      tpu.wait_dma2 semaphore(%arg19 : memref<!tpu.dma_semaphore, #tpu.memory_space<semaphore_mem>>) src(%dma_wait3A_256 : memref<96x128xf32, #tpu.memory_space<vmem>>) dst(%dma_wait3A_253 : memref<96x128xf32, #tpu.memory_space<hbm>>)
      "tpu.region"() ({
        %run_scoped3A_475 = tpu.sem_alloc : memref<!tpu.dma_semaphore, #tpu.memory_space<semaphore_mem>>
        %dma_start3A_476 = arith.constant 0 : i32
        %dma_start3A_477 = arith.constant 0 : i32
        %dma_start3A_478 = tpu.memref_slice %run_scoped3A_6[%dma_start3A_476, %dma_start3A_477] : memref<96x128xf32, #tpu.memory_space<vmem>> -> memref<96x128xf32, #tpu.memory_space<vmem>>
        %dma_start3A_479 = arith.constant 0 : i32
        %dma_start3A_480 = tpu.memref_slice %arg10[%add3A_236, %dma_start3A_479] : memref<10240x128xf32, #tpu.memory_space<vmem_shared>> -> memref<96x128xf32, #tpu.memory_space<vmem_shared>>
        %dma_start3A_481 = arith.constant 0 : i32
        %dma_start3A_482 = arith.constant 0 : i32
        %dma_start3A_483 = tpu.memref_slice %run_scoped3A_6[%dma_start3A_481, %dma_start3A_482] : memref<96x128xf32, #tpu.memory_space<vmem>> -> memref<96x128xf32, #tpu.memory_space<vmem>>
        %dma_start3A_484 = arith.constant 0 : i32
        %dma_start3A_485 = tpu.memref_slice %arg10[%add3A_236, %dma_start3A_484] : memref<10240x128xf32, #tpu.memory_space<vmem_shared>> -> memref<96x128xf32, #tpu.memory_space<vmem_shared>>
        tpu.enqueue_dma source(%dma_start3A_485 : memref<96x128xf32, #tpu.memory_space<vmem_shared>>) target(%dma_start3A_483 : memref<96x128xf32, #tpu.memory_space<vmem>>) target_semaphore(%run_scoped3A_475 : memref<!tpu.dma_semaphore, #tpu.memory_space<semaphore_mem>>)
        %dma_wait3A_486 = arith.constant 0 : i32
        %dma_wait3A_487 = arith.constant 0 : i32
        %dma_wait3A_488 = tpu.memref_slice %run_scoped3A_6[%dma_wait3A_486, %dma_wait3A_487] : memref<96x128xf32, #tpu.memory_space<vmem>> -> memref<96x128xf32, #tpu.memory_space<vmem>>
        %dma_wait3A_489 = arith.constant 0 : i32
        %dma_wait3A_490 = tpu.memref_slice %arg10[%add3A_236, %dma_wait3A_489] : memref<10240x128xf32, #tpu.memory_space<vmem_shared>> -> memref<96x128xf32, #tpu.memory_space<vmem_shared>>
        %dma_wait3A_491 = arith.constant 0 : i32
        %dma_wait3A_492 = arith.constant 0 : i32
        %dma_wait3A_493 = tpu.memref_slice %run_scoped3A_6[%dma_wait3A_491, %dma_wait3A_492] : memref<96x128xf32, #tpu.memory_space<vmem>> -> memref<96x128xf32, #tpu.memory_space<vmem>>
        %dma_wait3A_494 = arith.constant 0 : i32
        %dma_wait3A_495 = tpu.memref_slice %arg10[%add3A_236, %dma_wait3A_494] : memref<10240x128xf32, #tpu.memory_space<vmem_shared>> -> memref<96x128xf32, #tpu.memory_space<vmem_shared>>
        tpu.wait_dma2 semaphore(%run_scoped3A_475 : memref<!tpu.dma_semaphore, #tpu.memory_space<semaphore_mem>>) src(%dma_wait3A_495 : memref<96x128xf32, #tpu.memory_space<vmem_shared>>) dst(%dma_wait3A_493 : memref<96x128xf32, #tpu.memory_space<vmem>>)
        tpu.yield
      }) : () -> ()
      %dma_start3A_257 = arith.constant 0 : i32
      %dma_start3A_258 = arith.constant 0 : i32
      %dma_start3A_259 = tpu.memref_slice %run_scoped3A_6[%dma_start3A_257, %dma_start3A_258] : memref<96x128xf32, #tpu.memory_space<vmem>> -> memref<96x128xf32, #tpu.memory_space<vmem>>
      %dma_start3A_260 = arith.constant 0 : i32
      %dma_start3A_261 = arith.constant 0 : i32
      %dma_start3A_262 = tpu.memref_slice %arg8[%arg0, %dma_start3A_260, %dma_start3A_261] : memref<2x10240x128xf32, #tpu.memory_space<hbm>> -> memref<1x10240x128xf32, #tpu.memory_space<hbm>>
      %dma_start3A_263 = tpu.memref_squeeze %dma_start3A_262 : memref<1x10240x128xf32, #tpu.memory_space<hbm>> -> memref<10240x128xf32, #tpu.memory_space<hbm>>
      %dma_start3A_264 = arith.constant 0 : i32
      %dma_start3A_265 = tpu.memref_slice %dma_start3A_263[%add3A_236, %dma_start3A_264] : memref<10240x128xf32, #tpu.memory_space<hbm>> -> memref<96x128xf32, #tpu.memory_space<hbm>>
      %dma_start3A_266 = arith.constant 0 : i32
      %dma_start3A_267 = arith.constant 0 : i32
      %dma_start3A_268 = tpu.memref_slice %arg8[%arg0, %dma_start3A_266, %dma_start3A_267] : memref<2x10240x128xf32, #tpu.memory_space<hbm>> -> memref<1x10240x128xf32, #tpu.memory_space<hbm>>
      %dma_start3A_269 = tpu.memref_squeeze %dma_start3A_268 : memref<1x10240x128xf32, #tpu.memory_space<hbm>> -> memref<10240x128xf32, #tpu.memory_space<hbm>>
      %dma_start3A_270 = arith.constant 0 : i32
      %dma_start3A_271 = tpu.memref_slice %dma_start3A_269[%add3A_236, %dma_start3A_270] : memref<10240x128xf32, #tpu.memory_space<hbm>> -> memref<96x128xf32, #tpu.memory_space<hbm>>
      %dma_start3A_272 = arith.constant 0 : i32
      %dma_start3A_273 = arith.constant 0 : i32
      %dma_start3A_274 = tpu.memref_slice %run_scoped3A_6[%dma_start3A_272, %dma_start3A_273] : memref<96x128xf32, #tpu.memory_space<vmem>> -> memref<96x128xf32, #tpu.memory_space<vmem>>
      tpu.enqueue_dma source(%dma_start3A_274 : memref<96x128xf32, #tpu.memory_space<vmem>>) target(%dma_start3A_271 : memref<96x128xf32, #tpu.memory_space<hbm>>) target_semaphore(%arg19 : memref<!tpu.dma_semaphore, #tpu.memory_space<semaphore_mem>>)
      %add3A_275 = arith.constant 288 : i32
      %add3A_276 = arith.addi %mul3A_3, %add3A_275 : i32
      %add3A_277 = arith.constant 96 : i32
      %add3A_278 = arith.addi %mul3A_3, %add3A_277 : i32
      %dma_wait3A_279 = arith.constant 0 : i32
      %dma_wait3A_280 = arith.constant 0 : i32
      %dma_wait3A_281 = tpu.memref_slice %run_scoped3A_7[%dma_wait3A_279, %dma_wait3A_280] : memref<96x128xf32, #tpu.memory_space<vmem>> -> memref<96x128xf32, #tpu.memory_space<vmem>>
      %dma_wait3A_282 = arith.constant 0 : i32
      %dma_wait3A_283 = arith.constant 0 : i32
      %dma_wait3A_284 = tpu.memref_slice %arg8[%arg0, %dma_wait3A_282, %dma_wait3A_283] : memref<2x10240x128xf32, #tpu.memory_space<hbm>> -> memref<1x10240x128xf32, #tpu.memory_space<hbm>>
      %dma_wait3A_285 = tpu.memref_squeeze %dma_wait3A_284 : memref<1x10240x128xf32, #tpu.memory_space<hbm>> -> memref<10240x128xf32, #tpu.memory_space<hbm>>
      %dma_wait3A_286 = arith.constant 0 : i32
      %dma_wait3A_287 = tpu.memref_slice %dma_wait3A_285[%add3A_278, %dma_wait3A_286] : memref<10240x128xf32, #tpu.memory_space<hbm>> -> memref<96x128xf32, #tpu.memory_space<hbm>>
      %dma_wait3A_288 = arith.constant 0 : i32
      %dma_wait3A_289 = arith.constant 0 : i32
      %dma_wait3A_290 = tpu.memref_slice %arg8[%arg0, %dma_wait3A_288, %dma_wait3A_289] : memref<2x10240x128xf32, #tpu.memory_space<hbm>> -> memref<1x10240x128xf32, #tpu.memory_space<hbm>>
      %dma_wait3A_291 = tpu.memref_squeeze %dma_wait3A_290 : memref<1x10240x128xf32, #tpu.memory_space<hbm>> -> memref<10240x128xf32, #tpu.memory_space<hbm>>
      %dma_wait3A_292 = arith.constant 0 : i32
      %dma_wait3A_293 = tpu.memref_slice %dma_wait3A_291[%add3A_278, %dma_wait3A_292] : memref<10240x128xf32, #tpu.memory_space<hbm>> -> memref<96x128xf32, #tpu.memory_space<hbm>>
      %dma_wait3A_294 = arith.constant 0 : i32
      %dma_wait3A_295 = arith.constant 0 : i32
      %dma_wait3A_296 = tpu.memref_slice %run_scoped3A_7[%dma_wait3A_294, %dma_wait3A_295] : memref<96x128xf32, #tpu.memory_space<vmem>> -> memref<96x128xf32, #tpu.memory_space<vmem>>
      tpu.wait_dma2 semaphore(%arg20 : memref<!tpu.dma_semaphore, #tpu.memory_space<semaphore_mem>>) src(%dma_wait3A_296 : memref<96x128xf32, #tpu.memory_space<vmem>>) dst(%dma_wait3A_293 : memref<96x128xf32, #tpu.memory_space<hbm>>)
      "tpu.region"() ({
        %run_scoped3A_475 = tpu.sem_alloc : memref<!tpu.dma_semaphore, #tpu.memory_space<semaphore_mem>>
        %dma_start3A_476 = arith.constant 0 : i32
        %dma_start3A_477 = arith.constant 0 : i32
        %dma_start3A_478 = tpu.memref_slice %run_scoped3A_7[%dma_start3A_476, %dma_start3A_477] : memref<96x128xf32, #tpu.memory_space<vmem>> -> memref<96x128xf32, #tpu.memory_space<vmem>>
        %dma_start3A_479 = arith.constant 0 : i32
        %dma_start3A_480 = tpu.memref_slice %arg10[%add3A_276, %dma_start3A_479] : memref<10240x128xf32, #tpu.memory_space<vmem_shared>> -> memref<96x128xf32, #tpu.memory_space<vmem_shared>>
        %dma_start3A_481 = arith.constant 0 : i32
        %dma_start3A_482 = arith.constant 0 : i32
        %dma_start3A_483 = tpu.memref_slice %run_scoped3A_7[%dma_start3A_481, %dma_start3A_482] : memref<96x128xf32, #tpu.memory_space<vmem>> -> memref<96x128xf32, #tpu.memory_space<vmem>>
        %dma_start3A_484 = arith.constant 0 : i32
        %dma_start3A_485 = tpu.memref_slice %arg10[%add3A_276, %dma_start3A_484] : memref<10240x128xf32, #tpu.memory_space<vmem_shared>> -> memref<96x128xf32, #tpu.memory_space<vmem_shared>>
        tpu.enqueue_dma source(%dma_start3A_485 : memref<96x128xf32, #tpu.memory_space<vmem_shared>>) target(%dma_start3A_483 : memref<96x128xf32, #tpu.memory_space<vmem>>) target_semaphore(%run_scoped3A_475 : memref<!tpu.dma_semaphore, #tpu.memory_space<semaphore_mem>>)
        %dma_wait3A_486 = arith.constant 0 : i32
        %dma_wait3A_487 = arith.constant 0 : i32
        %dma_wait3A_488 = tpu.memref_slice %run_scoped3A_7[%dma_wait3A_486, %dma_wait3A_487] : memref<96x128xf32, #tpu.memory_space<vmem>> -> memref<96x128xf32, #tpu.memory_space<vmem>>
        %dma_wait3A_489 = arith.constant 0 : i32
        %dma_wait3A_490 = tpu.memref_slice %arg10[%add3A_276, %dma_wait3A_489] : memref<10240x128xf32, #tpu.memory_space<vmem_shared>> -> memref<96x128xf32, #tpu.memory_space<vmem_shared>>
        %dma_wait3A_491 = arith.constant 0 : i32
        %dma_wait3A_492 = arith.constant 0 : i32
        %dma_wait3A_493 = tpu.memref_slice %run_scoped3A_7[%dma_wait3A_491, %dma_wait3A_492] : memref<96x128xf32, #tpu.memory_space<vmem>> -> memref<96x128xf32, #tpu.memory_space<vmem>>
        %dma_wait3A_494 = arith.constant 0 : i32
        %dma_wait3A_495 = tpu.memref_slice %arg10[%add3A_276, %dma_wait3A_494] : memref<10240x128xf32, #tpu.memory_space<vmem_shared>> -> memref<96x128xf32, #tpu.memory_space<vmem_shared>>
        tpu.wait_dma2 semaphore(%run_scoped3A_475 : memref<!tpu.dma_semaphore, #tpu.memory_space<semaphore_mem>>) src(%dma_wait3A_495 : memref<96x128xf32, #tpu.memory_space<vmem_shared>>) dst(%dma_wait3A_493 : memref<96x128xf32, #tpu.memory_space<vmem>>)
        tpu.yield
      }) : () -> ()
      %dma_start3A_297 = arith.constant 0 : i32
      %dma_start3A_298 = arith.constant 0 : i32
      %dma_start3A_299 = tpu.memref_slice %run_scoped3A_7[%dma_start3A_297, %dma_start3A_298] : memref<96x128xf32, #tpu.memory_space<vmem>> -> memref<96x128xf32, #tpu.memory_space<vmem>>
      %dma_start3A_300 = arith.constant 0 : i32
      %dma_start3A_301 = arith.constant 0 : i32
      %dma_start3A_302 = tpu.memref_slice %arg8[%arg0, %dma_start3A_300, %dma_start3A_301] : memref<2x10240x128xf32, #tpu.memory_space<hbm>> -> memref<1x10240x128xf32, #tpu.memory_space<hbm>>
      %dma_start3A_303 = tpu.memref_squeeze %dma_start3A_302 : memref<1x10240x128xf32, #tpu.memory_space<hbm>> -> memref<10240x128xf32, #tpu.memory_space<hbm>>
      %dma_start3A_304 = arith.constant 0 : i32
      %dma_start3A_305 = tpu.memref_slice %dma_start3A_303[%add3A_276, %dma_start3A_304] : memref<10240x128xf32, #tpu.memory_space<hbm>> -> memref<96x128xf32, #tpu.memory_space<hbm>>
      %dma_start3A_306 = arith.constant 0 : i32
      %dma_start3A_307 = arith.constant 0 : i32
      %dma_start3A_308 = tpu.memref_slice %arg8[%arg0, %dma_start3A_306, %dma_start3A_307] : memref<2x10240x128xf32, #tpu.memory_space<hbm>> -> memref<1x10240x128xf32, #tpu.memory_space<hbm>>
      %dma_start3A_309 = tpu.memref_squeeze %dma_start3A_308 : memref<1x10240x128xf32, #tpu.memory_space<hbm>> -> memref<10240x128xf32, #tpu.memory_space<hbm>>
      %dma_start3A_310 = arith.constant 0 : i32
      %dma_start3A_311 = tpu.memref_slice %dma_start3A_309[%add3A_276, %dma_start3A_310] : memref<10240x128xf32, #tpu.memory_space<hbm>> -> memref<96x128xf32, #tpu.memory_space<hbm>>
      %dma_start3A_312 = arith.constant 0 : i32
      %dma_start3A_313 = arith.constant 0 : i32
      %dma_start3A_314 = tpu.memref_slice %run_scoped3A_7[%dma_start3A_312, %dma_start3A_313] : memref<96x128xf32, #tpu.memory_space<vmem>> -> memref<96x128xf32, #tpu.memory_space<vmem>>
      tpu.enqueue_dma source(%dma_start3A_314 : memref<96x128xf32, #tpu.memory_space<vmem>>) target(%dma_start3A_311 : memref<96x128xf32, #tpu.memory_space<hbm>>) target_semaphore(%arg20 : memref<!tpu.dma_semaphore, #tpu.memory_space<semaphore_mem>>)
      %add3A_315 = arith.constant 384 : i32
      %add3A_316 = arith.addi %mul3A_3, %add3A_315 : i32
      %add3A_317 = arith.constant 192 : i32
      %add3A_318 = arith.addi %mul3A_3, %add3A_317 : i32
      %dma_wait3A_319 = arith.constant 0 : i32
      %dma_wait3A_320 = arith.constant 0 : i32
      %dma_wait3A_321 = tpu.memref_slice %run_scoped3A_6[%dma_wait3A_319, %dma_wait3A_320] : memref<96x128xf32, #tpu.memory_space<vmem>> -> memref<96x128xf32, #tpu.memory_space<vmem>>
      %dma_wait3A_322 = arith.constant 0 : i32
      %dma_wait3A_323 = arith.constant 0 : i32
      %dma_wait3A_324 = tpu.memref_slice %arg8[%arg0, %dma_wait3A_322, %dma_wait3A_323] : memref<2x10240x128xf32, #tpu.memory_space<hbm>> -> memref<1x10240x128xf32, #tpu.memory_space<hbm>>
      %dma_wait3A_325 = tpu.memref_squeeze %dma_wait3A_324 : memref<1x10240x128xf32, #tpu.memory_space<hbm>> -> memref<10240x128xf32, #tpu.memory_space<hbm>>
      %dma_wait3A_326 = arith.constant 0 : i32
      %dma_wait3A_327 = tpu.memref_slice %dma_wait3A_325[%add3A_318, %dma_wait3A_326] : memref<10240x128xf32, #tpu.memory_space<hbm>> -> memref<96x128xf32, #tpu.memory_space<hbm>>
      %dma_wait3A_328 = arith.constant 0 : i32
      %dma_wait3A_329 = arith.constant 0 : i32
      %dma_wait3A_330 = tpu.memref_slice %arg8[%arg0, %dma_wait3A_328, %dma_wait3A_329] : memref<2x10240x128xf32, #tpu.memory_space<hbm>> -> memref<1x10240x128xf32, #tpu.memory_space<hbm>>
      %dma_wait3A_331 = tpu.memref_squeeze %dma_wait3A_330 : memref<1x10240x128xf32, #tpu.memory_space<hbm>> -> memref<10240x128xf32, #tpu.memory_space<hbm>>
      %dma_wait3A_332 = arith.constant 0 : i32
      %dma_wait3A_333 = tpu.memref_slice %dma_wait3A_331[%add3A_318, %dma_wait3A_332] : memref<10240x128xf32, #tpu.memory_space<hbm>> -> memref<96x128xf32, #tpu.memory_space<hbm>>
      %dma_wait3A_334 = arith.constant 0 : i32
      %dma_wait3A_335 = arith.constant 0 : i32
      %dma_wait3A_336 = tpu.memref_slice %run_scoped3A_6[%dma_wait3A_334, %dma_wait3A_335] : memref<96x128xf32, #tpu.memory_space<vmem>> -> memref<96x128xf32, #tpu.memory_space<vmem>>
      tpu.wait_dma2 semaphore(%arg19 : memref<!tpu.dma_semaphore, #tpu.memory_space<semaphore_mem>>) src(%dma_wait3A_336 : memref<96x128xf32, #tpu.memory_space<vmem>>) dst(%dma_wait3A_333 : memref<96x128xf32, #tpu.memory_space<hbm>>)
      "tpu.region"() ({
        %run_scoped3A_475 = tpu.sem_alloc : memref<!tpu.dma_semaphore, #tpu.memory_space<semaphore_mem>>
        %dma_start3A_476 = arith.constant 0 : i32
        %dma_start3A_477 = arith.constant 0 : i32
        %dma_start3A_478 = tpu.memref_slice %run_scoped3A_6[%dma_start3A_476, %dma_start3A_477] : memref<96x128xf32, #tpu.memory_space<vmem>> -> memref<96x128xf32, #tpu.memory_space<vmem>>
        %dma_start3A_479 = arith.constant 0 : i32
        %dma_start3A_480 = tpu.memref_slice %arg10[%add3A_316, %dma_start3A_479] : memref<10240x128xf32, #tpu.memory_space<vmem_shared>> -> memref<96x128xf32, #tpu.memory_space<vmem_shared>>
        %dma_start3A_481 = arith.constant 0 : i32
        %dma_start3A_482 = arith.constant 0 : i32
        %dma_start3A_483 = tpu.memref_slice %run_scoped3A_6[%dma_start3A_481, %dma_start3A_482] : memref<96x128xf32, #tpu.memory_space<vmem>> -> memref<96x128xf32, #tpu.memory_space<vmem>>
        %dma_start3A_484 = arith.constant 0 : i32
        %dma_start3A_485 = tpu.memref_slice %arg10[%add3A_316, %dma_start3A_484] : memref<10240x128xf32, #tpu.memory_space<vmem_shared>> -> memref<96x128xf32, #tpu.memory_space<vmem_shared>>
        tpu.enqueue_dma source(%dma_start3A_485 : memref<96x128xf32, #tpu.memory_space<vmem_shared>>) target(%dma_start3A_483 : memref<96x128xf32, #tpu.memory_space<vmem>>) target_semaphore(%run_scoped3A_475 : memref<!tpu.dma_semaphore, #tpu.memory_space<semaphore_mem>>)
        %dma_wait3A_486 = arith.constant 0 : i32
        %dma_wait3A_487 = arith.constant 0 : i32
        %dma_wait3A_488 = tpu.memref_slice %run_scoped3A_6[%dma_wait3A_486, %dma_wait3A_487] : memref<96x128xf32, #tpu.memory_space<vmem>> -> memref<96x128xf32, #tpu.memory_space<vmem>>
        %dma_wait3A_489 = arith.constant 0 : i32
        %dma_wait3A_490 = tpu.memref_slice %arg10[%add3A_316, %dma_wait3A_489] : memref<10240x128xf32, #tpu.memory_space<vmem_shared>> -> memref<96x128xf32, #tpu.memory_space<vmem_shared>>
        %dma_wait3A_491 = arith.constant 0 : i32
        %dma_wait3A_492 = arith.constant 0 : i32
        %dma_wait3A_493 = tpu.memref_slice %run_scoped3A_6[%dma_wait3A_491, %dma_wait3A_492] : memref<96x128xf32, #tpu.memory_space<vmem>> -> memref<96x128xf32, #tpu.memory_space<vmem>>
        %dma_wait3A_494 = arith.constant 0 : i32
        %dma_wait3A_495 = tpu.memref_slice %arg10[%add3A_316, %dma_wait3A_494] : memref<10240x128xf32, #tpu.memory_space<vmem_shared>> -> memref<96x128xf32, #tpu.memory_space<vmem_shared>>
        tpu.wait_dma2 semaphore(%run_scoped3A_475 : memref<!tpu.dma_semaphore, #tpu.memory_space<semaphore_mem>>) src(%dma_wait3A_495 : memref<96x128xf32, #tpu.memory_space<vmem_shared>>) dst(%dma_wait3A_493 : memref<96x128xf32, #tpu.memory_space<vmem>>)
        tpu.yield
      }) : () -> ()
      %dma_start3A_337 = arith.constant 0 : i32
      %dma_start3A_338 = arith.constant 0 : i32
      %dma_start3A_339 = tpu.memref_slice %run_scoped3A_6[%dma_start3A_337, %dma_start3A_338] : memref<96x128xf32, #tpu.memory_space<vmem>> -> memref<96x128xf32, #tpu.memory_space<vmem>>
      %dma_start3A_340 = arith.constant 0 : i32
      %dma_start3A_341 = arith.constant 0 : i32
      %dma_start3A_342 = tpu.memref_slice %arg8[%arg0, %dma_start3A_340, %dma_start3A_341] : memref<2x10240x128xf32, #tpu.memory_space<hbm>> -> memref<1x10240x128xf32, #tpu.memory_space<hbm>>
      %dma_start3A_343 = tpu.memref_squeeze %dma_start3A_342 : memref<1x10240x128xf32, #tpu.memory_space<hbm>> -> memref<10240x128xf32, #tpu.memory_space<hbm>>
      %dma_start3A_344 = arith.constant 0 : i32
      %dma_start3A_345 = tpu.memref_slice %dma_start3A_343[%add3A_316, %dma_start3A_344] : memref<10240x128xf32, #tpu.memory_space<hbm>> -> memref<96x128xf32, #tpu.memory_space<hbm>>
      %dma_start3A_346 = arith.constant 0 : i32
      %dma_start3A_347 = arith.constant 0 : i32
      %dma_start3A_348 = tpu.memref_slice %arg8[%arg0, %dma_start3A_346, %dma_start3A_347] : memref<2x10240x128xf32, #tpu.memory_space<hbm>> -> memref<1x10240x128xf32, #tpu.memory_space<hbm>>
      %dma_start3A_349 = tpu.memref_squeeze %dma_start3A_348 : memref<1x10240x128xf32, #tpu.memory_space<hbm>> -> memref<10240x128xf32, #tpu.memory_space<hbm>>
      %dma_start3A_350 = arith.constant 0 : i32
      %dma_start3A_351 = tpu.memref_slice %dma_start3A_349[%add3A_316, %dma_start3A_350] : memref<10240x128xf32, #tpu.memory_space<hbm>> -> memref<96x128xf32, #tpu.memory_space<hbm>>
      %dma_start3A_352 = arith.constant 0 : i32
      %dma_start3A_353 = arith.constant 0 : i32
      %dma_start3A_354 = tpu.memref_slice %run_scoped3A_6[%dma_start3A_352, %dma_start3A_353] : memref<96x128xf32, #tpu.memory_space<vmem>> -> memref<96x128xf32, #tpu.memory_space<vmem>>
      tpu.enqueue_dma source(%dma_start3A_354 : memref<96x128xf32, #tpu.memory_space<vmem>>) target(%dma_start3A_351 : memref<96x128xf32, #tpu.memory_space<hbm>>) target_semaphore(%arg19 : memref<!tpu.dma_semaphore, #tpu.memory_space<semaphore_mem>>)
      %add3A_355 = arith.constant 480 : i32
      %add3A_356 = arith.addi %mul3A_3, %add3A_355 : i32
      %add3A_357 = arith.constant 288 : i32
      %add3A_358 = arith.addi %mul3A_3, %add3A_357 : i32
      %dma_wait3A_359 = arith.constant 0 : i32
      %dma_wait3A_360 = arith.constant 0 : i32
      %dma_wait3A_361 = tpu.memref_slice %run_scoped3A_7[%dma_wait3A_359, %dma_wait3A_360] : memref<96x128xf32, #tpu.memory_space<vmem>> -> memref<96x128xf32, #tpu.memory_space<vmem>>
      %dma_wait3A_362 = arith.constant 0 : i32
      %dma_wait3A_363 = arith.constant 0 : i32
      %dma_wait3A_364 = tpu.memref_slice %arg8[%arg0, %dma_wait3A_362, %dma_wait3A_363] : memref<2x10240x128xf32, #tpu.memory_space<hbm>> -> memref<1x10240x128xf32, #tpu.memory_space<hbm>>
      %dma_wait3A_365 = tpu.memref_squeeze %dma_wait3A_364 : memref<1x10240x128xf32, #tpu.memory_space<hbm>> -> memref<10240x128xf32, #tpu.memory_space<hbm>>
      %dma_wait3A_366 = arith.constant 0 : i32
      %dma_wait3A_367 = tpu.memref_slice %dma_wait3A_365[%add3A_358, %dma_wait3A_366] : memref<10240x128xf32, #tpu.memory_space<hbm>> -> memref<96x128xf32, #tpu.memory_space<hbm>>
      %dma_wait3A_368 = arith.constant 0 : i32
      %dma_wait3A_369 = arith.constant 0 : i32
      %dma_wait3A_370 = tpu.memref_slice %arg8[%arg0, %dma_wait3A_368, %dma_wait3A_369] : memref<2x10240x128xf32, #tpu.memory_space<hbm>> -> memref<1x10240x128xf32, #tpu.memory_space<hbm>>
      %dma_wait3A_371 = tpu.memref_squeeze %dma_wait3A_370 : memref<1x10240x128xf32, #tpu.memory_space<hbm>> -> memref<10240x128xf32, #tpu.memory_space<hbm>>
      %dma_wait3A_372 = arith.constant 0 : i32
      %dma_wait3A_373 = tpu.memref_slice %dma_wait3A_371[%add3A_358, %dma_wait3A_372] : memref<10240x128xf32, #tpu.memory_space<hbm>> -> memref<96x128xf32, #tpu.memory_space<hbm>>
      %dma_wait3A_374 = arith.constant 0 : i32
      %dma_wait3A_375 = arith.constant 0 : i32
      %dma_wait3A_376 = tpu.memref_slice %run_scoped3A_7[%dma_wait3A_374, %dma_wait3A_375] : memref<96x128xf32, #tpu.memory_space<vmem>> -> memref<96x128xf32, #tpu.memory_space<vmem>>
      tpu.wait_dma2 semaphore(%arg20 : memref<!tpu.dma_semaphore, #tpu.memory_space<semaphore_mem>>) src(%dma_wait3A_376 : memref<96x128xf32, #tpu.memory_space<vmem>>) dst(%dma_wait3A_373 : memref<96x128xf32, #tpu.memory_space<hbm>>)
      "tpu.region"() ({
        %run_scoped3A_475 = tpu.sem_alloc : memref<!tpu.dma_semaphore, #tpu.memory_space<semaphore_mem>>
        %dma_start3A_476 = arith.constant 0 : i32
        %dma_start3A_477 = arith.constant 0 : i32
        %dma_start3A_478 = tpu.memref_slice %run_scoped3A_7[%dma_start3A_476, %dma_start3A_477] : memref<96x128xf32, #tpu.memory_space<vmem>> -> memref<96x128xf32, #tpu.memory_space<vmem>>
        %dma_start3A_479 = arith.constant 0 : i32
        %dma_start3A_480 = tpu.memref_slice %arg10[%add3A_356, %dma_start3A_479] : memref<10240x128xf32, #tpu.memory_space<vmem_shared>> -> memref<96x128xf32, #tpu.memory_space<vmem_shared>>
        %dma_start3A_481 = arith.constant 0 : i32
        %dma_start3A_482 = arith.constant 0 : i32
        %dma_start3A_483 = tpu.memref_slice %run_scoped3A_7[%dma_start3A_481, %dma_start3A_482] : memref<96x128xf32, #tpu.memory_space<vmem>> -> memref<96x128xf32, #tpu.memory_space<vmem>>
        %dma_start3A_484 = arith.constant 0 : i32
        %dma_start3A_485 = tpu.memref_slice %arg10[%add3A_356, %dma_start3A_484] : memref<10240x128xf32, #tpu.memory_space<vmem_shared>> -> memref<96x128xf32, #tpu.memory_space<vmem_shared>>
        tpu.enqueue_dma source(%dma_start3A_485 : memref<96x128xf32, #tpu.memory_space<vmem_shared>>) target(%dma_start3A_483 : memref<96x128xf32, #tpu.memory_space<vmem>>) target_semaphore(%run_scoped3A_475 : memref<!tpu.dma_semaphore, #tpu.memory_space<semaphore_mem>>)
        %dma_wait3A_486 = arith.constant 0 : i32
        %dma_wait3A_487 = arith.constant 0 : i32
        %dma_wait3A_488 = tpu.memref_slice %run_scoped3A_7[%dma_wait3A_486, %dma_wait3A_487] : memref<96x128xf32, #tpu.memory_space<vmem>> -> memref<96x128xf32, #tpu.memory_space<vmem>>
        %dma_wait3A_489 = arith.constant 0 : i32
        %dma_wait3A_490 = tpu.memref_slice %arg10[%add3A_356, %dma_wait3A_489] : memref<10240x128xf32, #tpu.memory_space<vmem_shared>> -> memref<96x128xf32, #tpu.memory_space<vmem_shared>>
        %dma_wait3A_491 = arith.constant 0 : i32
        %dma_wait3A_492 = arith.constant 0 : i32
        %dma_wait3A_493 = tpu.memref_slice %run_scoped3A_7[%dma_wait3A_491, %dma_wait3A_492] : memref<96x128xf32, #tpu.memory_space<vmem>> -> memref<96x128xf32, #tpu.memory_space<vmem>>
        %dma_wait3A_494 = arith.constant 0 : i32
        %dma_wait3A_495 = tpu.memref_slice %arg10[%add3A_356, %dma_wait3A_494] : memref<10240x128xf32, #tpu.memory_space<vmem_shared>> -> memref<96x128xf32, #tpu.memory_space<vmem_shared>>
        tpu.wait_dma2 semaphore(%run_scoped3A_475 : memref<!tpu.dma_semaphore, #tpu.memory_space<semaphore_mem>>) src(%dma_wait3A_495 : memref<96x128xf32, #tpu.memory_space<vmem_shared>>) dst(%dma_wait3A_493 : memref<96x128xf32, #tpu.memory_space<vmem>>)
        tpu.yield
      }) : () -> ()
      %dma_start3A_377 = arith.constant 0 : i32
      %dma_start3A_378 = arith.constant 0 : i32
      %dma_start3A_379 = tpu.memref_slice %run_scoped3A_7[%dma_start3A_377, %dma_start3A_378] : memref<96x128xf32, #tpu.memory_space<vmem>> -> memref<96x128xf32, #tpu.memory_space<vmem>>
      %dma_start3A_380 = arith.constant 0 : i32
      %dma_start3A_381 = arith.constant 0 : i32
      %dma_start3A_382 = tpu.memref_slice %arg8[%arg0, %dma_start3A_380, %dma_start3A_381] : memref<2x10240x128xf32, #tpu.memory_space<hbm>> -> memref<1x10240x128xf32, #tpu.memory_space<hbm>>
      %dma_start3A_383 = tpu.memref_squeeze %dma_start3A_382 : memref<1x10240x128xf32, #tpu.memory_space<hbm>> -> memref<10240x128xf32, #tpu.memory_space<hbm>>
      %dma_start3A_384 = arith.constant 0 : i32
      %dma_start3A_385 = tpu.memref_slice %dma_start3A_383[%add3A_356, %dma_start3A_384] : memref<10240x128xf32, #tpu.memory_space<hbm>> -> memref<96x128xf32, #tpu.memory_space<hbm>>
      %dma_start3A_386 = arith.constant 0 : i32
      %dma_start3A_387 = arith.constant 0 : i32
      %dma_start3A_388 = tpu.memref_slice %arg8[%arg0, %dma_start3A_386, %dma_start3A_387] : memref<2x10240x128xf32, #tpu.memory_space<hbm>> -> memref<1x10240x128xf32, #tpu.memory_space<hbm>>
      %dma_start3A_389 = tpu.memref_squeeze %dma_start3A_388 : memref<1x10240x128xf32, #tpu.memory_space<hbm>> -> memref<10240x128xf32, #tpu.memory_space<hbm>>
      %dma_start3A_390 = arith.constant 0 : i32
      %dma_start3A_391 = tpu.memref_slice %dma_start3A_389[%add3A_356, %dma_start3A_390] : memref<10240x128xf32, #tpu.memory_space<hbm>> -> memref<96x128xf32, #tpu.memory_space<hbm>>
      %dma_start3A_392 = arith.constant 0 : i32
      %dma_start3A_393 = arith.constant 0 : i32
      %dma_start3A_394 = tpu.memref_slice %run_scoped3A_7[%dma_start3A_392, %dma_start3A_393] : memref<96x128xf32, #tpu.memory_space<vmem>> -> memref<96x128xf32, #tpu.memory_space<vmem>>
      tpu.enqueue_dma source(%dma_start3A_394 : memref<96x128xf32, #tpu.memory_space<vmem>>) target(%dma_start3A_391 : memref<96x128xf32, #tpu.memory_space<hbm>>) target_semaphore(%arg20 : memref<!tpu.dma_semaphore, #tpu.memory_space<semaphore_mem>>)
      %add3A_395 = arith.constant 576 : i32
      %add3A_396 = arith.addi %mul3A_3, %add3A_395 : i32
      %add3A_397 = arith.constant 384 : i32
      %add3A_398 = arith.addi %mul3A_3, %add3A_397 : i32
      %dma_wait3A_399 = arith.constant 0 : i32
      %dma_wait3A_400 = arith.constant 0 : i32
      %dma_wait3A_401 = tpu.memref_slice %run_scoped3A_6[%dma_wait3A_399, %dma_wait3A_400] : memref<96x128xf32, #tpu.memory_space<vmem>> -> memref<96x128xf32, #tpu.memory_space<vmem>>
      %dma_wait3A_402 = arith.constant 0 : i32
      %dma_wait3A_403 = arith.constant 0 : i32
      %dma_wait3A_404 = tpu.memref_slice %arg8[%arg0, %dma_wait3A_402, %dma_wait3A_403] : memref<2x10240x128xf32, #tpu.memory_space<hbm>> -> memref<1x10240x128xf32, #tpu.memory_space<hbm>>
      %dma_wait3A_405 = tpu.memref_squeeze %dma_wait3A_404 : memref<1x10240x128xf32, #tpu.memory_space<hbm>> -> memref<10240x128xf32, #tpu.memory_space<hbm>>
      %dma_wait3A_406 = arith.constant 0 : i32
      %dma_wait3A_407 = tpu.memref_slice %dma_wait3A_405[%add3A_398, %dma_wait3A_406] : memref<10240x128xf32, #tpu.memory_space<hbm>> -> memref<96x128xf32, #tpu.memory_space<hbm>>
      %dma_wait3A_408 = arith.constant 0 : i32
      %dma_wait3A_409 = arith.constant 0 : i32
      %dma_wait3A_410 = tpu.memref_slice %arg8[%arg0, %dma_wait3A_408, %dma_wait3A_409] : memref<2x10240x128xf32, #tpu.memory_space<hbm>> -> memref<1x10240x128xf32, #tpu.memory_space<hbm>>
      %dma_wait3A_411 = tpu.memref_squeeze %dma_wait3A_410 : memref<1x10240x128xf32, #tpu.memory_space<hbm>> -> memref<10240x128xf32, #tpu.memory_space<hbm>>
      %dma_wait3A_412 = arith.constant 0 : i32
      %dma_wait3A_413 = tpu.memref_slice %dma_wait3A_411[%add3A_398, %dma_wait3A_412] : memref<10240x128xf32, #tpu.memory_space<hbm>> -> memref<96x128xf32, #tpu.memory_space<hbm>>
      %dma_wait3A_414 = arith.constant 0 : i32
      %dma_wait3A_415 = arith.constant 0 : i32
      %dma_wait3A_416 = tpu.memref_slice %run_scoped3A_6[%dma_wait3A_414, %dma_wait3A_415] : memref<96x128xf32, #tpu.memory_space<vmem>> -> memref<96x128xf32, #tpu.memory_space<vmem>>
      tpu.wait_dma2 semaphore(%arg19 : memref<!tpu.dma_semaphore, #tpu.memory_space<semaphore_mem>>) src(%dma_wait3A_416 : memref<96x128xf32, #tpu.memory_space<vmem>>) dst(%dma_wait3A_413 : memref<96x128xf32, #tpu.memory_space<hbm>>)
      "tpu.region"() ({
        %run_scoped3A_475 = tpu.sem_alloc : memref<!tpu.dma_semaphore, #tpu.memory_space<semaphore_mem>>
        %dma_start3A_476 = arith.constant 0 : i32
        %dma_start3A_477 = arith.constant 0 : i32
        %dma_start3A_478 = tpu.memref_slice %run_scoped3A_6[%dma_start3A_476, %dma_start3A_477] : memref<96x128xf32, #tpu.memory_space<vmem>> -> memref<64x128xf32, #tpu.memory_space<vmem>>
        %dma_start3A_479 = arith.constant 0 : i32
        %dma_start3A_480 = tpu.memref_slice %arg10[%add3A_396, %dma_start3A_479] : memref<10240x128xf32, #tpu.memory_space<vmem_shared>> -> memref<64x128xf32, #tpu.memory_space<vmem_shared>>
        %dma_start3A_481 = arith.constant 0 : i32
        %dma_start3A_482 = arith.constant 0 : i32
        %dma_start3A_483 = tpu.memref_slice %run_scoped3A_6[%dma_start3A_481, %dma_start3A_482] : memref<96x128xf32, #tpu.memory_space<vmem>> -> memref<64x128xf32, #tpu.memory_space<vmem>>
        %dma_start3A_484 = arith.constant 0 : i32
        %dma_start3A_485 = tpu.memref_slice %arg10[%add3A_396, %dma_start3A_484] : memref<10240x128xf32, #tpu.memory_space<vmem_shared>> -> memref<64x128xf32, #tpu.memory_space<vmem_shared>>
        tpu.enqueue_dma source(%dma_start3A_485 : memref<64x128xf32, #tpu.memory_space<vmem_shared>>) target(%dma_start3A_483 : memref<64x128xf32, #tpu.memory_space<vmem>>) target_semaphore(%run_scoped3A_475 : memref<!tpu.dma_semaphore, #tpu.memory_space<semaphore_mem>>)
        %dma_wait3A_486 = arith.constant 0 : i32
        %dma_wait3A_487 = arith.constant 0 : i32
        %dma_wait3A_488 = tpu.memref_slice %run_scoped3A_6[%dma_wait3A_486, %dma_wait3A_487] : memref<96x128xf32, #tpu.memory_space<vmem>> -> memref<64x128xf32, #tpu.memory_space<vmem>>
        %dma_wait3A_489 = arith.constant 0 : i32
        %dma_wait3A_490 = tpu.memref_slice %arg10[%add3A_396, %dma_wait3A_489] : memref<10240x128xf32, #tpu.memory_space<vmem_shared>> -> memref<64x128xf32, #tpu.memory_space<vmem_shared>>
        %dma_wait3A_491 = arith.constant 0 : i32
        %dma_wait3A_492 = arith.constant 0 : i32
        %dma_wait3A_493 = tpu.memref_slice %run_scoped3A_6[%dma_wait3A_491, %dma_wait3A_492] : memref<96x128xf32, #tpu.memory_space<vmem>> -> memref<64x128xf32, #tpu.memory_space<vmem>>
        %dma_wait3A_494 = arith.constant 0 : i32
        %dma_wait3A_495 = tpu.memref_slice %arg10[%add3A_396, %dma_wait3A_494] : memref<10240x128xf32, #tpu.memory_space<vmem_shared>> -> memref<64x128xf32, #tpu.memory_space<vmem_shared>>
        tpu.wait_dma2 semaphore(%run_scoped3A_475 : memref<!tpu.dma_semaphore, #tpu.memory_space<semaphore_mem>>) src(%dma_wait3A_495 : memref<64x128xf32, #tpu.memory_space<vmem_shared>>) dst(%dma_wait3A_493 : memref<64x128xf32, #tpu.memory_space<vmem>>)
        tpu.yield
      }) : () -> ()
      %dma_start3A_417 = arith.constant 0 : i32
      %dma_start3A_418 = arith.constant 0 : i32
      %dma_start3A_419 = tpu.memref_slice %run_scoped3A_6[%dma_start3A_417, %dma_start3A_418] : memref<96x128xf32, #tpu.memory_space<vmem>> -> memref<64x128xf32, #tpu.memory_space<vmem>>
      %dma_start3A_420 = arith.constant 0 : i32
      %dma_start3A_421 = arith.constant 0 : i32
      %dma_start3A_422 = tpu.memref_slice %arg8[%arg0, %dma_start3A_420, %dma_start3A_421] : memref<2x10240x128xf32, #tpu.memory_space<hbm>> -> memref<1x10240x128xf32, #tpu.memory_space<hbm>>
      %dma_start3A_423 = tpu.memref_squeeze %dma_start3A_422 : memref<1x10240x128xf32, #tpu.memory_space<hbm>> -> memref<10240x128xf32, #tpu.memory_space<hbm>>
      %dma_start3A_424 = arith.constant 0 : i32
      %dma_start3A_425 = tpu.memref_slice %dma_start3A_423[%add3A_396, %dma_start3A_424] : memref<10240x128xf32, #tpu.memory_space<hbm>> -> memref<64x128xf32, #tpu.memory_space<hbm>>
      %dma_start3A_426 = arith.constant 0 : i32
      %dma_start3A_427 = arith.constant 0 : i32
      %dma_start3A_428 = tpu.memref_slice %arg8[%arg0, %dma_start3A_426, %dma_start3A_427] : memref<2x10240x128xf32, #tpu.memory_space<hbm>> -> memref<1x10240x128xf32, #tpu.memory_space<hbm>>
      %dma_start3A_429 = tpu.memref_squeeze %dma_start3A_428 : memref<1x10240x128xf32, #tpu.memory_space<hbm>> -> memref<10240x128xf32, #tpu.memory_space<hbm>>
      %dma_start3A_430 = arith.constant 0 : i32
      %dma_start3A_431 = tpu.memref_slice %dma_start3A_429[%add3A_396, %dma_start3A_430] : memref<10240x128xf32, #tpu.memory_space<hbm>> -> memref<64x128xf32, #tpu.memory_space<hbm>>
      %dma_start3A_432 = arith.constant 0 : i32
      %dma_start3A_433 = arith.constant 0 : i32
      %dma_start3A_434 = tpu.memref_slice %run_scoped3A_6[%dma_start3A_432, %dma_start3A_433] : memref<96x128xf32, #tpu.memory_space<vmem>> -> memref<64x128xf32, #tpu.memory_space<vmem>>
      tpu.enqueue_dma source(%dma_start3A_434 : memref<64x128xf32, #tpu.memory_space<vmem>>) target(%dma_start3A_431 : memref<64x128xf32, #tpu.memory_space<hbm>>) target_semaphore(%arg19 : memref<!tpu.dma_semaphore, #tpu.memory_space<semaphore_mem>>)
      %add3A_435 = arith.constant 480 : i32
      %add3A_436 = arith.addi %mul3A_3, %add3A_435 : i32
      %dma_wait3A_437 = arith.constant 0 : i32
      %dma_wait3A_438 = arith.constant 0 : i32
      %dma_wait3A_439 = tpu.memref_slice %run_scoped3A_7[%dma_wait3A_437, %dma_wait3A_438] : memref<96x128xf32, #tpu.memory_space<vmem>> -> memref<96x128xf32, #tpu.memory_space<vmem>>
      %dma_wait3A_440 = arith.constant 0 : i32
      %dma_wait3A_441 = arith.constant 0 : i32
      %dma_wait3A_442 = tpu.memref_slice %arg8[%arg0, %dma_wait3A_440, %dma_wait3A_441] : memref<2x10240x128xf32, #tpu.memory_space<hbm>> -> memref<1x10240x128xf32, #tpu.memory_space<hbm>>
      %dma_wait3A_443 = tpu.memref_squeeze %dma_wait3A_442 : memref<1x10240x128xf32, #tpu.memory_space<hbm>> -> memref<10240x128xf32, #tpu.memory_space<hbm>>
      %dma_wait3A_444 = arith.constant 0 : i32
      %dma_wait3A_445 = tpu.memref_slice %dma_wait3A_443[%add3A_436, %dma_wait3A_444] : memref<10240x128xf32, #tpu.memory_space<hbm>> -> memref<96x128xf32, #tpu.memory_space<hbm>>
      %dma_wait3A_446 = arith.constant 0 : i32
      %dma_wait3A_447 = arith.constant 0 : i32
      %dma_wait3A_448 = tpu.memref_slice %arg8[%arg0, %dma_wait3A_446, %dma_wait3A_447] : memref<2x10240x128xf32, #tpu.memory_space<hbm>> -> memref<1x10240x128xf32, #tpu.memory_space<hbm>>
      %dma_wait3A_449 = tpu.memref_squeeze %dma_wait3A_448 : memref<1x10240x128xf32, #tpu.memory_space<hbm>> -> memref<10240x128xf32, #tpu.memory_space<hbm>>
      %dma_wait3A_450 = arith.constant 0 : i32
      %dma_wait3A_451 = tpu.memref_slice %dma_wait3A_449[%add3A_436, %dma_wait3A_450] : memref<10240x128xf32, #tpu.memory_space<hbm>> -> memref<96x128xf32, #tpu.memory_space<hbm>>
      %dma_wait3A_452 = arith.constant 0 : i32
      %dma_wait3A_453 = arith.constant 0 : i32
      %dma_wait3A_454 = tpu.memref_slice %run_scoped3A_7[%dma_wait3A_452, %dma_wait3A_453] : memref<96x128xf32, #tpu.memory_space<vmem>> -> memref<96x128xf32, #tpu.memory_space<vmem>>
      tpu.wait_dma2 semaphore(%arg20 : memref<!tpu.dma_semaphore, #tpu.memory_space<semaphore_mem>>) src(%dma_wait3A_454 : memref<96x128xf32, #tpu.memory_space<vmem>>) dst(%dma_wait3A_451 : memref<96x128xf32, #tpu.memory_space<hbm>>)
      %add3A_455 = arith.constant 576 : i32
      %add3A_456 = arith.addi %mul3A_3, %add3A_455 : i32
      %dma_wait3A_457 = arith.constant 0 : i32
      %dma_wait3A_458 = arith.constant 0 : i32
      %dma_wait3A_459 = tpu.memref_slice %run_scoped3A_6[%dma_wait3A_457, %dma_wait3A_458] : memref<96x128xf32, #tpu.memory_space<vmem>> -> memref<64x128xf32, #tpu.memory_space<vmem>>
      %dma_wait3A_460 = arith.constant 0 : i32
      %dma_wait3A_461 = arith.constant 0 : i32
      %dma_wait3A_462 = tpu.memref_slice %arg8[%arg0, %dma_wait3A_460, %dma_wait3A_461] : memref<2x10240x128xf32, #tpu.memory_space<hbm>> -> memref<1x10240x128xf32, #tpu.memory_space<hbm>>
      %dma_wait3A_463 = tpu.memref_squeeze %dma_wait3A_462 : memref<1x10240x128xf32, #tpu.memory_space<hbm>> -> memref<10240x128xf32, #tpu.memory_space<hbm>>
      %dma_wait3A_464 = arith.constant 0 : i32
      %dma_wait3A_465 = tpu.memref_slice %dma_wait3A_463[%add3A_456, %dma_wait3A_464] : memref<10240x128xf32, #tpu.memory_space<hbm>> -> memref<64x128xf32, #tpu.memory_space<hbm>>
      %dma_wait3A_466 = arith.constant 0 : i32
      %dma_wait3A_467 = arith.constant 0 : i32
      %dma_wait3A_468 = tpu.memref_slice %arg8[%arg0, %dma_wait3A_466, %dma_wait3A_467] : memref<2x10240x128xf32, #tpu.memory_space<hbm>> -> memref<1x10240x128xf32, #tpu.memory_space<hbm>>
      %dma_wait3A_469 = tpu.memref_squeeze %dma_wait3A_468 : memref<1x10240x128xf32, #tpu.memory_space<hbm>> -> memref<10240x128xf32, #tpu.memory_space<hbm>>
      %dma_wait3A_470 = arith.constant 0 : i32
      %dma_wait3A_471 = tpu.memref_slice %dma_wait3A_469[%add3A_456, %dma_wait3A_470] : memref<10240x128xf32, #tpu.memory_space<hbm>> -> memref<64x128xf32, #tpu.memory_space<hbm>>
      %dma_wait3A_472 = arith.constant 0 : i32
      %dma_wait3A_473 = arith.constant 0 : i32
      %dma_wait3A_474 = tpu.memref_slice %run_scoped3A_6[%dma_wait3A_472, %dma_wait3A_473] : memref<96x128xf32, #tpu.memory_space<vmem>> -> memref<64x128xf32, #tpu.memory_space<vmem>>
      tpu.wait_dma2 semaphore(%arg19 : memref<!tpu.dma_semaphore, #tpu.memory_space<semaphore_mem>>) src(%dma_wait3A_474 : memref<64x128xf32, #tpu.memory_space<vmem>>) dst(%dma_wait3A_471 : memref<64x128xf32, #tpu.memory_space<hbm>>)
      tpu.yield
    }) : () -> ()
    return
  }
}

module attributes {stable_mosaic.version = 14 : i64} {
  func.func @_phase_a_body(%arg0: i32, %arg1: memref<1000x256xf32, #tpu.memory_space<vmem>>, %arg2: memref<256x256xf32, #tpu.memory_space<vmem>>, %arg3: memref<256x1xf32, #tpu.memory_space<vmem>>, %arg4: memref<256x1xf32, #tpu.memory_space<vmem>>, %arg5: memref<2x1000x128xbf16, #tpu.memory_space<vmem>>, %arg6: memref<1000x1xf32, #tpu.memory_space<vmem>>, %arg7: memref<1000x1xf32, #tpu.memory_space<vmem>>) attributes {dimension_semantics = [#tpu.dimension_semantics<arbitrary>], iteration_bounds = array<i64: 10>, scalar_prefetch = 0 : i64, scratch_operands = 0 : i64, tpu.core_type = #tpu.core_type<tc>, window_params = [{transform_indices = @transform_0, window_bounds = array<i64: 1000, 256>}, {pipeline_mode = #tpu.pipeline_mode<synchronous>, transform_indices = @transform_1, window_bounds = array<i64: 256, 256>}, {pipeline_mode = #tpu.pipeline_mode<synchronous>, transform_indices = @transform_2, window_bounds = array<i64: 256, 1>}, {pipeline_mode = #tpu.pipeline_mode<synchronous>, transform_indices = @transform_3, window_bounds = array<i64: 256, 1>}, {transform_indices = @transform_4, window_bounds = array<i64: 2, 1000, 128>}, {transform_indices = @transform_5, window_bounds = array<i64: 1000, 1>}, {transform_indices = @transform_6, window_bounds = array<i64: 1000, 1>}]} {
    %get3A = arith.constant 0 : index
    %get3A_0 = arith.constant 0 : index
    %get3A_1 = vector.load %arg1[%get3A, %get3A_0] : memref<1000x256xf32, #tpu.memory_space<vmem>>, vector<1000x256xf32>
    %get3A_2 = arith.constant 0 : index
    %get3A_3 = arith.constant 0 : index
    %get3A_4 = vector.load %arg2[%get3A_2, %get3A_3] : memref<256x256xf32, #tpu.memory_space<vmem>>, vector<256x256xf32>
    %dot_general3A = arith.constant dense<0.000000e+00> : vector<1000x256xf32>
    %dot_general3A_5 = tpu.matmul %get3A_1, %get3A_4, %dot_general3A {dimension_numbers = #tpu.dot_dimension_numbers<[1], [0], [0], [1], [0, 0, 1, 1], [], []>, transpose_lhs_hint = false} : vector<1000x256xf32>, vector<256x256xf32>, vector<1000x256xf32> -> vector<1000x256xf32>
    %slice3A = vector.extract_strided_slice %dot_general3A_5 {offsets = [0, 0], sizes = [1000, 128], strides = [1, 1]} : vector<1000x256xf32> to vector<1000x128xf32>
    %convert_element_type3A = arith.truncf %slice3A : vector<1000x128xf32> to vector<1000x128xbf16>
    %swap3A = arith.constant 0 : index
    %swap3A_6 = arith.constant 0 : index
    %swap3A_7 = arith.constant 0 : index
    %swap3A_8 = vector.load %arg5[%swap3A, %swap3A_6, %swap3A_7] : memref<2x1000x128xbf16, #tpu.memory_space<vmem>>, vector<1x1000x128xbf16>
    %swap3A_9 = vector.shape_cast %swap3A_8 : vector<1x1000x128xbf16> to vector<1000x128xbf16>
    %swap3A_10 = vector.shape_cast %convert_element_type3A : vector<1000x128xbf16> to vector<1x1000x128xbf16>
    tpu.vector_store %arg5[%swap3A, %swap3A_6, %swap3A_7], %swap3A_10 {strides = array<i32>} : memref<2x1000x128xbf16, #tpu.memory_space<vmem>>, vector<1x1000x128xbf16>,
    %slice3A_11 = vector.extract_strided_slice %dot_general3A_5 {offsets = [0, 128], sizes = [1000, 128], strides = [1, 1]} : vector<1000x256xf32> to vector<1000x128xf32>
    %convert_element_type3A_12 = arith.truncf %slice3A_11 : vector<1000x128xf32> to vector<1000x128xbf16>
    %swap3A_13 = arith.constant 1 : index
    %swap3A_14 = arith.constant 0 : index
    %swap3A_15 = arith.constant 0 : index
    %swap3A_16 = vector.load %arg5[%swap3A_13, %swap3A_14, %swap3A_15] : memref<2x1000x128xbf16, #tpu.memory_space<vmem>>, vector<1x1000x128xbf16>
    %swap3A_17 = vector.shape_cast %swap3A_16 : vector<1x1000x128xbf16> to vector<1000x128xbf16>
    %swap3A_18 = vector.shape_cast %convert_element_type3A_12 : vector<1000x128xbf16> to vector<1x1000x128xbf16>
    tpu.vector_store %arg5[%swap3A_13, %swap3A_14, %swap3A_15], %swap3A_18 {strides = array<i32>} : memref<2x1000x128xbf16, #tpu.memory_space<vmem>>, vector<1x1000x128xbf16>,
    %get3A_19 = arith.constant 0 : index
    %get3A_20 = arith.constant 0 : index
    %get3A_21 = vector.load %arg3[%get3A_19, %get3A_20] : memref<256x1xf32, #tpu.memory_space<vmem>>, vector<256x1xf32>
    %dot_general3A_22 = arith.constant dense<0.000000e+00> : vector<1000x1xf32>
    %dot_general3A_23 = tpu.matmul %dot_general3A_5, %get3A_21, %dot_general3A_22 {dimension_numbers = #tpu.dot_dimension_numbers<[1], [0], [0], [1], [0, 0, 1, 1], [], []>, transpose_lhs_hint = false} : vector<1000x256xf32>, vector<256x1xf32>, vector<1000x1xf32> -> vector<1000x1xf32>
    %swap3A_24 = arith.constant 0 : index
    %swap3A_25 = arith.constant 0 : index
    %swap3A_26 = vector.load %arg6[%swap3A_24, %swap3A_25] : memref<1000x1xf32, #tpu.memory_space<vmem>>, vector<1000x1xf32>
    tpu.vector_store %arg6[%swap3A_24, %swap3A_25], %dot_general3A_23 {strides = array<i32>} : memref<1000x1xf32, #tpu.memory_space<vmem>>, vector<1000x1xf32>,
    %get3A_27 = arith.constant 0 : index
    %get3A_28 = arith.constant 0 : index
    %get3A_29 = vector.load %arg4[%get3A_27, %get3A_28] : memref<256x1xf32, #tpu.memory_space<vmem>>, vector<256x1xf32>
    %dot_general3A_30 = arith.constant dense<0.000000e+00> : vector<1000x1xf32>
    %dot_general3A_31 = tpu.matmul %dot_general3A_5, %get3A_29, %dot_general3A_30 {dimension_numbers = #tpu.dot_dimension_numbers<[1], [0], [0], [1], [0, 0, 1, 1], [], []>, transpose_lhs_hint = false} : vector<1000x256xf32>, vector<256x1xf32>, vector<1000x1xf32> -> vector<1000x1xf32>
    %swap3A_32 = arith.constant 0 : index
    %swap3A_33 = arith.constant 0 : index
    %swap3A_34 = vector.load %arg7[%swap3A_32, %swap3A_33] : memref<1000x1xf32, #tpu.memory_space<vmem>>, vector<1000x1xf32>
    tpu.vector_store %arg7[%swap3A_32, %swap3A_33], %dot_general3A_31 {strides = array<i32>} : memref<1000x1xf32, #tpu.memory_space<vmem>>, vector<1000x1xf32>,
    return
  }
  func.func @transform_0(%arg0: i32) -> (i32, i32) {
    %c0_i32 = arith.constant 0 : i32
    %c0_i32_0 = arith.constant 0 : i32
    return %arg0, %c0_i32 : i32, i32
  }
  func.func @transform_1(%arg0: i32) -> (i32, i32) {
    %c0_i32 = arith.constant 0 : i32
    %c0_i32_0 = arith.constant 0 : i32
    %c0_i32_1 = arith.constant 0 : i32
    return %c0_i32, %c0_i32_0 : i32, i32
  }
  func.func @transform_2(%arg0: i32) -> (i32, i32) {
    %c0_i32 = arith.constant 0 : i32
    %c0_i32_0 = arith.constant 0 : i32
    %c0_i32_1 = arith.constant 0 : i32
    return %c0_i32, %c0_i32_0 : i32, i32
  }
  func.func @transform_3(%arg0: i32) -> (i32, i32) {
    %c0_i32 = arith.constant 0 : i32
    %c0_i32_0 = arith.constant 0 : i32
    %c0_i32_1 = arith.constant 0 : i32
    return %c0_i32, %c0_i32_0 : i32, i32
  }
  func.func @transform_4(%arg0: i32) -> (i32, i32, i32) {
    %c0_i32 = arith.constant 0 : i32
    %c0_i32_0 = arith.constant 0 : i32
    %c0_i32_1 = arith.constant 0 : i32
    return %c0_i32, %arg0, %c0_i32_0 : i32, i32, i32
  }
  func.func @transform_5(%arg0: i32) -> (i32, i32) {
    %c0_i32 = arith.constant 0 : i32
    %c0_i32_0 = arith.constant 0 : i32
    return %arg0, %c0_i32 : i32, i32
  }
  func.func @transform_6(%arg0: i32) -> (i32, i32) {
    %c0_i32 = arith.constant 0 : i32
    %c0_i32_0 = arith.constant 0 : i32
    return %arg0, %c0_i32 : i32, i32
  }
}

module attributes {stable_mosaic.version = 14 : i64} {
  func.func @_bn_body(%arg0: i32, %arg1: i32, %arg2: memref<2x1280x128xf32, #tpu.memory_space<vmem>>, %arg3: memref<16x1280xf32, #tpu.memory_space<vmem>>, %arg4: memref<1x256xf32, #tpu.memory_space<vmem>>, %arg5: memref<1x256xf32, #tpu.memory_space<vmem>>, %arg6: memref<1x256xf32, #tpu.memory_space<vmem>>, %arg7: memref<2x256xf32, #tpu.memory_space<vmem>>, %arg8: memref<1280x256xf32, #tpu.memory_space<vmem>>) attributes {dimension_semantics = [#tpu.dimension_semantics<arbitrary>, #tpu.dimension_semantics<arbitrary>], iteration_bounds = array<i64: 2, 8>, scalar_prefetch = 0 : i64, scratch_operands = 0 : i64, tpu.core_type = #tpu.core_type<tc>, window_params = [{transform_indices = @transform_0, window_bounds = array<i64: 2, 1280, 128>}, {transform_indices = @transform_1, window_bounds = array<i64: 16, 1280>}, {pipeline_mode = #tpu.pipeline_mode<synchronous>, transform_indices = @transform_2, window_bounds = array<i64: 1, 256>}, {pipeline_mode = #tpu.pipeline_mode<synchronous>, transform_indices = @transform_3, window_bounds = array<i64: 1, 256>}, {pipeline_mode = #tpu.pipeline_mode<synchronous>, transform_indices = @transform_4, window_bounds = array<i64: 1, 256>}, {pipeline_mode = #tpu.pipeline_mode<synchronous>, transform_indices = @transform_5, window_bounds = array<i64: 2, 256>}, {transform_indices = @transform_6, window_bounds = array<i64: 1280, 256>}]} {
    %eq3A = arith.constant 0 : i32
    %eq3A_0 = arith.cmpi eq, %arg0, %eq3A : i32
    %eq3A_1 = arith.constant 0 : i32
    %eq3A_2 = arith.cmpi eq, %arg1, %eq3A_1 : i32
    %and3A = arith.andi %eq3A_0, %eq3A_2 : i1
    %convert_element_type3A = arith.extui %and3A : i1 to i32
    %cond3A = arith.constant 0 : i32
    %cond3A_3 = arith.cmpi ne, %convert_element_type3A, %cond3A : i32
    scf.if %cond3A_3 {
      %broadcast_in_dim3A_32 = arith.constant 0.000000e+00 : f32
      %broadcast_in_dim3A_33 = vector.broadcast %broadcast_in_dim3A_32 : f32 to vector<2x256xf32>
      %swap3A = arith.constant 0 : index
      %swap3A_34 = arith.constant 0 : index
      %swap3A_35 = vector.load %arg7[%swap3A, %swap3A_34] : memref<2x256xf32, #tpu.memory_space<vmem>>, vector<2x256xf32>
      tpu.vector_store %arg7[%swap3A, %swap3A_34], %broadcast_in_dim3A_33 {strides = array<i32>} : memref<2x256xf32, #tpu.memory_space<vmem>>, vector<2x256xf32>,
    } else {
    }
    %get3A = arith.constant 0 : index
    %get3A_4 = arith.constant 0 : index
    %get3A_5 = vector.load %arg3[%get3A, %get3A_4] : memref<16x1280xf32, #tpu.memory_space<vmem>>, vector<16x1280xf32>
    %reduce_sum3A = arith.constant dense<0.000000e+00> : vector<1280xf32>
    %reduce_sum3A_6 = vector.multi_reduction <add>, %get3A_5, %reduce_sum3A [0] : vector<16x1280xf32> to vector<1280xf32>
    %broadcast_in_dim3A = vector.shape_cast %reduce_sum3A_6 : vector<1280xf32> to vector<1280x1xf32>
    %get3A_7 = arith.constant 0 : index
    %get3A_8 = arith.constant 0 : index
    %get3A_9 = arith.constant 0 : index
    %get3A_10 = vector.load %arg2[%get3A_7, %get3A_8, %get3A_9] : memref<2x1280x128xf32, #tpu.memory_space<vmem>>, vector<1x1280x128xf32>
    %get3A_11 = vector.shape_cast %get3A_10 : vector<1x1280x128xf32> to vector<1280x128xf32>
    %get3A_12 = arith.constant 1 : index
    %get3A_13 = arith.constant 0 : index
    %get3A_14 = arith.constant 0 : index
    %get3A_15 = vector.load %arg2[%get3A_12, %get3A_13, %get3A_14] : memref<2x1280x128xf32, #tpu.memory_space<vmem>>, vector<1x1280x128xf32>
    %get3A_16 = vector.shape_cast %get3A_15 : vector<1x1280x128xf32> to vector<1280x128xf32>
    %concatenate3A = tpu.concatenate %get3A_11, %get3A_16 in 1 : vector<1280x128xf32>, vector<1280x128xf32> -> vector<1280x256xf32>
    %div3A = vector.broadcast %broadcast_in_dim3A : vector<1280x1xf32> to vector<1280x256xf32>
    %div3A_17 = arith.divf %concatenate3A, %div3A : vector<1280x256xf32>
    %get3A_18 = arith.constant 0 : index
    %get3A_19 = arith.constant 0 : index
    %get3A_20 = vector.load %arg4[%get3A_18, %get3A_19] : memref<1x256xf32, #tpu.memory_space<vmem>>, vector<1x256xf32>
    %add3A = vector.broadcast %get3A_20 : vector<1x256xf32> to vector<1280x256xf32>
    %add3A_21 = arith.addf %div3A_17, %add3A : vector<1280x256xf32>
    %eq3A_22 = arith.constant 0 : i32
    %eq3A_23 = arith.cmpi eq, %arg0, %eq3A_22 : i32
    %convert_element_type3A_24 = arith.extui %eq3A_23 : i1 to i32
    %cond3A_25 = arith.constant 0 : i32
    %cond3A_26 = arith.cmpi ne, %convert_element_type3A_24, %cond3A_25 : i32
    scf.if %cond3A_26 {
      %iota3A = tpu.iota {dimensions = array<i32: 0>} : vector<1280x1xi32>
      %mul3A = arith.constant 1280 : i32
      %mul3A_32 = arith.muli %arg1, %mul3A : i32
      %add3A_33 = vector.broadcast %mul3A_32 : i32 to vector<1280x1xi32>
      %add3A_34 = arith.addi %iota3A, %add3A_33 : vector<1280x1xi32>
      %lt3A = arith.constant 10000 : i32
      %lt3A_35 = vector.broadcast %lt3A : i32 to vector<1280x1xi32>
      %lt3A_36 = arith.cmpi slt, %add3A_34, %lt3A_35 : vector<1280x1xi32>
      %jit3A = arith.constant 0.000000e+00 : f32
      %broadcast_in_dim3A_37 = vector.shape_cast %lt3A_36 : vector<1280x1xi1> to vector<1280x1xi1>
      %broadcast_in_dim3A_38 = vector.broadcast %broadcast_in_dim3A_37 : vector<1280x1xi1> to vector<1280x256xi1>
      %broadcast_in_dim3A_39 = vector.broadcast %jit3A : f32 to vector<1280x256xf32>
      %select_n3A = arith.select %broadcast_in_dim3A_38, %add3A_21, %broadcast_in_dim3A_39 : vector<1280x256xi1>, vector<1280x256xf32>
      %get3A_40 = arith.constant 0 : index
      %get3A_41 = arith.constant 0 : index
      %get3A_42 = vector.load %arg7[%get3A_40, %get3A_41] : memref<2x256xf32, #tpu.memory_space<vmem>>, vector<1x256xf32>
      %reduce_sum3A_43 = arith.constant dense<0.000000e+00> : vector<256xf32>
      %reduce_sum3A_44 = vector.multi_reduction <add>, %select_n3A, %reduce_sum3A_43 [0] : vector<1280x256xf32> to vector<256xf32>
      %broadcast_in_dim3A_45 = vector.shape_cast %reduce_sum3A_44 : vector<256xf32> to vector<1x256xf32>
      %add3A_46 = arith.addf %get3A_42, %broadcast_in_dim3A_45 : vector<1x256xf32>
      %swap3A = arith.constant 0 : index
      %swap3A_47 = arith.constant 0 : index
      %swap3A_48 = vector.load %arg7[%swap3A, %swap3A_47] : memref<2x256xf32, #tpu.memory_space<vmem>>, vector<1x256xf32>
      tpu.vector_store %arg7[%swap3A, %swap3A_47], %add3A_46 {strides = array<i32>} : memref<2x256xf32, #tpu.memory_space<vmem>>, vector<1x256xf32>,
      %get3A_49 = arith.constant 1 : index
      %get3A_50 = arith.constant 0 : index
      %get3A_51 = vector.load %arg7[%get3A_49, %get3A_50] : memref<2x256xf32, #tpu.memory_space<vmem>>, vector<1x256xf32>
      %mul3A_52 = arith.mulf %select_n3A, %select_n3A : vector<1280x256xf32>
      %reduce_sum3A_53 = arith.constant dense<0.000000e+00> : vector<256xf32>
      %reduce_sum3A_54 = vector.multi_reduction <add>, %mul3A_52, %reduce_sum3A_53 [0] : vector<1280x256xf32> to vector<256xf32>
      %broadcast_in_dim3A_55 = vector.shape_cast %reduce_sum3A_54 : vector<256xf32> to vector<1x256xf32>
      %add3A_56 = arith.addf %get3A_51, %broadcast_in_dim3A_55 : vector<1x256xf32>
      %swap3A_57 = arith.constant 1 : index
      %swap3A_58 = arith.constant 0 : index
      %swap3A_59 = vector.load %arg7[%swap3A_57, %swap3A_58] : memref<2x256xf32, #tpu.memory_space<vmem>>, vector<1x256xf32>
      tpu.vector_store %arg7[%swap3A_57, %swap3A_58], %add3A_56 {strides = array<i32>} : memref<2x256xf32, #tpu.memory_space<vmem>>, vector<1x256xf32>,
    } else {
    }
    %eq3A_27 = arith.constant 1 : i32
    %eq3A_28 = arith.cmpi eq, %arg0, %eq3A_27 : i32
    %convert_element_type3A_29 = arith.extui %eq3A_28 : i1 to i32
    %cond3A_30 = arith.constant 0 : i32
    %cond3A_31 = arith.cmpi ne, %convert_element_type3A_29, %cond3A_30 : i32
    scf.if %cond3A_31 {
      %get3A_32 = arith.constant 0 : index
      %get3A_33 = arith.constant 0 : index
      %get3A_34 = vector.load %arg7[%get3A_32, %get3A_33] : memref<2x256xf32, #tpu.memory_space<vmem>>, vector<1x256xf32>
      %div3A_35 = arith.constant 1.000000e+04 : f32
      %div3A_36 = vector.broadcast %div3A_35 : f32 to vector<1x256xf32>
      %div3A_37 = arith.divf %get3A_34, %div3A_36 : vector<1x256xf32>
      %get3A_38 = arith.constant 1 : index
      %get3A_39 = arith.constant 0 : index
      %get3A_40 = vector.load %arg7[%get3A_38, %get3A_39] : memref<2x256xf32, #tpu.memory_space<vmem>>, vector<1x256xf32>
      %div3A_41 = arith.constant 1.000000e+04 : f32
      %div3A_42 = vector.broadcast %div3A_41 : f32 to vector<1x256xf32>
      %div3A_43 = arith.divf %get3A_40, %div3A_42 : vector<1x256xf32>
      %mul3A = arith.mulf %div3A_37, %div3A_37 : vector<1x256xf32>
      %sub3A = arith.subf %div3A_43, %mul3A : vector<1x256xf32>
      %add3A_44 = arith.constant 9.99999974E-6 : f32
      %add3A_45 = vector.broadcast %add3A_44 : f32 to vector<1x256xf32>
      %add3A_46 = arith.addf %sub3A, %add3A_45 : vector<1x256xf32>
      %rsqrt3A = math.rsqrt %add3A_46 : vector<1x256xf32>
      %get3A_47 = arith.constant 0 : index
      %get3A_48 = arith.constant 0 : index
      %get3A_49 = vector.load %arg5[%get3A_47, %get3A_48] : memref<1x256xf32, #tpu.memory_space<vmem>>, vector<1x256xf32>
      %mul3A_50 = arith.mulf %rsqrt3A, %get3A_49 : vector<1x256xf32>
      %sub3A_51 = vector.broadcast %div3A_37 : vector<1x256xf32> to vector<1280x256xf32>
      %sub3A_52 = arith.subf %add3A_21, %sub3A_51 : vector<1280x256xf32>
      %mul3A_53 = vector.broadcast %mul3A_50 : vector<1x256xf32> to vector<1280x256xf32>
      %mul3A_54 = arith.mulf %sub3A_52, %mul3A_53 : vector<1280x256xf32>
      %get3A_55 = arith.constant 0 : index
      %get3A_56 = arith.constant 0 : index
      %get3A_57 = vector.load %arg6[%get3A_55, %get3A_56] : memref<1x256xf32, #tpu.memory_space<vmem>>, vector<1x256xf32>
      %add3A_58 = vector.broadcast %get3A_57 : vector<1x256xf32> to vector<1280x256xf32>
      %add3A_59 = arith.addf %mul3A_54, %add3A_58 : vector<1280x256xf32>
      %swap3A = arith.constant 0 : index
      %swap3A_60 = arith.constant 0 : index
      %swap3A_61 = vector.load %arg8[%swap3A, %swap3A_60] : memref<1280x256xf32, #tpu.memory_space<vmem>>, vector<1280x256xf32>
      tpu.vector_store %arg8[%swap3A, %swap3A_60], %add3A_59 {strides = array<i32>} : memref<1280x256xf32, #tpu.memory_space<vmem>>, vector<1280x256xf32>,
    } else {
    }
    return
  }
  func.func @transform_0(%arg0: i32, %arg1: i32) -> (i32, i32, i32) {
    %c0_i32 = arith.constant 0 : i32
    %c0_i32_0 = arith.constant 0 : i32
    %c0_i32_1 = arith.constant 0 : i32
    return %c0_i32, %arg1, %c0_i32_0 : i32, i32, i32
  }
  func.func @transform_1(%arg0: i32, %arg1: i32) -> (i32, i32) {
    %c0_i32 = arith.constant 0 : i32
    %c0_i32_0 = arith.constant 0 : i32
    return %c0_i32, %arg1 : i32, i32
  }
  func.func @transform_2(%arg0: i32, %arg1: i32) -> (i32, i32) {
    %c0_i32 = arith.constant 0 : i32
    %c0_i32_0 = arith.constant 0 : i32
    %c0_i32_1 = arith.constant 0 : i32
    return %c0_i32, %c0_i32_0 : i32, i32
  }
  func.func @transform_3(%arg0: i32, %arg1: i32) -> (i32, i32) {
    %c0_i32 = arith.constant 0 : i32
    %c0_i32_0 = arith.constant 0 : i32
    %c0_i32_1 = arith.constant 0 : i32
    return %c0_i32, %c0_i32_0 : i32, i32
  }
  func.func @transform_4(%arg0: i32, %arg1: i32) -> (i32, i32) {
    %c0_i32 = arith.constant 0 : i32
    %c0_i32_0 = arith.constant 0 : i32
    %c0_i32_1 = arith.constant 0 : i32
    return %c0_i32, %c0_i32_0 : i32, i32
  }
  func.func @transform_5(%arg0: i32, %arg1: i32) -> (i32, i32) {
    %c0_i32 = arith.constant 0 : i32
    %c0_i32_0 = arith.constant 0 : i32
    %c0_i32_1 = arith.constant 0 : i32
    return %c0_i32, %c0_i32_0 : i32, i32
  }
  func.func @transform_6(%arg0: i32, %arg1: i32) -> (i32, i32) {
    %c0_i32 = arith.constant 0 : i32
    %c0_i32_0 = arith.constant 0 : i32
    return %arg1, %c0_i32 : i32, i32
  }
}

</mosaic_0001>

<sc_bundles>
// kernel: kernel.5.cloned.1.call-start
scs
__scs_entry_jumppad:
0x0: {  	(pc) =	sbr.rel $0x88, $3  }
0x1: {  	(tag) =	ssettag $0x0;
	lr =	simm.s32 $0x1  }
0x2: {  	[smem:$0x3F99] =	sst lr;
	_ =	strace $0xD0000000  }
0x3: {  	_ = 	snop  }
0x4: {  	_ = 	snop  }
0x5: {  	_ = 	snop  }
0x6: {  	_ = 	snop  }
0x7: {  	_ = 	snop  }
__scs_overlays_trampoline_lowered:
0x8: {  	[smem:$0x3FA8] =	sst s0  }
0x9: {  	[smem:$0x3FA9] =	sst s1  }
0xa: {  	[smem:$0x3FAA] =	sst s2  }
0xb: {  	[smem:$0x3FAB] =	sst s3  }
0xc: {  	[smem:$0x3FAC] =	sst s4  }
0xd: {  	[smem:$0x3FAD] =	sst s5  }
0xe: {  	[smem:$0x3FAE] =	sst s6  }
0xf: {  	[smem:$0x3FAF] =	sst s7  }
0x10: {  	[smem:$0x3FB0] =	sst s8  }
0x11: {  	[smem:$0x3FB1] =	sst s9;
	s0 =	simm.s32 @!p0 $0x0  }
0x12: {  	s1 =	sld [smem:$0x3F97];
	s0 =	simm.s32 @p0 $0x1  }
0x13: {  	[smem:$0x3FB2] =	sst s0;
	s0 =	simm.s32 @!p1 $0x0  }
0x14: {  	s2 =	sld [smem:$0x3F96];
	s0 =	simm.s32 @p1 $0x1  }
0x15: {  	[smem:$0x3FB3] =	sst s0;
	s0 =	simm.s32 @!p2 $0x0  }
0x16: {  	s3 =	sld [smem:$0x3FDB];
	s0 =	simm.s32 @p2 $0x1  }
0x17: {  	s4 =	simm.s32 $0x1BF5;
	[smem:$0x3FB5] =	sst s0  }
0x18: {  	s0 =	sld [smem:$0x3F98];
	_ =	swait.ge [sflag:s4], $0x0  }
0x19: {  	s7 =	sld [smem:$0x3F99]  }
0x1a: {  	s8 =	sadd.s32 $0xFFFFE003, lr  }
0x1b: {  	s9 =	sadd.s32 $0xFFFFFEF7, lr;
	s5 =	simm.s32 $0xFFFFFFFF;
	p2 =	slt.u32 s8, $0xFFFFF086  }
0x1c: {  	p1 =	slt.u32 s9, $0xF7A;
	s5 =	simm.s32 @!p2 $0x0  }
0x1d: {  	s5 =	simm.s32 @p1 $0x1;
	p0 =	seq.s32 s7, s2  }
0x1e: {  	s7 =	smul.u32 @!p0 $0xF7A, s2;
	p2 =	seq.s32 @!p0 s5, $0x0  }
0x1f: {  	s9 =	smul.u32 $0xF7A, s1;
	s8 =	simm.s32 @!p0 $0x1BF5;
	p2 =	por !p2, p0  }
0x20: {  	[sflag:s8] =	ssyncset.s32 @!p0 $0xFFFFF086;
	s6 =	sadd.s32 @!p0 s3, s7;
	s7 =	simm.s32 @!p0 $0x108  }
0x21: {  	s3 =	sadd.s32 s3, s9;
	s6 =	sadd.s32 @!p0 $0x88, s6;
	s7 =	simm.s32 @p2 $0x1082  }
0x22: {  	[simem:s7], [sflag:s8] =	dma.local @!p0 [hbm:s6], $0xF7A  }
0x23: {  	s9 =	sor.u32 $0xD0000000, s2;
	s6 =	simm.s32 $0x108;
	_ =	swait.ge @!p0 [sflag:s8], $0x0  }
0x24: {  	s3 =	sadd.s32 $0x88, s3;
	s6 =	simm.s32 @!p1 $0x1082;
	[sflag:s4] =	ssyncset.s32 $0xFFFFF086  }
0x25: {  	[simem:s6], [sflag:s4] =	dma.local [hbm:s3], $0xF7A  }
0x26: {  	[smem:$0x3F99] =	sst s1;
	(tag) =	ssettag s2;
	_ =	strace s9  }
0x27: {  	s1 =	sld [smem:$0x3FA9]  }
0x28: {  	s2 =	sld [smem:$0x3FAA]  }
0x29: {  	s4 =	sld [smem:$0x3FAC]  }
0x2a: {  	p0 =	seq.s32 s5, $0x0;
	s5 =	sld [smem:$0x3FAD]  }
0x2b: {  	s6 =	sld [smem:$0x3FAE]  }
0x2c: {  	s7 =	sld [smem:$0x3FAF]  }
0x2d: {  	s3 =	simm.s32 $0x108;
	s8 =	sld [smem:$0x3FB0]  }
0x2e: {  	s3 =	simm.s32 @!p0 $0x1082;
	s9 =	sld [smem:$0x3FB1]  }
0x2f: {  	lr =	sadd.s32 s0, s3;
	s0 =	sld [smem:$0x3FA8]  }
0x30: {  	s3 =	sld [smem:$0x3FAB]  }
0x31: {  	[smem:$0x3FB4] =	sst s10  }
0x32: {  	s10 =	sld [smem:$0x3FB2];
	_ =	sdelay $0x3  }
0x33: {  	p0 =	seq.s32 s10, $0x1;
	s10 =	sld [smem:$0x3FB4];
	_ =	sdelay $0x3  }
0x34: {  	[smem:$0x3FB4] =	sst s10  }
0x35: {  	s10 =	sld [smem:$0x3FB3];
	_ =	sdelay $0x3  }
0x36: {  	p1 =	seq.s32 s10, $0x1;
	s10 =	sld [smem:$0x3FB4];
	_ =	sdelay $0x3  }
0x37: {  	[smem:$0x3FB4] =	sst s10  }
0x38: {  	s10 =	sld [smem:$0x3FB5]  }
0x39: {  	_ = 	snop;
	(pc) =	sbr.ind lr, $3  }
0x3a: {  	_ = 	snop  }
0x3b: {  	_ = 	snop  }
0x3c: {  	p2 =	seq.s32 s10, $0x1;
	s10 =	sld [smem:$0x3FB4]  }
0x3d: {  	_ =	shalt  }
0x3e: {  	_ =	shalt  }
0x3f: {  	_ =	shalt  }
0x40: {  	_ =	shalt  }
0x41: {  	_ =	shalt  }
0x42: {  	_ =	shalt  }
0x43: {  	_ =	shalt  }
0x44: {  	_ =	shalt  }
0x45: {  	_ =	shalt  }
0x46: {  	_ =	shalt  }
0x47: {  	_ =	shalt  }
0x48: {  	_ =	shalt  }
0x49: {  	_ =	shalt  }
0x4a: {  	_ =	shalt  }
0x4b: {  	_ =	shalt  }
0x4c: {  	_ =	shalt  }
0x4d: {  	_ =	shalt  }
0x4e: {  	_ =	shalt  }
0x4f: {  	_ =	shalt  }
0x50: {  	_ =	shalt  }
0x51: {  	_ =	shalt  }
0x52: {  	_ =	shalt  }
0x53: {  	_ =	shalt  }
0x54: {  	_ =	shalt  }
0x55: {  	_ =	shalt  }
0x56: {  	_ =	shalt  }
0x57: {  	_ =	shalt  }
0x58: {  	_ =	shalt  }
0x59: {  	_ =	shalt  }
0x5a: {  	_ =	shalt  }
0x5b: {  	_ =	shalt  }
0x5c: {  	_ =	shalt  }
0x5d: {  	_ =	shalt  }
0x5e: {  	_ =	shalt  }
0x5f: {  	_ =	shalt  }
0x60: {  	_ =	shalt  }
0x61: {  	_ =	shalt  }
0x62: {  	_ =	shalt  }
0x63: {  	_ =	shalt  }
0x64: {  	_ =	shalt  }
0x65: {  	_ =	shalt  }
0x66: {  	_ =	shalt  }
0x67: {  	_ =	shalt  }
0x68: {  	_ =	shalt  }
0x69: {  	_ =	shalt  }
0x6a: {  	_ =	shalt  }
0x6b: {  	_ =	shalt  }
0x6c: {  	_ =	shalt  }
0x6d: {  	_ =	shalt  }
0x6e: {  	_ =	shalt  }
0x6f: {  	_ =	shalt  }
0x70: {  	_ =	shalt  }
0x71: {  	_ =	shalt  }
0x72: {  	_ =	shalt  }
0x73: {  	_ =	shalt  }
0x74: {  	_ =	shalt  }
0x75: {  	_ =	shalt  }
0x76: {  	_ =	shalt  }
0x77: {  	_ =	shalt  }
0x78: {  	_ =	shalt  }
0x79: {  	_ =	shalt  }
0x7a: {  	_ =	shalt  }
0x7b: {  	_ =	shalt  }
0x7c: {  	_ =	shalt  }
0x7d: {  	_ =	shalt  }
0x7e: {  	_ =	shalt  }
0x7f: {  	_ =	shalt  }
0x80: {  	_ =	shalt  }
0x81: {  	_ =	shalt  }
0x82: {  	_ =	shalt  }
0x83: {  	_ =	shalt  }
0x84: {  	_ =	shalt  }
0x85: {  	_ =	shalt  }
0x86: {  	_ =	shalt  }
0x87: {  	_ =	shalt  }
.Lfunc_end0:
.L_simem_size_0:
called_computation_lowered:
.L_overlay_start_0:
0x88: {  	s2 =	sld [smem:$0x3FD9]  }
0x89: {  	s3 =	sld [smem:$0x3FFE];
	_ =	sdelay $0x1  }
0x8a: {  	s1 =	srdreg.scid  }
0x8b: {  	s0 =	sand.u32 $0x1, s1  }
0x8c: {  	s17 =	sshll.u32 s0, $0xA;
	s2 =	sadd.s32 s3, s2  }
0x8d: {  	s2 =	sadd.s32 s2, s17  }
0x8e: {  	[smem:$0x3FC0] =	sst s2  }
0x8f: {  	_ = 	snop  }
0x90: {  	s2 =	sld [smem:$0x3FD0];
	(tm) =	ssettm $0x1  }
0x91: {  	s18 =	sld [smem:$0x3FFB];
	_ =	sdelay $0x3  }
0x92: {  	_ =	strace s18  }
0x93: {  	s3 =	sld [smem:$0x3FFC];
	_ =	sdelay $0x3  }
0x94: {  	_ =	strace s3  }
0x95: {  	s3 =	sld [smem:$0x3FFD];
	_ =	sdelay $0x3  }
0x96: {  	_ =	strace s3  }
0x97: {  	_ =	strace $0x8FFFFFFF  }
0x98: {  	s19 =	sld [smem:$0x3FDB];
	_ =	sdelay $0x1  }
0x99: {  	s4 =	simm.s32 $_scs_section_size  }
0x9a: {  	s5 =	simm.s32 $_size__tile_overlayer_lowered;
	s6 =	simm.s32 $_tile_overlayer_lowered  }
0x9b: {  	s22 =	simm.s32 $0x1BFF;
	s21 =	sshll.u32 s6, $0x1;
	s3 =	sadd.s32 s4, s19  }
0x9c: {  	s7 =	simm.s32 $0x0;
	s20 =	sshll.u32 s5, $0x1;
	s5 =	sadd.s32 s21, s3  }
0x9d: {  	[timem:s7], [sflag:s22] =	dma.local [hbm:s5], s20  }
0x9e: {  	_ =	swait.ge [sflag:s22], s20  }
0x9f: {  	s4 =	ssub.s32 $0x0, s20;
	[sflag:s22] =	ssyncset.done $0x0  }
0xa0: {  	[sflag:s22] =	ssyncadd.s32 s4;
	_ =	sdelay $0x1  }
0xa1: {  	s23 =	simm.s32 $0x1B8B  }
0xa2: {  	_ =	swait.ge [sflag:s23], $0x1  }
0xa3: {  	[sflag:s23] =	ssyncset.done $0x0  }
0xa4: {  	s25 =	simm.s32 $0x1B8E;
	s24 =	sld [smem:$0x3FFE];
	[sflag:s23] =	ssyncadd.s32 $0xFFFFFFFF  }
0xa5: {  	s26 =	simm.s32 $execute0_lowered;
	[smem:$0x3FD2] =	sst s25  }
0xa6: {  	s5 =	sshll.u32 s26, $0x1;
	_ =	strace $0x80000046;
	[dreg:$0x1] =	wrdreg $0xFFFFFFFF  }
0xa7: {  	s28 =	simm.s32 $_size_execute0_lowered;
	s3 =	sadd.s32 s3, s5;
	[dreg:$0x0] =	wrdreg $0x0  }
0xa8: {  	s5 =	sshll.u32 s28, $0x1;
	[dreg:$0x2] =	wrdreg s3  }
0xa9: {  	[dreg:$0x3] =	wrdreg s5  }
0xaa: {  	[dreg:$0x4] =	wrdreg $0xC0  }
0xab: {  	_ =	task [dreg:s7], $0x5FFFF  }
0xac: {  	[dreg:$0x1] =	wrdreg $0xFFFFFFFF  }
0xad: {  	[dreg:$0x0] =	wrdreg $0x60  }
0xae: {  	[dreg:$0x2] =	wrdreg s2  }
0xaf: {  	[dreg:$0x3] =	wrdreg s24  }
0xb0: {  	[dreg:$0x4] =	wrdreg $0x0  }
0xb1: {  	[dreg:$0x5] =	wrdreg $0x9  }
0xb2: {  	_ =	task.clear_ibuf [dreg:s7], $0x6FFFF;
	_ =	strace $0x90000046  }
0xb3: {  	s29 =	simm.s32 $0x9;
	_ =	strace $0x80000048  }
0xb4: {  	_ =	swait.ge [sflag:s29], $0x1  }
0xb5: {  	[sflag:s29] =	ssyncadd.s32 $0xFFFFFFFF  }
0xb6: {  	_ =	strace $0x90000048  }
0xb7: {  	_ =	sfence  }
0xb8: {  	s30 =	sld [smem:$0x0];
	_ =	sdelay $0x2  }
0xb9: {  	s31 =	sshll.u32 s1, $0xD;
	s1 =	sshrl.u32 s1, $0x2  }
0xba: {  	s3 =	sand.u32 $0x4000, s31;
	s1 =	sadd.s32 s1, s30  }
0xbb: {  	s0 =	sor.u32 s3, s0;
	s1 =	sshll.u32 s1, $0x11  }
0xbc: {  	s0 =	sor.u32 s1, s0  }
0xbd: {  	s0 =	sadd.s32 $0x8F2B, s0  }
0xbe: {  	[sflag:s0] =	ssyncadd.remote.s32 $0x1  }
0xbf: {  	_ =	sfence.sel $0xFFFF  }
0xc0: {  	[dreg:$0x0] =	wrdreg $0xFFFFFFFF;
	(pc) =	sbr.abs _section_cstart, $3  }
0xc1: {  	[dreg:$0x1] =	wrdreg $0xFFFFFFFF  }
0xc2: {  	_ =	task.clear_ibuf [dreg:s7], $0x2FFFF;
	_ =	strace $0x9FFFFFFF  }
0xc3: {  	(tm) =	ssettm $0x7FFFFFFF  }
tec
execute0_lowered:
.L_overlay_start_1:
0x0: {  	(tag) =	ssettag $0x1  }
0x1: {  	s0 =	rddreg [dreg:$0x0]  }
0x2: {  	s3 =	rddreg [dreg:$0x1]  }
0x3: {  	s1 =	rddreg [dreg:$0x2];
	s9 =	stileid.u32  }
0x4: {  	s2 =	simm.s32 $0x0;
	s4 =	srdreg.scid;
	s22 =	smul.u32 $0x2A00, s9  }
0x5: {  	[smem:$0x7FF] =	sst s2;
	s4 =	sand.u32 $0x1, s4;
	s8 =	smul.u32 $0x14000, s9  }
0x6: {  	s6 =	sadd.s32 $0xB200, s3;
	s9 =	smul.u32 $0x500, s9;
	_ =	strace $0x80000047  }
0x7: {  	s5 =	smul.u32 $0x28000, s4;
	[dreg:$0x4] =	wrdreg s6;
	s26 =	ssub.s32 $0x2, s4  }
0x8: {  	s30 =	smul.u32 $0x13880, s4;
	p0 =	sne.s32 s4, $0x0;
	s4 =	simm.s32 $0x192A0  }
0x9: {  	s7 =	sshrl.u32 s26, $0x1;
	s10 =	sshrl.u32 s22, $0x3;
	s11 =	sor.u32 $0x3000, s8  }
0xa: {  	s12 =	sadd.s32 $0x6000, s8;
	s13 =	sadd.s32 $0x9000, s8;
	s14 =	sadd.s32 $0xC000, s8  }
0xb: {  	s16 =	sadd.s32 $0xF000, s8;
	s17 =	sadd.s32 $0x12000, s8;
	s31 =	sshrl.u32 s8, $0x3  }
0xc: {  	s9 =	sadd.s32 s9, s3;
	[dreg:$0x5] =	wrdreg s22;
	s5 =	sadd.s32 s5, s3  }
0xd: {  	s7 =	ssub.s32 s26, s7;
	s6 =	sadd.s32 s0, s30;
	s15 =	sshrl.u32 s11, $0x3  }
0xe: {  	s18 =	sshrl.u32 s12, $0x3;
	s19 =	sshrl.u32 s13, $0x3;
	s28 =	sadd.s32 s11, s1  }
0xf: {  	s29 =	sadd.s32 s12, s1;
	s0 =	sadd.s32 $0x10800, s5;
	[dreg:$0x11] =	wrdreg s28  }
0x10: {  	s20 =	sshrl.u32 s14, $0x3;
	[dreg:$0x12] =	wrdreg s29;
	s5 =	sadd.s32 s31, s0  }
0x11: {  	s21 =	sshrl.u32 s16, $0x3;
	s24 =	sadd.s32 s15, s0;
	[dreg:$0x6] =	wrdreg s5  }
0x12: {  	s23 =	sshrl.u32 s17, $0x3;
	s25 =	sadd.s32 s18, s0;
	[dreg:$0x7] =	wrdreg s24  }
0x13: {  	s11 =	simm.s32 $0x1;
	s26 =	sadd.s32 s19, s0;
	[dreg:$0x8] =	wrdreg s25  }
0x14: {  	s12 =	simm.s32 $0x16A10;
	s30 =	sadd.s32 s20, s0;
	[dreg:$0x9] =	wrdreg s26  }
0x15: {  	s31 =	sadd.s32 s21, s0;
	s0 =	sadd.s32 s23, s0;
	[dreg:$0xa] =	wrdreg s30  }
0x16: {  	s15 =	sadd.s32 s3, s10;
	s18 =	sadd.s32 s13, s1;
	[dreg:$0xb] =	wrdreg s31  }
0x17: {  	s19 =	sadd.s32 s14, s1;
	s20 =	sadd.s32 s16, s1;
	[dreg:$0xc] =	wrdreg s0  }
0x18: {  	s21 =	sadd.s32 s17, s1;
	s23 =	smax.u32 s7, $0x1;
	[dreg:$0x13] =	wrdreg s18  }
0x19: {  	s10 =	simm.s32 $0x19B90;
	s13 =	simm.s32 $0x60;
	[dreg:$0x14] =	wrdreg s19  }
0x1a: {  	s14 =	simm.s32 $0x16A70;
	s16 =	simm.s32 $0x18390;
	[dreg:$0x15] =	wrdreg s20  }
0x1b: {  	s17 =	simm.s32 $0x16AD0;
	s5 =	sadd.s32 $0xAC00, s3;
	[dreg:$0x16] =	wrdreg s21  }
0x1c: {  	s3 =	sadd.s32 $0xA800, s3;
	s0 =	sadd.s32 $0xB800, s9;
	[dreg:$0x17] =	wrdreg s23  }
0x1d: {  	s24 =	sadd.s32 s8, s1;
	s26 =	sadd.s32 $0x5400, s15;
	[dreg:$0xd] =	wrdreg s5  }
0x1e: {  	s25 =	sadd.s32 $0xA80, s22;
	s30 =	sadd.s32 $0x1500, s22;
	[dreg:$0xe] =	wrdreg s3  }
0x1f: {  	s31 =	sadd.s32 $0x1F80, s22;
	s22 =	simm.s32 $0x6;
	[dreg:$0xf] =	wrdreg s0  }
0x20: {  	s9 =	simm.s32 $0x1B9B0;
	s18 =	simm.s32 $0x2;
	[dreg:$0x18] =	wrdreg s25  }
0x21: {  	s19 =	simm.s32 $0x16B30;
	s20 =	simm.s32 $0x1CB90;
	[dreg:$0x19] =	wrdreg s30  }
0x22: {  	s8 =	simm.s32 $0x0;
	[dreg:$0x1a] =	wrdreg s31;
	s0 =	simm.s32 $0x5  }
0x23: {  	v0 =	vimm.f32 $0.0e+00;
	v1 =	vimm.f32 $1.000000000e+00;
	s3 =	simm.s32 $0x16B90;
	s25 =	simm.s32 $0x14000;
	[dreg:$0x10] =	wrdreg s24  }
.LBB2_1:
0x24: {  	s5 =	rddreg [dreg:$0xe];
	s7 =	simm.s32 $0x16A00  }
0x25: {  	[tilespmem:s7], [sflag:$0x5] =	stream.linear.gather [hbm4b:s5+s2], $0x10, $0x38;
	[tilespmem:$0x1FB90] =	vst v63  }
0x26: {  	_ =	swait.ge [sflag:s0], $0x10  }
0x27: {  	[sflag:s0] =	ssyncset.done $0x0  }
0x28: {  	s30 =	rddreg [dreg:$0x4];
	[sflag:s0] =	ssyncadd.s32 $0xFFFFFFF0  }
0x29: {  	[tilespmem:s3], [sflag:$0x6] =	stream.linear.gather [hbm4b:s30+s2], $0x2710, $0x38;
	[tilespmem:$0x1FB90] =	vst v63  }
0x2a: {  	_ =	swait.ge [sflag:s22], $0x2710  }
0x2b: {  	[sflag:s22] =	ssyncset.done $0x0  }
0x2c: {  	s31 =	rddreg [dreg:$0xd];
	[sflag:s22] =	ssyncadd.s32 $0xFFFFD8F0  }
0x2d: {  	[tilespmem:s4], [sflag:$0x6] =	stream.linear.gather [hbm4b:s31+s2], $0x2710, $0x38;
	[tilespmem:$0x1FB90] =	vst v63  }
0x2e: {  	_ =	swait.ge [sflag:s22], $0x2710  }
0x2f: {  	[sflag:s22] =	ssyncset.done $0x0  }
0x30: {  	s5 =	simm.s32 $0x1B9F0;
	[sflag:s22] =	ssyncadd.s32 $0xFFFFD8F0  }
0x31: {  	[tilespmem:s5+$0xFFFFFFC0] =	vst v0  }
0x32: {  	[tilespmem:s5+$0x30] =	vst v0  }
0x33: {  	[tilespmem:s5+$0x20] =	vst v0  }
0x34: {  	[tilespmem:s5+$0x10] =	vst v0  }
0x35: {  	[tilespmem:s5+$0x0] =	vst v0  }
0x36: {  	[tilespmem:s5+$0xFFFFFFF0] =	vst v0  }
0x37: {  	s7 =	simm.s32 $0x0;
	[tilespmem:s5+$0xFFFFFFE0] =	vst v0  }
.LBB2_2:
0x38: {  	s7 =	sadd.s32 $0x8, s7;
	[tilespmem:s5+$0xFFFFFFD0] =	vst v0;
	s5 =	sadd.s32 $0x80, s5  }
0x39: {  	[tilespmem:s5+$0xFFFFFFC0] =	vst v0;
	p1 =	slt.u32 s7, $0x268  }
0x3a: {  	[tilespmem:s5+$0x30] =	vst v0  }
.Ltmp0:
0x3b: {  	[tilespmem:s5+$0x20] =	vst v0;
	(pc) =	sbr.rel @p1 .LBB2_2-.Ltmp0, $4  }
0x3c: {  	[tilespmem:s5+$0x10] =	vst v0  }
0x3d: {  	[tilespmem:s5+$0x0] =	vst v0  }
0x3e: {  	[tilespmem:s5+$0xFFFFFFF0] =	vst v0  }
0x3f: {  	[tilespmem:s5+$0xFFFFFFE0] =	vst v0  }
0x40: {  	[dreg:$0x1b] =	wrdreg s8  }
0x41: {  	[tilespmem:s5+$0xFFFFFFD0] =	vst v0  }
0x42: {  	s5 =	simm.s32 $0x1E0E0;
	[tilespmem:$0x1E0B0] =	vst v0  }
0x43: {  	[tilespmem:s5+$0xFFFFFFE0] =	vst v1  }
0x44: {  	s7 =	simm.s32 $0x0;
	[tilespmem:s5+$0x0] =	vst v1  }
.LBB2_4:
0x45: {  	s7 =	sadd.s32 $0x3, s7  }
0x46: {  	[tilespmem:s5+$0xFFFFFFF0] =	vst v1;
	s5 =	sadd.s32 $0x30, s5;
	p1 =	slt.u32 s7, $0xC  }
.Ltmp1:
0x47: {  	[tilespmem:s5+$0xFFFFFFE0] =	vst v1;
	(pc) =	sbr.rel @p1 .LBB2_4-.Ltmp1, $2  }
0x48: {  	_ =	sdelay $0x2  }
0x49: {  	[tilespmem:s5+$0x0] =	vst v1  }
0x4a: {  	[tilespmem:s5+$0xFFFFFFF0] =	vst v1;
	s23 =	simm.s32 $0x0;
	s7 =	simm.s32 $0x1E1B0  }
0x4b: {  	[tilespmem:s7], [sflag:$0x6] =	stream.linear.gather [hbm4b:s26+s23], $0xA80, $0x38;
	[tilespmem:$0x1FB90] =	vst v63  }
0x4c: {  	_ =	swait.ge [sflag:s22], $0xA80  }
0x4d: {  	[sflag:s22] =	ssyncset.done $0x0  }
0x4e: {  	s30 =	simm.s32 $0x1EC30;
	[sflag:s22] =	ssyncadd.s32 $0xFFFFF580  }
0x4f: {  	[tilespmem:s30], [sflag:$0x6] =	stream.linear.gather [hbm4b:s15+s23], $0xA80, $0x38;
	[tilespmem:$0x1FB90] =	vst v63  }
0x50: {  	_ =	swait.ge [sflag:s22], $0xA80  }
0x51: {  	[sflag:s22] =	ssyncset.done $0x0  }
0x52: {  	s31 =	simm.s32 $0x0;
	[sflag:s22] =	ssyncadd.s32 $0xFFFFF580  }
0x53: {  	v3 =	vld [tilespmem:s31+$0x1EC30]  }
0x54: {  	v2 =	vld [tilespmem:s31+$0x1E1B0];
	_ =	sdelay $0x6  }
0x55: {  	v4 =	vld.idx.msk [tilespmem:v3+s4+$0x0], $0xffff  }
0x56: {  	v2 =	vld.idx.msk [tilespmem:v2+s3+$0x0], $0xffff;
	_ =	sdelay $0x4  }
0x57: {  	v2 =	vadd.f32 v4, v2;
	v4 =	vld [tilespmem:$0x16A00];
	_ =	sdelay $0x1  }
0x58: {  	v5 =	vmul.f32 $2.000000030e-01, v2  }
0x59: {  	vm0 =	vge.f32 v2, $0.0e+00  }
0x5a: {  	v2 =	vsel vm0, v2, v5  }
0x5b: {  	v2 =	vsub.f32 v2, v4;
	_ =	sdelay $0x1  }
0x5c: {  	v2 =	vmul.f32 $1.442695020e+00, v2;
	_ =	sdelay $0x1  }
0x5d: {  	(erf) = vpow2.f32 v2;
	_ =	sdelay $0x2  }
0x5e: {  	s5 =	simm.s32 $0x10  }
0x5f: {  	v2 =	vld [tilespmem:s5+$0x1EC30]  }
0x60: {  	v4 =	vld [tilespmem:s5+$0x1E1B0];
	_ =	sdelay $0x2  }
0x61: {  	s21 =	rddreg [dreg:$0x5]  }
0x62: {  	p1 =	slt.u32 s21, $0x29810;
	v5 =	vpop (erf)  }
0x63: {  	v5 =	vpsel !p1, $0x0, v5  }
0x64: {  	[tilespmem:s31+$0x14000] =	vst v5  }
0x65: {  	v6 =	vld.idx.msk [tilespmem:v2+s4+$0x0], $0xffff  }
0x66: {  	v4 =	vld.idx.msk [tilespmem:v4+s3+$0x0], $0xffff;
	_ =	sdelay $0x3  }
0x67: {  	[tilespmem:v3+s9+$0x0] =	vst.idx.add.f32.msk $0xffff, v5  }
0x68: {  	v3 =	vadd.f32 v6, v4;
	v4 =	vld [tilespmem:$0x16A00];
	_ =	sdelay $0x1  }
0x69: {  	v5 =	vmul.f32 $2.000000030e-01, v3  }
0x6a: {  	vm15 =	vge.f32 v3, $0.0e+00  }
0x6b: {  	v3 =	vsel vm15, v3, v5  }
0x6c: {  	v3 =	vsub.f32 v3, v4;
	_ =	sdelay $0x1  }
0x6d: {  	v3 =	vmul.f32 $1.442695020e+00, v3;
	_ =	sdelay $0x1  }
0x6e: {  	(erf) = vpow2.f32 v3;
	_ =	sdelay $0x2  }
0x6f: {  	s23 =	simm.s32 $0x20  }
0x70: {  	s8 =	simm.s32 $0xC0;
	s7 =	smov.u32 s21;
	v3 =	vld [tilespmem:s23+$0x1EC30]  }
.LBB2_6:
0x71: {  	p1 =	sne.s32 s8, $0x29C0;
	v4 =	vld [tilespmem:s23+$0x1E1B0];
	_ =	sdelay $0x2  }
0x72: {  	s7 =	sadd.s32 $0x10, s7  }
0x73: {  	p2 =	slt.u32 s7, $0x29810;
	v5 =	vpop (erf)  }
0x74: {  	v5 =	vpsel !p2, $0x0, v5  }
0x75: {  	[tilespmem:s5+$0x14000] =	vst v5;
	s5 =	smov.u32 s23  }
0x76: {  	v6 =	vld.idx.msk [tilespmem:v3+s4+$0x0], $0xffff  }
0x77: {  	v4 =	vld.idx.msk [tilespmem:v4+s3+$0x0], $0xffff  }
0x78: {  	[tilespmem:v2+s9+$0x0] =	vst.idx.add.f32.msk $0xffff, v5;
	v2 =	vmov v3;
	_ =	sdelay $0x4  }
0x79: {  	v3 =	vadd.f32 v6, v4;
	v4 =	vld [tilespmem:$0x16A00];
	_ =	sdelay $0x1  }
0x7a: {  	v5 =	vmul.f32 $2.000000030e-01, v3  }
0x7b: {  	vm0 =	vge.f32 v3, $0.0e+00  }
0x7c: {  	v3 =	vsel vm0, v3, v5  }
0x7d: {  	v3 =	vsub.f32 v3, v4;
	_ =	sdelay $0x1  }
0x7e: {  	v3 =	vmul.f32 $1.442695020e+00, v3;
	_ =	sdelay $0x1  }
.Ltmp2:
0x7f: {  	(erf) = vpow2.f32 v3;
	(pc) =	sbr.rel @p1 .LBB2_6-.Ltmp2, $3  }
0x80: {  	_ =	sdelay $0x1  }
0x81: {  	s23 =	sshra.s32 s8, $0x2  }
0x82: {  	s8 =	sadd.s32 $0x40, s8;
	v3 =	vld [tilespmem:s23+$0x1EC30]  }
0x83: {  	_ = 	snop  }
0x84: {  	v4 =	vld [tilespmem:s23+$0x1E1B0];
	_ =	sdelay $0x2  }
0x85: {  	s7 =	sadd.s32 $0x10, s7  }
0x86: {  	p1 =	slt.u32 s7, $0x29810;
	v5 =	vpop (erf)  }
0x87: {  	v5 =	vpsel !p1, $0x0, v5  }
0x88: {  	[tilespmem:s5+$0x14000] =	vst v5  }
0x89: {  	v6 =	vld.idx.msk [tilespmem:v3+s4+$0x0], $0xffff  }
0x8a: {  	v4 =	vld.idx.msk [tilespmem:v4+s3+$0x0], $0xffff;
	_ =	sdelay $0x3  }
0x8b: {  	[tilespmem:v2+s9+$0x0] =	vst.idx.add.f32.msk $0xffff, v5  }
0x8c: {  	v2 =	vadd.f32 v6, v4;
	v4 =	vld [tilespmem:$0x16A00];
	_ =	sdelay $0x1  }
0x8d: {  	v5 =	vmul.f32 $2.000000030e-01, v2  }
0x8e: {  	vm0 =	vge.f32 v2, $0.0e+00  }
0x8f: {  	v2 =	vsel vm0, v2, v5  }
0x90: {  	v2 =	vsub.f32 v2, v4;
	_ =	sdelay $0x1  }
0x91: {  	v2 =	vmul.f32 $1.442695020e+00, v2;
	_ =	sdelay $0x1  }
0x92: {  	(erf) = vpow2.f32 v2;
	_ =	sdelay $0x7  }
0x93: {  	s31 =	sadd.s32 $0x10, s7  }
0x94: {  	p5 =	slt.u32 s31, $0x29810;
	v2 =	vpop (erf)  }
0x95: {  	v2 =	vpsel !p5, $0x0, v2  }
0x96: {  	[tilespmem:s23+$0x14000] =	vst v2  }
0x97: {  	s21 =	simm.s32 $0x0;
	s8 =	simm.s32 $0x1E1B0;
	s7 =	sadd.s32 $0x150, s26;
	[tilespmem:v3+s9+$0x0] =	vst.idx.add.f32.msk $0xffff, v2  }
0x98: {  	[tilespmem:s8], [sflag:$0x6] =	stream.linear.gather [hbm4b:s7+s21], $0xA80, $0x38;
	[tilespmem:$0x1FB90] =	vst v63  }
0x99: {  	_ =	swait.ge [sflag:s22], $0xA80  }
0x9a: {  	[sflag:s22] =	ssyncset.done $0x0  }
0x9b: {  	s30 =	simm.s32 $0x1EC30;
	s23 =	sadd.s32 $0x150, s15;
	[sflag:s22] =	ssyncadd.s32 $0xFFFFF580  }
0x9c: {  	[tilespmem:s30], [sflag:$0x6] =	stream.linear.gather [hbm4b:s23+s21], $0xA80, $0x38;
	[tilespmem:$0x1FB90] =	vst v63  }
0x9d: {  	_ =	swait.ge [sflag:s22], $0xA80  }
0x9e: {  	[sflag:s22] =	ssyncset.done $0x0  }
0x9f: {  	s31 =	simm.s32 $0x0;
	[sflag:s22] =	ssyncadd.s32 $0xFFFFF580  }
0xa0: {  	v3 =	vld [tilespmem:s31+$0x1EC30]  }
0xa1: {  	v2 =	vld [tilespmem:s31+$0x1E1B0];
	_ =	sdelay $0x6  }
0xa2: {  	v4 =	vld.idx.msk [tilespmem:v3+s4+$0x0], $0xffff  }
0xa3: {  	v2 =	vld.idx.msk [tilespmem:v2+s3+$0x0], $0xffff;
	_ =	sdelay $0x4  }
0xa4: {  	v2 =	vadd.f32 v4, v2;
	v4 =	vld [tilespmem:$0x16A00];
	_ =	sdelay $0x1  }
0xa5: {  	v5 =	vmul.f32 $2.000000030e-01, v2  }
0xa6: {  	vm14 =	vge.f32 v2, $0.0e+00  }
0xa7: {  	v2 =	vsel vm14, v2, v5  }
0xa8: {  	v2 =	vsub.f32 v2, v4;
	_ =	sdelay $0x1  }
0xa9: {  	v2 =	vmul.f32 $1.442695020e+00, v2;
	_ =	sdelay $0x1  }
0xaa: {  	(erf) = vpow2.f32 v2;
	_ =	sdelay $0x2  }
0xab: {  	s5 =	simm.s32 $0x10  }
0xac: {  	v2 =	vld [tilespmem:s5+$0x1EC30]  }
0xad: {  	v4 =	vld [tilespmem:s5+$0x1E1B0];
	_ =	sdelay $0x2  }
0xae: {  	s21 =	rddreg [dreg:$0x18]  }
0xaf: {  	p6 =	slt.u32 s21, $0x29810;
	v5 =	vpop (erf)  }
0xb0: {  	v5 =	vpsel !p6, $0x0, v5  }
0xb1: {  	[tilespmem:s31+$0x14A80] =	vst v5  }
0xb2: {  	v63 =	vld.idx.msk [tilespmem:v2+s4+$0x0], $0xffff  }
0xb3: {  	v4 =	vld.idx.msk [tilespmem:v4+s3+$0x0], $0xffff;
	_ =	sdelay $0x3  }
0xb4: {  	[tilespmem:v3+s9+$0x0] =	vst.idx.add.f32.msk $0xffff, v5  }
0xb5: {  	v3 =	vadd.f32 v63, v4;
	v4 =	vld [tilespmem:$0x16A00];
	_ =	sdelay $0x1  }
0xb6: {  	v5 =	vmul.f32 $2.000000030e-01, v3  }
0xb7: {  	vm15 =	vge.f32 v3, $0.0e+00  }
0xb8: {  	v3 =	vsel vm15, v3, v5  }
0xb9: {  	v3 =	vsub.f32 v3, v4;
	_ =	sdelay $0x1  }
0xba: {  	v3 =	vmul.f32 $1.442695020e+00, v3;
	_ =	sdelay $0x1  }
0xbb: {  	(erf) = vpow2.f32 v3;
	_ =	sdelay $0x2  }
0xbc: {  	s23 =	simm.s32 $0x20  }
0xbd: {  	s8 =	simm.s32 $0xC0;
	s7 =	smov.u32 s21;
	v3 =	vld [tilespmem:s23+$0x1EC30]  }
.LBB2_8:
0xbe: {  	p1 =	sne.s32 s8, $0x29C0;
	v4 =	vld [tilespmem:s23+$0x1E1B0];
	_ =	sdelay $0x2  }
0xbf: {  	s7 =	sadd.s32 $0x10, s7  }
0xc0: {  	p2 =	slt.u32 s7, $0x29810;
	v5 =	vpop (erf)  }
0xc1: {  	v5 =	vpsel !p2, $0x0, v5  }
0xc2: {  	[tilespmem:s5+$0x14A80] =	vst v5;
	s5 =	smov.u32 s23  }
0xc3: {  	v6 =	vld.idx.msk [tilespmem:v3+s4+$0x0], $0xffff  }
0xc4: {  	v4 =	vld.idx.msk [tilespmem:v4+s3+$0x0], $0xffff  }
0xc5: {  	[tilespmem:v2+s9+$0x0] =	vst.idx.add.f32.msk $0xffff, v5;
	v2 =	vmov v3;
	_ =	sdelay $0x4  }
0xc6: {  	v3 =	vadd.f32 v6, v4;
	v4 =	vld [tilespmem:$0x16A00];
	_ =	sdelay $0x1  }
0xc7: {  	v5 =	vmul.f32 $2.000000030e-01, v3  }
0xc8: {  	vm0 =	vge.f32 v3, $0.0e+00  }
0xc9: {  	v3 =	vsel vm0, v3, v5  }
0xca: {  	v3 =	vsub.f32 v3, v4;
	_ =	sdelay $0x1  }
0xcb: {  	v3 =	vmul.f32 $1.442695020e+00, v3;
	_ =	sdelay $0x1  }
.Ltmp3:
0xcc: {  	(erf) = vpow2.f32 v3;
	(pc) =	sbr.rel @p1 .LBB2_8-.Ltmp3, $3  }
0xcd: {  	_ =	sdelay $0x1  }
0xce: {  	s23 =	sshra.s32 s8, $0x2  }
0xcf: {  	s8 =	sadd.s32 $0x40, s8;
	v3 =	vld [tilespmem:s23+$0x1EC30]  }
0xd0: {  	_ = 	snop  }
0xd1: {  	v4 =	vld [tilespmem:s23+$0x1E1B0];
	_ =	sdelay $0x2  }
0xd2: {  	s7 =	sadd.s32 $0x10, s7  }
0xd3: {  	p1 =	slt.u32 s7, $0x29810;
	v5 =	vpop (erf)  }
0xd4: {  	v5 =	vpsel !p1, $0x0, v5  }
0xd5: {  	[tilespmem:s5+$0x14A80] =	vst v5  }
0xd6: {  	v6 =	vld.idx.msk [tilespmem:v3+s4+$0x0], $0xffff  }
0xd7: {  	v4 =	vld.idx.msk [tilespmem:v4+s3+$0x0], $0xffff;
	_ =	sdelay $0x3  }
0xd8: {  	[tilespmem:v2+s9+$0x0] =	vst.idx.add.f32.msk $0xffff, v5  }
0xd9: {  	v2 =	vadd.f32 v6, v4;
	v4 =	vld [tilespmem:$0x16A00];
	_ =	sdelay $0x1  }
0xda: {  	v5 =	vmul.f32 $2.000000030e-01, v2  }
0xdb: {  	vm0 =	vge.f32 v2, $0.0e+00  }
0xdc: {  	v2 =	vsel vm0, v2, v5  }
0xdd: {  	v2 =	vsub.f32 v2, v4;
	_ =	sdelay $0x1  }
0xde: {  	v2 =	vmul.f32 $1.442695020e+00, v2;
	_ =	sdelay $0x1  }
0xdf: {  	(erf) = vpow2.f32 v2;
	_ =	sdelay $0x7  }
0xe0: {  	s31 =	sadd.s32 $0x10, s7  }
0xe1: {  	p5 =	slt.u32 s31, $0x29810;
	v2 =	vpop (erf)  }
0xe2: {  	v2 =	vpsel !p5, $0x0, v2  }
0xe3: {  	[tilespmem:s23+$0x14A80] =	vst v2  }
0xe4: {  	s21 =	simm.s32 $0x0;
	s8 =	simm.s32 $0x1E1B0;
	s7 =	sadd.s32 $0x2A0, s26;
	[tilespmem:v3+s9+$0x0] =	vst.idx.add.f32.msk $0xffff, v2  }
0xe5: {  	[tilespmem:s8], [sflag:$0x6] =	stream.linear.gather [hbm4b:s7+s21], $0xA80, $0x38;
	[tilespmem:$0x1FB90] =	vst v63  }
0xe6: {  	_ =	swait.ge [sflag:s22], $0xA80  }
0xe7: {  	[sflag:s22] =	ssyncset.done $0x0  }
0xe8: {  	s30 =	simm.s32 $0x1EC30;
	s23 =	sadd.s32 $0x2A0, s15;
	[sflag:s22] =	ssyncadd.s32 $0xFFFFF580  }
0xe9: {  	[tilespmem:s30], [sflag:$0x6] =	stream.linear.gather [hbm4b:s23+s21], $0xA80, $0x38;
	[tilespmem:$0x1FB90] =	vst v63  }
0xea: {  	_ =	swait.ge [sflag:s22], $0xA80  }
0xeb: {  	[sflag:s22] =	ssyncset.done $0x0  }
0xec: {  	s31 =	simm.s32 $0x0;
	[sflag:s22] =	ssyncadd.s32 $0xFFFFF580  }
0xed: {  	v3 =	vld [tilespmem:s31+$0x1EC30]  }
0xee: {  	v2 =	vld [tilespmem:s31+$0x1E1B0];
	_ =	sdelay $0x6  }
0xef: {  	v4 =	vld.idx.msk [tilespmem:v3+s4+$0x0], $0xffff  }
0xf0: {  	v2 =	vld.idx.msk [tilespmem:v2+s3+$0x0], $0xffff;
	_ =	sdelay $0x4  }
0xf1: {  	v2 =	vadd.f32 v4, v2;
	v4 =	vld [tilespmem:$0x16A00];
	_ =	sdelay $0x1  }
0xf2: {  	v5 =	vmul.f32 $2.000000030e-01, v2  }
0xf3: {  	vm14 =	vge.f32 v2, $0.0e+00  }
0xf4: {  	v2 =	vsel vm14, v2, v5  }
0xf5: {  	v2 =	vsub.f32 v2, v4;
	_ =	sdelay $0x1  }
0xf6: {  	v2 =	vmul.f32 $1.442695020e+00, v2;
	_ =	sdelay $0x1  }
0xf7: {  	(erf) = vpow2.f32 v2;
	_ =	sdelay $0x2  }
0xf8: {  	s5 =	simm.s32 $0x10  }
0xf9: {  	v2 =	vld [tilespmem:s5+$0x1EC30]  }
0xfa: {  	v4 =	vld [tilespmem:s5+$0x1E1B0];
	_ =	sdelay $0x2  }
0xfb: {  	s21 =	rddreg [dreg:$0x19]  }
0xfc: {  	p6 =	slt.u32 s21, $0x29810;
	v5 =	vpop (erf)  }
0xfd: {  	v5 =	vpsel !p6, $0x0, v5  }
0xfe: {  	[tilespmem:s31+$0x15500] =	vst v5  }
0xff: {  	v63 =	vld.idx.msk [tilespmem:v2+s4+$0x0], $0xffff  }
0x100: {  	v4 =	vld.idx.msk [tilespmem:v4+s3+$0x0], $0xffff;
	_ =	sdelay $0x3  }
0x101: {  	[tilespmem:v3+s9+$0x0] =	vst.idx.add.f32.msk $0xffff, v5  }
0x102: {  	v3 =	vadd.f32 v63, v4;
	v4 =	vld [tilespmem:$0x16A00];
	_ =	sdelay $0x1  }
0x103: {  	v5 =	vmul.f32 $2.000000030e-01, v3  }
0x104: {  	vm15 =	vge.f32 v3, $0.0e+00  }
0x105: {  	v3 =	vsel vm15, v3, v5  }
0x106: {  	v3 =	vsub.f32 v3, v4;
	_ =	sdelay $0x1  }
0x107: {  	v3 =	vmul.f32 $1.442695020e+00, v3;
	_ =	sdelay $0x1  }
0x108: {  	(erf) = vpow2.f32 v3;
	_ =	sdelay $0x2  }
0x109: {  	s23 =	simm.s32 $0x20  }
0x10a: {  	s8 =	simm.s32 $0xC0;
	s7 =	smov.u32 s21;
	v3 =	vld [tilespmem:s23+$0x1EC30]  }
.LBB2_10:
0x10b: {  	p1 =	sne.s32 s8, $0x29C0;
	v4 =	vld [tilespmem:s23+$0x1E1B0];
	_ =	sdelay $0x2  }
0x10c: {  	s7 =	sadd.s32 $0x10, s7  }
0x10d: {  	p2 =	slt.u32 s7, $0x29810;
	v5 =	vpop (erf)  }
0x10e: {  	v5 =	vpsel !p2, $0x0, v5  }
0x10f: {  	[tilespmem:s5+$0x15500] =	vst v5;
	s5 =	smov.u32 s23  }
0x110: {  	v6 =	vld.idx.msk [tilespmem:v3+s4+$0x0], $0xffff  }
0x111: {  	v4 =	vld.idx.msk [tilespmem:v4+s3+$0x0], $0xffff  }
0x112: {  	[tilespmem:v2+s9+$0x0] =	vst.idx.add.f32.msk $0xffff, v5;
	v2 =	vmov v3;
	_ =	sdelay $0x4  }
0x113: {  	v3 =	vadd.f32 v6, v4;
	v4 =	vld [tilespmem:$0x16A00];
	_ =	sdelay $0x1  }
0x114: {  	v5 =	vmul.f32 $2.000000030e-01, v3  }
0x115: {  	vm0 =	vge.f32 v3, $0.0e+00  }
0x116: {  	v3 =	vsel vm0, v3, v5  }
0x117: {  	v3 =	vsub.f32 v3, v4;
	_ =	sdelay $0x1  }
0x118: {  	v3 =	vmul.f32 $1.442695020e+00, v3;
	_ =	sdelay $0x1  }
.Ltmp4:
0x119: {  	(erf) = vpow2.f32 v3;
	(pc) =	sbr.rel @p1 .LBB2_10-.Ltmp4, $3  }
0x11a: {  	_ =	sdelay $0x1  }
0x11b: {  	s23 =	sshra.s32 s8, $0x2  }
0x11c: {  	s8 =	sadd.s32 $0x40, s8;
	v3 =	vld [tilespmem:s23+$0x1EC30]  }
0x11d: {  	_ = 	snop  }
0x11e: {  	v4 =	vld [tilespmem:s23+$0x1E1B0];
	_ =	sdelay $0x2  }
0x11f: {  	s7 =	sadd.s32 $0x10, s7  }
0x120: {  	p1 =	slt.u32 s7, $0x29810;
	v5 =	vpop (erf)  }
0x121: {  	v5 =	vpsel !p1, $0x0, v5  }
0x122: {  	[tilespmem:s5+$0x15500] =	vst v5  }
0x123: {  	v6 =	vld.idx.msk [tilespmem:v3+s4+$0x0], $0xffff  }
0x124: {  	v4 =	vld.idx.msk [tilespmem:v4+s3+$0x0], $0xffff;
	_ =	sdelay $0x3  }
0x125: {  	[tilespmem:v2+s9+$0x0] =	vst.idx.add.f32.msk $0xffff, v5  }
0x126: {  	v2 =	vadd.f32 v6, v4;
	v4 =	vld [tilespmem:$0x16A00];
	_ =	sdelay $0x1  }
0x127: {  	v5 =	vmul.f32 $2.000000030e-01, v2  }
0x128: {  	vm0 =	vge.f32 v2, $0.0e+00  }
0x129: {  	v2 =	vsel vm0, v2, v5  }
0x12a: {  	v2 =	vsub.f32 v2, v4;
	_ =	sdelay $0x1  }
0x12b: {  	v2 =	vmul.f32 $1.442695020e+00, v2;
	_ =	sdelay $0x1  }
0x12c: {  	(erf) = vpow2.f32 v2;
	_ =	sdelay $0x7  }
0x12d: {  	s31 =	sadd.s32 $0x10, s7  }
0x12e: {  	p5 =	slt.u32 s31, $0x29810;
	v2 =	vpop (erf)  }
0x12f: {  	v2 =	vpsel !p5, $0x0, v2  }
0x130: {  	[tilespmem:s23+$0x15500] =	vst v2  }
0x131: {  	s21 =	simm.s32 $0x0;
	s8 =	simm.s32 $0x1E1B0;
	s7 =	sadd.s32 $0x3F0, s26;
	[tilespmem:v3+s9+$0x0] =	vst.idx.add.f32.msk $0xffff, v2  }
0x132: {  	[tilespmem:s8], [sflag:$0x6] =	stream.linear.gather [hbm4b:s7+s21], $0xA80, $0x38;
	[tilespmem:$0x1FB90] =	vst v63  }
0x133: {  	_ =	swait.ge [sflag:s22], $0xA80  }
0x134: {  	[sflag:s22] =	ssyncset.done $0x0  }
0x135: {  	s30 =	simm.s32 $0x1EC30;
	s23 =	sadd.s32 $0x3F0, s15;
	[sflag:s22] =	ssyncadd.s32 $0xFFFFF580  }
0x136: {  	[tilespmem:s30], [sflag:$0x6] =	stream.linear.gather [hbm4b:s23+s21], $0xA80, $0x38;
	[tilespmem:$0x1FB90] =	vst v63  }
0x137: {  	_ =	swait.ge [sflag:s22], $0xA80  }
0x138: {  	[sflag:s22] =	ssyncset.done $0x0  }
0x139: {  	s31 =	simm.s32 $0x0;
	[sflag:s22] =	ssyncadd.s32 $0xFFFFF580  }
0x13a: {  	v3 =	vld [tilespmem:s31+$0x1EC30]  }
0x13b: {  	v2 =	vld [tilespmem:s31+$0x1E1B0];
	_ =	sdelay $0x6  }
0x13c: {  	v4 =	vld.idx.msk [tilespmem:v3+s4+$0x0], $0xffff  }
0x13d: {  	v2 =	vld.idx.msk [tilespmem:v2+s3+$0x0], $0xffff;
	_ =	sdelay $0x4  }
0x13e: {  	v2 =	vadd.f32 v4, v2;
	v4 =	vld [tilespmem:$0x16A00];
	_ =	sdelay $0x1  }
0x13f: {  	v5 =	vmul.f32 $2.000000030e-01, v2  }
0x140: {  	vm14 =	vge.f32 v2, $0.0e+00  }
0x141: {  	v2 =	vsel vm14, v2, v5  }
0x142: {  	v2 =	vsub.f32 v2, v4;
	_ =	sdelay $0x1  }
0x143: {  	v2 =	vmul.f32 $1.442695020e+00, v2;
	_ =	sdelay $0x1  }
0x144: {  	(erf) = vpow2.f32 v2;
	_ =	sdelay $0x2  }
0x145: {  	s5 =	simm.s32 $0x10  }
0x146: {  	v2 =	vld [tilespmem:s5+$0x1EC30]  }
0x147: {  	v4 =	vld [tilespmem:s5+$0x1E1B0];
	_ =	sdelay $0x2  }
0x148: {  	s21 =	rddreg [dreg:$0x1a]  }
0x149: {  	p6 =	slt.u32 s21, $0x29810;
	v5 =	vpop (erf)  }
0x14a: {  	v5 =	vpsel !p6, $0x0, v5  }
0x14b: {  	[tilespmem:s31+$0x15F80] =	vst v5  }
0x14c: {  	v63 =	vld.idx.msk [tilespmem:v2+s4+$0x0], $0xffff  }
0x14d: {  	v4 =	vld.idx.msk [tilespmem:v4+s3+$0x0], $0xffff;
	_ =	sdelay $0x3  }
0x14e: {  	[tilespmem:v3+s9+$0x0] =	vst.idx.add.f32.msk $0xffff, v5  }
0x14f: {  	v3 =	vadd.f32 v63, v4;
	v4 =	vld [tilespmem:$0x16A00];
	_ =	sdelay $0x1  }
0x150: {  	v5 =	vmul.f32 $2.000000030e-01, v3  }
0x151: {  	vm15 =	vge.f32 v3, $0.0e+00  }
0x152: {  	v3 =	vsel vm15, v3, v5  }
0x153: {  	v3 =	vsub.f32 v3, v4;
	_ =	sdelay $0x1  }
0x154: {  	v3 =	vmul.f32 $1.442695020e+00, v3;
	_ =	sdelay $0x1  }
0x155: {  	(erf) = vpow2.f32 v3;
	_ =	sdelay $0x2  }
0x156: {  	s23 =	simm.s32 $0x20  }
0x157: {  	s8 =	simm.s32 $0xC0;
	s7 =	smov.u32 s21;
	v3 =	vld [tilespmem:s23+$0x1EC30]  }
.LBB2_12:
0x158: {  	p1 =	sne.s32 s8, $0x29C0;
	v4 =	vld [tilespmem:s23+$0x1E1B0];
	_ =	sdelay $0x2  }
0x159: {  	s7 =	sadd.s32 $0x10, s7  }
0x15a: {  	p2 =	slt.u32 s7, $0x29810;
	v5 =	vpop (erf)  }
0x15b: {  	v5 =	vpsel !p2, $0x0, v5  }
0x15c: {  	[tilespmem:s5+$0x15F80] =	vst v5;
	s5 =	smov.u32 s23  }
0x15d: {  	v6 =	vld.idx.msk [tilespmem:v3+s4+$0x0], $0xffff  }
0x15e: {  	v4 =	vld.idx.msk [tilespmem:v4+s3+$0x0], $0xffff  }
0x15f: {  	[tilespmem:v2+s9+$0x0] =	vst.idx.add.f32.msk $0xffff, v5;
	v2 =	vmov v3;
	_ =	sdelay $0x4  }
0x160: {  	v3 =	vadd.f32 v6, v4;
	v4 =	vld [tilespmem:$0x16A00];
	_ =	sdelay $0x1  }
0x161: {  	v5 =	vmul.f32 $2.000000030e-01, v3  }
0x162: {  	vm0 =	vge.f32 v3, $0.0e+00  }
0x163: {  	v3 =	vsel vm0, v3, v5  }
0x164: {  	v3 =	vsub.f32 v3, v4;
	_ =	sdelay $0x1  }
0x165: {  	v3 =	vmul.f32 $1.442695020e+00, v3;
	_ =	sdelay $0x1  }
.Ltmp5:
0x166: {  	(erf) = vpow2.f32 v3;
	(pc) =	sbr.rel @p1 .LBB2_12-.Ltmp5, $3  }
0x167: {  	_ =	sdelay $0x1  }
0x168: {  	s23 =	sshra.s32 s8, $0x2  }
0x169: {  	s8 =	sadd.s32 $0x40, s8;
	v3 =	vld [tilespmem:s23+$0x1EC30]  }
0x16a: {  	_ = 	snop  }
0x16b: {  	v4 =	vld [tilespmem:s23+$0x1E1B0];
	_ =	sdelay $0x2  }
0x16c: {  	s7 =	sadd.s32 $0x10, s7  }
0x16d: {  	p1 =	slt.u32 s7, $0x29810;
	v5 =	vpop (erf)  }
0x16e: {  	v5 =	vpsel !p1, $0x0, v5  }
0x16f: {  	[tilespmem:s5+$0x15F80] =	vst v5  }
0x170: {  	v6 =	vld.idx.msk [tilespmem:v3+s4+$0x0], $0xffff  }
0x171: {  	v4 =	vld.idx.msk [tilespmem:v4+s3+$0x0], $0xffff;
	_ =	sdelay $0x3  }
0x172: {  	[tilespmem:v2+s9+$0x0] =	vst.idx.add.f32.msk $0xffff, v5  }
0x173: {  	v62 =	vld [tilespmem:$0x16A00];
	v2 =	vadd.f32 v6, v4;
	_ =	sdelay $0x1  }
0x174: {  	v63 =	vmul.f32 $2.000000030e-01, v2  }
0x175: {  	vm0 =	vge.f32 v2, $0.0e+00  }
0x176: {  	v2 =	vsel vm0, v2, v63  }
0x177: {  	v2 =	vsub.f32 v2, v62;
	_ =	sdelay $0x1  }
0x178: {  	v2 =	vmul.f32 $1.442695020e+00, v2;
	_ =	sdelay $0x1  }
0x179: {  	(erf) = vpow2.f32 v2;
	_ =	sdelay $0x7  }
0x17a: {  	s31 =	sadd.s32 $0x10, s7  }
0x17b: {  	p6 =	slt.u32 s31, $0x29810;
	v2 =	vpop (erf)  }
0x17c: {  	v2 =	vpsel !p6, $0x0, v2  }
0x17d: {  	[tilespmem:s23+$0x15F80] =	vst v2  }
0x17e: {  	s8 =	rddreg [dreg:$0xf];
	s7 =	simm.s32 @!p0 $0x1B9B0;
	s5 =	simm.s32 @!p0 $0x0;
	[tilespmem:v3+s9+$0x0] =	vst.idx.add.f32.msk $0xffff, v2  }
0x17f: {  	[hbm4b:s8+s5] =	stream.linear.scatter @!p0 [tilespmem:s7], [sflag:$0x5], $0x2800, $0x38;
	[tilespmem:$0x1FB90] =	vst v63  }
0x180: {  	s5 =	simm.s32 @!p0 $0x5  }
0x181: {  	_ =	swait.ge @!p0 [sflag:s5], $0x2800  }
0x182: {  	[sflag:s5] =	ssyncset.done @!p0 $0x0  }
0x183: {  	[sflag:s5] =	ssyncadd.s32 @!p0 $0xFFFFD800;
	s5 =	simm.s32 $0x19BD0  }
0x184: {  	[tilespmem:s5+$0xFFFFFFC0] =	vst v0  }
0x185: {  	[tilespmem:s5+$0x30] =	vst v0  }
0x186: {  	[tilespmem:s5+$0x20] =	vst v0  }
0x187: {  	[tilespmem:s5+$0x10] =	vst v0  }
0x188: {  	[tilespmem:s5+$0x0] =	vst v0  }
0x189: {  	[tilespmem:s5+$0xFFFFFFF0] =	vst v0  }
0x18a: {  	s7 =	simm.s32 $0x0;
	[tilespmem:s5+$0xFFFFFFE0] =	vst v0  }
.LBB2_14:
0x18b: {  	s7 =	sadd.s32 $0x8, s7;
	[tilespmem:s5+$0xFFFFFFD0] =	vst v0;
	s5 =	sadd.s32 $0x80, s5  }
0x18c: {  	[tilespmem:s5+$0xFFFFFFC0] =	vst v0;
	p1 =	slt.u32 s7, $0x2F8  }
0x18d: {  	[tilespmem:s5+$0x30] =	vst v0  }
.Ltmp6:
0x18e: {  	[tilespmem:s5+$0x20] =	vst v0;
	(pc) =	sbr.rel @p1 .LBB2_14-.Ltmp6, $4  }
0x18f: {  	[tilespmem:s5+$0x10] =	vst v0  }
0x190: {  	[tilespmem:s5+$0x0] =	vst v0  }
0x191: {  	[tilespmem:s5+$0xFFFFFFF0] =	vst v0  }
0x192: {  	[tilespmem:s5+$0xFFFFFFE0] =	vst v0  }
0x193: {  	[tilespmem:s5+$0xFFFFFFD0] =	vst v0  }
0x194: {  	[spmem:s24] =	stream.linear.scatter [tilespmem:s10], [sflag:$0x1], $0x3000, $0x38;
	[tilespmem:$0x1FB90] =	vst v63  }
0x195: {  	_ = 	snop  }
0x196: {  	[spmem:s28] =	stream.linear.scatter [tilespmem:s10], [sflag:$0x1], $0x3000, $0x38;
	[tilespmem:$0x1FB90] =	vst v63  }
0x197: {  	_ = 	snop  }
0x198: {  	[spmem:s29] =	stream.linear.scatter [tilespmem:s10], [sflag:$0x1], $0x3000, $0x38;
	[tilespmem:$0x1FB90] =	vst v63  }
0x199: {  	s5 =	rddreg [dreg:$0x13]  }
0x19a: {  	[spmem:s5] =	stream.linear.scatter [tilespmem:s10], [sflag:$0x1], $0x3000, $0x38;
	[tilespmem:$0x1FB90] =	vst v63  }
0x19b: {  	s29 =	rddreg [dreg:$0x14]  }
0x19c: {  	[spmem:s29] =	stream.linear.scatter [tilespmem:s10], [sflag:$0x1], $0x3000, $0x38;
	[tilespmem:$0x1FB90] =	vst v63  }
0x19d: {  	s30 =	rddreg [dreg:$0x15]  }
0x19e: {  	[spmem:s30] =	stream.linear.scatter [tilespmem:s10], [sflag:$0x1], $0x3000, $0x38;
	[tilespmem:$0x1FB90] =	vst v63  }
0x19f: {  	s31 =	rddreg [dreg:$0x16]  }
0x1a0: {  	[spmem:s31] =	stream.linear.scatter [tilespmem:s10], [sflag:$0x1], $0x2000, $0x38;
	[tilespmem:$0x1FB90] =	vst v63  }
0x1a1: {  	_ =	swait.ge [sflag:s11], $0x3000  }
0x1a2: {  	[sflag:s11] =	ssyncset.done $0x0  }
0x1a3: {  	[sflag:s11] =	ssyncadd.s32 $0xFFFFD000  }
0x1a4: {  	_ =	swait.ge [sflag:s11], $0x3000  }
0x1a5: {  	[sflag:s11] =	ssyncset.done $0x0  }
0x1a6: {  	[sflag:s11] =	ssyncadd.s32 $0xFFFFD000  }
0x1a7: {  	_ =	swait.ge [sflag:s11], $0x3000  }
0x1a8: {  	[sflag:s11] =	ssyncset.done $0x0  }
0x1a9: {  	[sflag:s11] =	ssyncadd.s32 $0xFFFFD000  }
0x1aa: {  	_ =	swait.ge [sflag:s11], $0x3000  }
0x1ab: {  	[sflag:s11] =	ssyncset.done $0x0  }
0x1ac: {  	[sflag:s11] =	ssyncadd.s32 $0xFFFFD000  }
0x1ad: {  	_ =	swait.ge [sflag:s11], $0x3000  }
0x1ae: {  	[sflag:s11] =	ssyncset.done $0x0  }
0x1af: {  	[sflag:s11] =	ssyncadd.s32 $0xFFFFD000  }
0x1b0: {  	_ =	swait.ge [sflag:s11], $0x3000  }
0x1b1: {  	[sflag:s11] =	ssyncset.done $0x0  }
0x1b2: {  	[sflag:s11] =	ssyncadd.s32 $0xFFFFD000  }
0x1b3: {  	_ =	swait.ge [sflag:s11], $0x2000  }
0x1b4: {  	[sflag:s11] =	ssyncset.done $0x0  }
0x1b5: {  	[sflag:s11] =	ssyncadd.s32 $0xFFFFE000  }
0x1b6: {  	s8 =	simm.s32 $0x0;
	[bflag:$0x0] =	sbarrier.arrive $0xFFFF  }
0x1b7: {  	[tilespmem:s12], [sflag:$0x5] =	stream.linear.gather [hbm4b:s26+s8], $0x60, $0x38;
	[tilespmem:$0x1FB90] =	vst v63  }
0x1b8: {  	_ =	swait.ge [sflag:s0], $0x60  }
0x1b9: {  	[sflag:s0] =	ssyncset.done $0x0  }
0x1ba: {  	s23 =	simm.s32 $0x0;
	[sflag:s0] =	ssyncadd.s32 $0xFFFFFFA0  }
0x1bb: {  	[tilespmem:s3], [sflag:$0x1] =	stream.indirect.gather [hbm4b:s6+s13], $0x40, s12, s13, $0xb8;
	[tilespmem:$0x1FB90] =	vst v63  }
.LBB2_16:
0x1bc: {  	p1 =	seq.s32 s23, $0x0;
	s5 =	smul.u32 $0xC0, s23  }
0x1bd: {  	s7 =	simm.s32 @!p1 $0x3  }
0x1be: {  	_ =	swait.ge @!p1 [sflag:s7], $0x3000;
	s28 =	sshrl.u32 s5, $0x3  }
0x1bf: {  	[sflag:s7] =	ssyncset.done @!p1 $0x0;
	s24 =	sadd.s32 $0xC, s28  }
0x1c0: {  	[sflag:s7] =	ssyncadd.s32 @!p1 $0xFFFFD000;
	s22 =	sadd.s32 s26, s24  }
0x1c1: {  	[tilespmem:s14], [sflag:$0x5] =	stream.linear.gather [hbm4b:s22+s2], $0x60, $0x38;
	[tilespmem:$0x1FB90] =	vst v63  }
0x1c2: {  	_ =	swait.ge [sflag:s0], $0x60  }
0x1c3: {  	s7 =	sadd.s32 $0xFFFFFFFC, s8;
	[sflag:s0] =	ssyncset.done $0x0  }
0x1c4: {  	s31 =	sadd.s32 $0x6, s7;
	[sflag:s0] =	ssyncadd.s32 $0xFFFFFFA0  }
0x1c5: {  	[tilespmem:s16], [sflag:$0x2] =	stream.indirect.gather [hbm4b:s6+s13], $0x40, s14, s13, $0xb8;
	[tilespmem:$0x1FB90] =	vst v63  }
0x1c6: {  	v2 =	vmov s31;
	_ =	swait.ge [sflag:s11], $0x1800  }
0x1c7: {  	v2 =	vand.u32 $0xFFFFFFFE, v2;
	[sflag:s11] =	ssyncset.done $0x0  }
0x1c8: {  	s21 =	sadd.s32 s15, s28;
	v2 =	vbroadcast v2, $0x0;
	[sflag:s11] =	ssyncadd.s32 $0xFFFFE800  }
0x1c9: {  	[tilespmem:s17], [sflag:$0x5] =	stream.linear.gather [hbm4b:s21+s2], $0x60, $0x38;
	[tilespmem:$0x1FB90] =	vst v63  }
0x1ca: {  	_ =	swait.ge [sflag:s0], $0x60  }
0x1cb: {  	[sflag:s0] =	ssyncset.done $0x0  }
0x1cc: {  	s22 =	simm.s32 $0x16C10;
	[sflag:s0] =	ssyncadd.s32 $0xFFFFFFA0  }
0x1cd: {  	s29 =	sadd.s32 $0x4, s7;
	v3 =	vld [tilespmem:s22+$0x30]  }
0x1ce: {  	v4 =	vmov s29;
	v2 =	vld.idx.msk [tilespmem:v2+s25+$0x0], $0xffff  }
0x1cf: {  	v4 =	vand.u32 $0xFFFFFFFC, v4;
	v5 =	vld [tilespmem:s22+$0x0]  }
0x1d0: {  	v4 =	vbroadcast v4, $0x0;
	v6 =	vld [tilespmem:s22+$0x10]  }
0x1d1: {  	v8 =	vld [tilespmem:s22+$0x20]  }
0x1d2: {  	v7 =	vunpack.i.u.bf16.f32 v3  }
0x1d3: {  	v3 =	vunpack.i.l.bf16.f32 v3;
	v7 =	vmul.f32 v7, v2  }
0x1d4: {  	s29 =	simm.s32 $0x19C90;
	v9 =	vld [tilespmem:s22+$0xFFFFFF80];
	v10 =	vunpack.i.l.bf16.f32 v5;
	v5 =	vunpack.i.u.bf16.f32 v5;
	v3 =	vmul.f32 v3, v2  }
0x1d5: {  	v11 =	vld [tilespmem:s22+$0xFFFFFF90];
	v5 =	vmul.f32 v5, v2;
	[tilespmem:s29+$0x70] =	vst v7  }
0x1d6: {  	s30 =	sadd.s32 $0x5, s7;
	v4 =	vld.idx.msk [tilespmem:v4+s25+$0x0], $0xffff;
	v13 =	vunpack.i.l.bf16.f32 v8;
	v7 =	vmul.f32 v10, v2;
	[tilespmem:s29+$0x60] =	vst v3;
	v3 =	vunpack.i.l.bf16.f32 v6  }
0x1d7: {  	v12 =	vld [tilespmem:s22+$0xFFFFFFA0];
	v10 =	vmov s30;
	v6 =	vunpack.i.u.bf16.f32 v6;
	[tilespmem:s29+$0x10] =	vst v5;
	v3 =	vmul.f32 v3, v2  }
0x1d8: {  	s7 =	sadd.s32 $0x7, s7;
	s31 =	sadd.s32 $0x0, s8;
	v14 =	vld [tilespmem:s22+$0xFFFFFFC0];
	v8 =	vunpack.i.u.bf16.f32 v8;
	v10 =	vand.u32 $0xFFFFFFFD, v10;
	v5 =	vmul.f32 v6, v2;
	[tilespmem:s29+$0x0] =	vst v7  }
0x1d9: {  	v15 =	vld [tilespmem:s22+$0xFFFFFFD0];
	s30 =	sadd.s32 $0x6, s31;
	v6 =	vmov s7;
	v7 =	vbroadcast v10, $0x0;
	[tilespmem:s29+$0x20] =	vst v3;
	v3 =	vmul.f32 v13, v2  }
0x1da: {  	v18 =	vmov s30;
	v10 =	vld [tilespmem:s22+$0xFFFFFFB0];
	v13 =	vunpack.i.u.bf16.f32 v9;
	[tilespmem:s29+$0x30] =	vst v5;
	v2 =	vmul.f32 v8, v2  }
0x1db: {  	v16 =	vld [tilespmem:s22+$0xFFFFFFF0];
	s7 =	sadd.s32 $0x7, s31;
	v18 =	vand.u32 $0xFFFFFFFE, v18;
	v8 =	vunpack.i.l.bf16.f32 v11;
	v13 =	vmul.f32 v13, v4;
	[tilespmem:s29+$0x40] =	vst v3  }
0x1dc: {  	v17 =	vld [tilespmem:s22+$0x40];
	v30 =	vmov s7;
	v5 =	vunpack.i.u.bf16.f32 v11;
	v8 =	vmul.f32 v8, v4;
	[tilespmem:s29+$0x50] =	vst v2  }
0x1dd: {  	v9 =	vunpack.i.l.bf16.f32 v9;
	v11 =	vld [tilespmem:s22+$0xFFFFFFE0];
	v18 =	vbroadcast v18, $0x0;
	v5 =	vmul.f32 v5, v4;
	[tilespmem:s29+$0xFFFFFF10] =	vst v13  }
0x1de: {  	v3 =	vmul.f32 v9, v4;
	v9 =	vunpack.i.u.bf16.f32 v12;
	v12 =	vunpack.i.l.bf16.f32 v12;
	[tilespmem:s29+$0xFFFFFF20] =	vst v8;
	v6 =	vld.idx.msk [tilespmem:v6+s25+$0x0], $0xffff  }
0x1df: {  	v12 =	vmul.f32 v12, v4;
	[tilespmem:s29+$0xFFFFFF30] =	vst v5;
	v2 =	vunpack.i.u.bf16.f32 v10;
	v10 =	vunpack.i.l.bf16.f32 v10;
	v7 =	vld.idx.msk [tilespmem:v7+s25+$0x0], $0xffff  }
0x1e0: {  	v13 =	vunpack.i.l.bf16.f32 v14;
	[tilespmem:s29+$0xFFFFFF00] =	vst v3;
	v3 =	vunpack.i.u.bf16.f32 v14;
	v14 =	vld [tilespmem:s22+$0x50];
	v10 =	vmul.f32 v10, v4  }
0x1e1: {  	s5 =	simm.s32 $0x16D10;
	v8 =	vunpack.i.u.bf16.f32 v15;
	v5 =	vmul.f32 v9, v4;
	v9 =	vunpack.i.l.bf16.f32 v15;
	[tilespmem:s29+$0xFFFFFF40] =	vst v12  }
0x1e2: {  	v20 =	vld [tilespmem:s5+$0x30];
	v15 =	vunpack.i.u.bf16.f32 v11;
	v2 =	vmul.f32 v2, v4;
	[tilespmem:s29+$0xFFFFFF60] =	vst v10;
	v10 =	vunpack.i.l.bf16.f32 v17  }
0x1e3: {  	v28 =	vld [tilespmem:s5+$0xFFFFFFE0];
	v11 =	vunpack.i.l.bf16.f32 v11;
	v12 =	vunpack.i.u.bf16.f32 v16;
	[tilespmem:s29+$0xFFFFFF50] =	vst v5;
	v10 =	vmul.f32 v10, v6  }
0x1e4: {  	v4 =	vunpack.i.l.bf16.f32 v16;
	v16 =	vunpack.i.u.bf16.f32 v17;
	v23 =	vld.idx.msk [tilespmem:v18+s25+$0x0], $0xffff;
	[tilespmem:s29+$0xFFFFFF70] =	vst v2;
	v13 =	vmul.f32 v13, v7  }
0x1e5: {  	v19 =	vld [tilespmem:s22+$0x60];
	v17 =	vunpack.i.u.bf16.f32 v14;
	v3 =	vmul.f32 v3, v7;
	v9 =	vmul.f32 v9, v7;
	[tilespmem:s29+$0x80] =	vst v10  }
0x1e6: {  	s30 =	sadd.s32 $0x4, s31;
	v5 =	vld [tilespmem:s22+$0x70];
	v2 =	vunpack.i.l.bf16.f32 v14;
	v8 =	vmul.f32 v8, v7;
	v11 =	vmul.f32 v11, v7;
	[tilespmem:s29+$0xFFFFFF80] =	vst v13  }
0x1e7: {  	v24 =	vld [tilespmem:s5+$0xFFFFFFB0];
	v14 =	vmov s30;
	v4 =	vmul.f32 v4, v7;
	v25 =	vmul.f32 v2, v6;
	[tilespmem:s29+$0xFFFFFF90] =	vst v3  }
0x1e8: {  	v26 =	vld [tilespmem:s5+$0xFFFFFFD0];
	s30 =	sadd.s32 $0x5, s31;
	v2 =	vunpack.i.l.bf16.f32 v20;
	v17 =	vmul.f32 v17, v6;
	v10 =	vunpack.i.l.bf16.f32 v28;
	[tilespmem:s29+$0xFFFFFFA0] =	vst v9  }
0x1e9: {  	v31 =	vld [tilespmem:s5+$0x0];
	v2 =	vmul.f32 v2, v23;
	v13 =	vand.u32 $0xFFFFFFFC, v14;
	v14 =	vmov s30;
	[tilespmem:s29+$0xFFFFFFB0] =	vst v8  }
0x1ea: {  	v32 =	vld [tilespmem:s5+$0x10];
	v9 =	vunpack.i.u.bf16.f32 v19;
	v8 =	vunpack.i.l.bf16.f32 v19;
	[tilespmem:s29+$0xFFFFFFC0] =	vst v11;
	v11 =	vmul.f32 v16, v6  }
0x1eb: {  	v18 =	vld [tilespmem:s5+$0xFFFFFF90];
	[tilespmem:s29+$0xFFFFFFE0] =	vst v4;
	v4 =	vunpack.i.u.bf16.f32 v5;
	v5 =	vunpack.i.l.bf16.f32 v5;
	v21 =	vbroadcast v13, $0x0  }
0x1ec: {  	[tilespmem:s29+$0xA0] =	vst v25;
	v3 =	vand.u32 $0xFFFFFFFD, v14;
	v13 =	vld [tilespmem:s5+$0xFFFFFF80];
	v27 =	vmul.f32 v9, v6;
	v29 =	vmul.f32 v5, v6  }
0x1ed: {  	v14 =	vunpack.i.u.bf16.f32 v20;
	v20 =	vld [tilespmem:s5+$0xFFFFFFC0];
	v22 =	vbroadcast v3, $0x0;
	v3 =	vmul.f32 v15, v7;
	[tilespmem:s29+$0x90] =	vst v11  }
0x1ee: {  	v5 =	vunpack.i.u.bf16.f32 v24;
	v9 =	vunpack.i.l.bf16.f32 v24;
	v24 =	vld [tilespmem:s5+$0x20];
	v7 =	vmul.f32 v12, v7;
	[tilespmem:s29+$0xD0] =	vst v27  }
0x1ef: {  	v12 =	vld [tilespmem:s5+$0xFFFFFFA0];
	v11 =	vunpack.i.l.bf16.f32 v26;
	v27 =	vunpack.i.l.bf16.f32 v32;
	[tilespmem:s29+$0xFFFFFFD0] =	vst v3;
	v3 =	vmul.f32 v14, v23  }
0x1f0: {  	[tilespmem:s29+$0xFFFFFFF0] =	vst v7;
	v7 =	vmul.f32 v8, v6;
	v8 =	vmul.f32 v4, v6;
	v14 =	vunpack.i.u.bf16.f32 v18  }
0x1f1: {  	s30 =	simm.s32 $0x19E90;
	v25 =	vld [tilespmem:s5+$0x40];
	[tilespmem:s29+$0xB0] =	vst v17;
	v18 =	vunpack.i.l.bf16.f32 v18;
	v6 =	vunpack.i.u.bf16.f32 v26;
	v4 =	vunpack.i.u.bf16.f32 v28  }
0x1f2: {  	v17 =	vld [tilespmem:s5+$0x50];
	[tilespmem:s30+$0x60] =	vst v2;
	v26 =	vunpack.i.u.bf16.f32 v31;
	v28 =	vunpack.i.u.bf16.f32 v32;
	v27 =	vmul.f32 v27, v23  }
0x1f3: {  	v33 =	vld [tilespmem:s5+$0x70];
	[tilespmem:s29+$0xE0] =	vst v29;
	v26 =	vmul.f32 v26, v23;
	v15 =	vunpack.i.u.bf16.f32 v13;
	v19 =	vunpack.i.l.bf16.f32 v13  }
0x1f4: {  	[tilespmem:s30+$0x70] =	vst v3;
	v13 =	vld [tilespmem:s5+$0xFFFFFFF0];
	v3 =	vunpack.i.u.bf16.f32 v20;
	v63 =	vunpack.i.u.bf16.f32 v24;
	v2 =	vunpack.i.u.bf16.f32 v12  }
0x1f5: {  	[tilespmem:s29+$0xC0] =	vst v7;
	v16 =	vunpack.i.l.bf16.f32 v12;
	v12 =	vunpack.i.l.bf16.f32 v20;
	v20 =	vunpack.i.l.bf16.f32 v31;
	v31 =	vld [tilespmem:s5+$0x60]  }
0x1f6: {  	v34 =	vunpack.i.l.bf16.f32 v24;
	v24 =	vunpack.i.l.bf16.f32 v25;
	[tilespmem:s30+$0x10] =	vst v26;
	v26 =	vmul.f32 v28, v23;
	v29 =	vld.idx.msk [tilespmem:v21+s25+$0x0], $0xffff  }
0x1f7: {  	[tilespmem:s30+$0x20] =	vst v27;
	v27 =	vunpack.i.l.bf16.f32 v17;
	v21 =	vunpack.i.u.bf16.f32 v17;
	v20 =	vmul.f32 v20, v23  }
0x1f8: {  	v34 =	vmul.f32 v34, v23;
	v17 =	vld.idx.msk [tilespmem:v30+s25+$0x0], $0xffff;
	v30 =	vmul.f32 v63, v23;
	v23 =	vunpack.i.u.bf16.f32 v33;
	[tilespmem:s30+$0x30] =	vst v26  }
0x1f9: {  	v26 =	vunpack.i.l.bf16.f32 v33;
	[tilespmem:s30+$0x0] =	vst v20;
	v20 =	vunpack.i.u.bf16.f32 v25;
	v7 =	vunpack.i.u.bf16.f32 v13  }
0x1fa: {  	s7 =	simm.s32 $0x4;
	v28 =	vld.idx.msk [tilespmem:v22+s25+$0x0], $0xffff;
	[tilespmem:s30+$0x40] =	vst v34;
	v13 =	vunpack.i.l.bf16.f32 v13;
	v22 =	vunpack.i.u.bf16.f32 v31;
	v25 =	vunpack.i.l.bf16.f32 v31  }
.LBB2_17:
0x1fb: {  	s22 =	sadd.s32 s7, s8;
	s7 =	sadd.s32 $0x4, s7;
	v19 =	vmul.f32 v19, v29;
	v15 =	vmul.f32 v15, v29;
	[tilespmem:s30+$0x50] =	vst v30  }
0x1fc: {  	v18 =	vmul.f32 v18, v29;
	v14 =	vmul.f32 v14, v29;
	s21 =	sadd.s32 $0x4, s22;
	s31 =	sadd.s32 $0x6, s22;
	p2 =	slt.u32 s7, $0x5C;
	[tilespmem:s29+$0xF0] =	vst v8  }
0x1fd: {  	v16 =	vmul.f32 v16, v29;
	s29 =	smov.u32 s30;
	v8 =	vmov s21;
	s21 =	sadd.s32 $0x5, s22;
	v30 =	vmov s31;
	s22 =	sadd.s32 $0x7, s22;
	[tilespmem:s30+$0xFFFFFF00] =	vst v19  }
0x1fe: {  	v8 =	vand.u32 $0xFFFFFFFC, v8;
	v19 =	vmov s21;
	v30 =	vand.u32 $0xFFFFFFFE, v30;
	[tilespmem:s30+$0xFFFFFF10] =	vst v15  }
0x1ff: {  	v31 =	vbroadcast v8, $0x0;
	v8 =	vand.u32 $0xFFFFFFFD, v19;
	v15 =	vbroadcast v30, $0x0;
	[tilespmem:s30+$0xFFFFFF20] =	vst v18  }
0x200: {  	v2 =	vmul.f32 v2, v29;
	v32 =	vmov s22;
	v30 =	vbroadcast v8, $0x0;
	[tilespmem:s30+$0xFFFFFF30] =	vst v14  }
0x201: {  	v5 =	vmul.f32 v5, v29;
	v8 =	vmul.f32 v9, v29;
	[tilespmem:s30+$0xFFFFFF40] =	vst v16  }
0x202: {  	v3 =	vmul.f32 v3, v28;
	[tilespmem:s30+$0xFFFFFF50] =	vst v2;
	v2 =	vmul.f32 v12, v28  }
0x203: {  	v6 =	vmul.f32 v6, v28;
	s5 =	sadd.s32 $0x100, s5;
	[tilespmem:s30+$0xFFFFFF60] =	vst v8;
	v8 =	vmul.f32 v11, v28  }
0x204: {  	v4 =	vmul.f32 v4, v28;
	v9 =	vld [tilespmem:s5+$0x30];
	[tilespmem:s30+$0xFFFFFF70] =	vst v5;
	v5 =	vmul.f32 v10, v28  }
0x205: {  	v7 =	vmul.f32 v7, v28;
	v33 =	vld.idx.msk [tilespmem:v15+s25+$0x0], $0xffff;
	[tilespmem:s30+$0xFFFFFF80] =	vst v2;
	v2 =	vmul.f32 v13, v28  }
0x206: {  	v11 =	vmul.f32 v24, v17;
	v13 =	vmul.f32 v20, v17;
	v10 =	vld [tilespmem:s5+$0xFFFFFF80];
	[tilespmem:s30+$0xFFFFFF90] =	vst v3  }
0x207: {  	v21 =	vmul.f32 v21, v17;
	v20 =	vmul.f32 v27, v17;
	v3 =	vld [tilespmem:s5+$0xFFFFFF90];
	[tilespmem:s30+$0xFFFFFFA0] =	vst v8  }
0x208: {  	v22 =	vmul.f32 v22, v17;
	v24 =	vmul.f32 v25, v17;
	v12 =	vld [tilespmem:s5+$0xFFFFFFA0];
	[tilespmem:s30+$0xFFFFFFB0] =	vst v6  }
0x209: {  	v25 =	vmul.f32 v26, v17;
	v8 =	vmul.f32 v23, v17;
	v6 =	vld [tilespmem:s5+$0xFFFFFFB0];
	v16 =	vunpack.i.l.bf16.f32 v9;
	[tilespmem:s30+$0xFFFFFFC0] =	vst v5  }
0x20a: {  	v5 =	vunpack.i.u.bf16.f32 v9;
	v17 =	vld [tilespmem:s5+$0xFFFFFFC0];
	[tilespmem:s30+$0xFFFFFFD0] =	vst v4  }
0x20b: {  	v5 =	vmul.f32 v5, v33;
	v15 =	vunpack.i.u.bf16.f32 v10;
	v19 =	vunpack.i.l.bf16.f32 v10;
	v4 =	vld [tilespmem:s5+$0xFFFFFFD0];
	[tilespmem:s30+$0xFFFFFFE0] =	vst v2  }
0x20c: {  	s30 =	sadd.s32 $0x200, s30;
	v14 =	vunpack.i.u.bf16.f32 v3;
	v18 =	vunpack.i.l.bf16.f32 v3;
	v10 =	vld [tilespmem:s5+$0xFFFFFFE0];
	v3 =	vmul.f32 v16, v33;
	[tilespmem:s29+$0xFFFFFFF0] =	vst v7  }
0x20d: {  	v2 =	vunpack.i.u.bf16.f32 v12;
	v16 =	vunpack.i.l.bf16.f32 v12;
	v23 =	vld [tilespmem:s5+$0xFFFFFFF0];
	[tilespmem:s30+$0x70] =	vst v5  }
0x20e: {  	v5 =	vunpack.i.u.bf16.f32 v6;
	v9 =	vunpack.i.l.bf16.f32 v6;
	v26 =	vld [tilespmem:s5+$0x0];
	[tilespmem:s30+$0x60] =	vst v3  }
0x20f: {  	v3 =	vunpack.i.u.bf16.f32 v17;
	v12 =	vunpack.i.l.bf16.f32 v17;
	v17 =	vld [tilespmem:s5+$0x10];
	[tilespmem:s29+$0x80] =	vst v11  }
0x210: {  	v6 =	vunpack.i.u.bf16.f32 v4;
	v11 =	vunpack.i.l.bf16.f32 v4;
	v27 =	vld [tilespmem:s5+$0x20];
	[tilespmem:s29+$0x90] =	vst v13  }
0x211: {  	v4 =	vunpack.i.u.bf16.f32 v10;
	v10 =	vunpack.i.l.bf16.f32 v10;
	v34 =	vld [tilespmem:s5+$0x40];
	[tilespmem:s29+$0xA0] =	vst v20  }
0x212: {  	v7 =	vunpack.i.u.bf16.f32 v23;
	v13 =	vunpack.i.l.bf16.f32 v23;
	v23 =	vld [tilespmem:s5+$0x50];
	[tilespmem:s29+$0xB0] =	vst v21  }
0x213: {  	v20 =	vunpack.i.u.bf16.f32 v26;
	v21 =	vunpack.i.l.bf16.f32 v26;
	v26 =	vld [tilespmem:s5+$0x60];
	[tilespmem:s29+$0xC0] =	vst v24  }
0x214: {  	v21 =	vmul.f32 v21, v33;
	v35 =	vunpack.i.u.bf16.f32 v17;
	v17 =	vunpack.i.l.bf16.f32 v17;
	v36 =	vld [tilespmem:s5+$0x70];
	[tilespmem:s29+$0xD0] =	vst v22  }
0x215: {  	v22 =	vmul.f32 v20, v33;
	v29 =	vld.idx.msk [tilespmem:v31+s25+$0x0], $0xffff;
	v31 =	vunpack.i.u.bf16.f32 v27;
	v37 =	vunpack.i.l.bf16.f32 v27;
	[tilespmem:s29+$0xE0] =	vst v25  }
.Ltmp7:
0x216: {  	v25 =	vmul.f32 v17, v33;
	v28 =	vld.idx.msk [tilespmem:v30+s25+$0x0], $0xffff;
	[tilespmem:s30+$0x0] =	vst v21;
	v20 =	vunpack.i.u.bf16.f32 v34;
	v24 =	vunpack.i.l.bf16.f32 v34;
	(pc) =	sbr.rel @p2 .LBB2_17-.Ltmp7, $4  }
0x217: {  	v30 =	vmul.f32 v35, v33;
	[tilespmem:s30+$0x10] =	vst v22;
	v17 =	vld.idx.msk [tilespmem:v32+s25+$0x0], $0xffff;
	v21 =	vunpack.i.u.bf16.f32 v23;
	v27 =	vunpack.i.l.bf16.f32 v23  }
0x218: {  	v32 =	vmul.f32 v37, v33;
	[tilespmem:s30+$0x20] =	vst v25;
	v22 =	vunpack.i.u.bf16.f32 v26;
	v25 =	vunpack.i.l.bf16.f32 v26  }
0x219: {  	[tilespmem:s30+$0x30] =	vst v30;
	v30 =	vmul.f32 v31, v33;
	v23 =	vunpack.i.u.bf16.f32 v36;
	v26 =	vunpack.i.l.bf16.f32 v36  }
0x21a: {  	[tilespmem:s30+$0x40] =	vst v32  }
0x21b: {  	v19 =	vmul.f32 v19, v29;
	[tilespmem:s30+$0x50] =	vst v30  }
0x21c: {  	v15 =	vmul.f32 v15, v29;
	[tilespmem:s29+$0xF0] =	vst v8  }
0x21d: {  	v8 =	vmul.f32 v18, v29;
	[tilespmem:s30+$0xFFFFFF00] =	vst v19  }
0x21e: {  	v14 =	vmul.f32 v14, v29;
	[tilespmem:s30+$0xFFFFFF10] =	vst v15  }
0x21f: {  	v2 =	vmul.f32 v2, v29;
	[tilespmem:s30+$0xFFFFFF20] =	vst v8  }
0x220: {  	v5 =	vmul.f32 v5, v29;
	[tilespmem:s30+$0xFFFFFF30] =	vst v14  }
0x221: {  	v3 =	vmul.f32 v3, v28;
	[tilespmem:s30+$0xFFFFFF50] =	vst v2  }
0x222: {  	v4 =	vmul.f32 v4, v28;
	[tilespmem:s30+$0xFFFFFF70] =	vst v5  }
0x223: {  	v15 =	vmul.f32 v16, v29;
	[tilespmem:s30+$0xFFFFFF90] =	vst v3  }
0x224: {  	v8 =	vmul.f32 v9, v29;
	[tilespmem:s30+$0xFFFFFFD0] =	vst v4  }
0x225: {  	v2 =	vmul.f32 v12, v28;
	[tilespmem:s30+$0xFFFFFF40] =	vst v15  }
0x226: {  	v5 =	vmul.f32 v11, v28;
	[tilespmem:s30+$0xFFFFFF60] =	vst v8  }
0x227: {  	v3 =	vmul.f32 v10, v28;
	[tilespmem:s30+$0xFFFFFF80] =	vst v2  }
0x228: {  	v4 =	vmul.f32 v24, v17;
	[tilespmem:s30+$0xFFFFFFA0] =	vst v5  }
0x229: {  	v2 =	vmul.f32 v6, v28;
	[tilespmem:s30+$0xFFFFFFC0] =	vst v3  }
0x22a: {  	v3 =	vmul.f32 v7, v28;
	[tilespmem:s30+$0x80] =	vst v4  }
0x22b: {  	v4 =	vmul.f32 v21, v17;
	[tilespmem:s30+$0xFFFFFFB0] =	vst v2  }
0x22c: {  	v2 =	vmul.f32 v13, v28;
	[tilespmem:s30+$0xFFFFFFF0] =	vst v3  }
0x22d: {  	v3 =	vmul.f32 v27, v17;
	[tilespmem:s30+$0xB0] =	vst v4  }
0x22e: {  	[tilespmem:s30+$0xFFFFFFE0] =	vst v2;
	v2 =	vmul.f32 v20, v17  }
0x22f: {  	v4 =	vmul.f32 v26, v17;
	[tilespmem:s30+$0xA0] =	vst v3  }
0x230: {  	[tilespmem:s30+$0x90] =	vst v2;
	v2 =	vmul.f32 v25, v17  }
0x231: {  	v3 =	vmul.f32 v22, v17;
	[tilespmem:s30+$0xE0] =	vst v4  }
0x232: {  	[tilespmem:s30+$0xC0] =	vst v2;
	v2 =	vmul.f32 v23, v17  }
0x233: {  	[tilespmem:s30+$0xD0] =	vst v3  }
0x234: {  	s5 =	simm.s32 @!p1 $0x4;
	[tilespmem:s30+$0xF0] =	vst v2  }
0x235: {  	[spmem:s1] =	stream.indirect.scatter.add.f32 [tilespmem:s10], [sflag:$0x3], $0x80, s17, s13, $0xb8;
	[tilespmem:$0x1FB90] =	vst v63  }
0x236: {  	p2 =	seq.s32 @!p1 s23, $0x37;
	_ =	swait.ge @!p1 [sflag:s5], $0x3000  }
0x237: {  	p2 =	por p1, !p2;
	[sflag:s5] =	ssyncset.done @!p1 $0x0  }
0x238: {  	[sflag:s5] =	ssyncadd.s32 @!p1 $0xFFFFD000;
	s5 =	sadd.s32 @p2 s26, s28  }
0x239: {  	s5 =	sadd.s32 @p2 $0x18, s5  }
0x23a: {  	[tilespmem:s12], [sflag:$0x5] =	stream.linear.gather @p2 [hbm4b:s5+s2], $0x60, $0x38;
	[tilespmem:$0x1FB90] =	vst v63  }
0x23b: {  	_ =	swait.ge @p2 [sflag:s0], $0x60  }
0x23c: {  	s7 =	sadd.s32 $0xFFFFFFFC, s8;
	[sflag:s0] =	ssyncset.done @p2 $0x0  }
0x23d: {  	s22 =	sadd.s32 $0x66, s7;
	[sflag:s0] =	ssyncadd.s32 @p2 $0xFFFFFFA0  }
0x23e: {  	[tilespmem:s3], [sflag:$0x1] =	stream.indirect.gather @p2 [hbm4b:s6+s13], $0x40, s12, s13, $0xb8;
	[tilespmem:$0x1FB90] =	vst v63  }
0x23f: {  	v2 =	vmov s22;
	_ =	swait.ge [sflag:s18], $0x1800  }
0x240: {  	v2 =	vand.u32 $0xFFFFFFFE, v2;
	[sflag:s18] =	ssyncset.done $0x0  }
0x241: {  	s29 =	sadd.s32 s15, s24;
	v2 =	vbroadcast v2, $0x0;
	[sflag:s18] =	ssyncadd.s32 $0xFFFFE800  }
0x242: {  	[tilespmem:s19], [sflag:$0x5] =	stream.linear.gather [hbm4b:s29+s2], $0x60, $0x38;
	[tilespmem:$0x1FB90] =	vst v63  }
0x243: {  	_ =	swait.ge [sflag:s0], $0x60  }
0x244: {  	[sflag:s0] =	ssyncset.done $0x0  }
0x245: {  	s30 =	simm.s32 $0x18410;
	[sflag:s0] =	ssyncadd.s32 $0xFFFFFFA0  }
0x246: {  	s21 =	sadd.s32 $0x64, s7;
	v3 =	vld [tilespmem:s30+$0x30]  }
0x247: {  	v4 =	vmov s21;
	v2 =	vld.idx.msk [tilespmem:v2+s25+$0x0], $0xffff  }
0x248: {  	v4 =	vand.u32 $0xFFFFFFFC, v4;
	v5 =	vld [tilespmem:s30+$0x0]  }
0x249: {  	v4 =	vbroadcast v4, $0x0;
	v6 =	vld [tilespmem:s30+$0x10]  }
0x24a: {  	v8 =	vld [tilespmem:s30+$0x20]  }
0x24b: {  	v7 =	vunpack.i.u.bf16.f32 v3  }
0x24c: {  	v3 =	vunpack.i.l.bf16.f32 v3;
	v7 =	vmul.f32 v7, v2  }
0x24d: {  	s24 =	simm.s32 $0x1CC90;
	v9 =	vld [tilespmem:s30+$0xFFFFFF80];
	v10 =	vunpack.i.l.bf16.f32 v5;
	v5 =	vunpack.i.u.bf16.f32 v5;
	v3 =	vmul.f32 v3, v2  }
0x24e: {  	v11 =	vld [tilespmem:s30+$0xFFFFFF90];
	v5 =	vmul.f32 v5, v2;
	[tilespmem:s24+$0x70] =	vst v7  }
0x24f: {  	s31 =	sadd.s32 $0x65, s7;
	v4 =	vld.idx.msk [tilespmem:v4+s25+$0x0], $0xffff;
	v13 =	vunpack.i.l.bf16.f32 v8;
	v7 =	vmul.f32 v10, v2;
	[tilespmem:s24+$0x60] =	vst v3;
	v3 =	vunpack.i.l.bf16.f32 v6  }
0x250: {  	v12 =	vld [tilespmem:s30+$0xFFFFFFA0];
	v10 =	vmov s31;
	v6 =	vunpack.i.u.bf16.f32 v6;
	[tilespmem:s24+$0x10] =	vst v5;
	v3 =	vmul.f32 v3, v2  }
0x251: {  	s7 =	sadd.s32 $0x67, s7;
	s22 =	sadd.s32 $0x0, s8;
	v14 =	vld [tilespmem:s30+$0xFFFFFFC0];
	v8 =	vunpack.i.u.bf16.f32 v8;
	v10 =	vand.u32 $0xFFFFFFFD, v10;
	v5 =	vmul.f32 v6, v2;
	[tilespmem:s24+$0x0] =	vst v7  }
0x252: {  	s29 =	sadd.s32 $0x66, s22;
	v15 =	vld [tilespmem:s30+$0xFFFFFFD0];
	v6 =	vmov s7;
	v7 =	vbroadcast v10, $0x0;
	[tilespmem:s24+$0x20] =	vst v3;
	v3 =	vmul.f32 v13, v2  }
0x253: {  	v18 =	vmov s29;
	v10 =	vld [tilespmem:s30+$0xFFFFFFB0];
	v13 =	vunpack.i.u.bf16.f32 v9;
	[tilespmem:s24+$0x30] =	vst v5;
	v2 =	vmul.f32 v8, v2  }
0x254: {  	v18 =	vand.u32 $0xFFFFFFFE, v18;
	v16 =	vld [tilespmem:s30+$0xFFFFFFF0];
	v8 =	vunpack.i.l.bf16.f32 v11;
	v13 =	vmul.f32 v13, v4;
	[tilespmem:s24+$0x40] =	vst v3  }
0x255: {  	v18 =	vbroadcast v18, $0x0;
	v17 =	vld [tilespmem:s30+$0x40];
	s7 =	sadd.s32 $0x67, s22;
	v5 =	vunpack.i.u.bf16.f32 v11;
	v8 =	vmul.f32 v8, v4;
	[tilespmem:s24+$0x50] =	vst v2  }
0x256: {  	v30 =	vmov s7;
	v9 =	vunpack.i.l.bf16.f32 v9;
	v11 =	vld [tilespmem:s30+$0xFFFFFFE0];
	v5 =	vmul.f32 v5, v4;
	[tilespmem:s24+$0xFFFFFF10] =	vst v13  }
0x257: {  	v3 =	vmul.f32 v9, v4;
	v9 =	vunpack.i.u.bf16.f32 v12;
	v12 =	vunpack.i.l.bf16.f32 v12;
	[tilespmem:s24+$0xFFFFFF20] =	vst v8;
	v6 =	vld.idx.msk [tilespmem:v6+s25+$0x0], $0xffff  }
0x258: {  	v12 =	vmul.f32 v12, v4;
	[tilespmem:s24+$0xFFFFFF30] =	vst v5;
	v2 =	vunpack.i.u.bf16.f32 v10;
	v10 =	vunpack.i.l.bf16.f32 v10;
	v7 =	vld.idx.msk [tilespmem:v7+s25+$0x0], $0xffff  }
0x259: {  	v13 =	vunpack.i.l.bf16.f32 v14;
	[tilespmem:s24+$0xFFFFFF00] =	vst v3;
	v3 =	vunpack.i.u.bf16.f32 v14;
	v14 =	vld [tilespmem:s30+$0x50];
	v10 =	vmul.f32 v10, v4  }
0x25a: {  	s5 =	simm.s32 $0x18510;
	v8 =	vunpack.i.u.bf16.f32 v15;
	v5 =	vmul.f32 v9, v4;
	v9 =	vunpack.i.l.bf16.f32 v15;
	[tilespmem:s24+$0xFFFFFF40] =	vst v12  }
0x25b: {  	v20 =	vld [tilespmem:s5+$0x30];
	v15 =	vunpack.i.u.bf16.f32 v11;
	v2 =	vmul.f32 v2, v4;
	[tilespmem:s24+$0xFFFFFF60] =	vst v10;
	v10 =	vunpack.i.l.bf16.f32 v17  }
0x25c: {  	v28 =	vld [tilespmem:s5+$0xFFFFFFE0];
	v11 =	vunpack.i.l.bf16.f32 v11;
	v12 =	vunpack.i.u.bf16.f32 v16;
	[tilespmem:s24+$0xFFFFFF50] =	vst v5;
	v10 =	vmul.f32 v10, v6  }
0x25d: {  	v23 =	vld.idx.msk [tilespmem:v18+s25+$0x0], $0xffff;
	v4 =	vunpack.i.l.bf16.f32 v16;
	v16 =	vunpack.i.u.bf16.f32 v17;
	[tilespmem:s24+$0xFFFFFF70] =	vst v2;
	v13 =	vmul.f32 v13, v7  }
0x25e: {  	v19 =	vld [tilespmem:s30+$0x60];
	v17 =	vunpack.i.u.bf16.f32 v14;
	v3 =	vmul.f32 v3, v7;
	v9 =	vmul.f32 v9, v7;
	[tilespmem:s24+$0x80] =	vst v10  }
0x25f: {  	v5 =	vld [tilespmem:s30+$0x70];
	s30 =	sadd.s32 $0x64, s22;
	v2 =	vunpack.i.l.bf16.f32 v14;
	v8 =	vmul.f32 v8, v7;
	v11 =	vmul.f32 v11, v7;
	[tilespmem:s24+$0xFFFFFF80] =	vst v13  }
0x260: {  	v24 =	vld [tilespmem:s5+$0xFFFFFFB0];
	v14 =	vmov s30;
	v4 =	vmul.f32 v4, v7;
	v25 =	vmul.f32 v2, v6;
	[tilespmem:s24+$0xFFFFFF90] =	vst v3  }
0x261: {  	v26 =	vld [tilespmem:s5+$0xFFFFFFD0];
	s31 =	sadd.s32 $0x65, s22;
	v2 =	vunpack.i.l.bf16.f32 v20;
	v17 =	vmul.f32 v17, v6;
	v10 =	vunpack.i.l.bf16.f32 v28;
	[tilespmem:s24+$0xFFFFFFA0] =	vst v9  }
0x262: {  	v31 =	vld [tilespmem:s5+$0x0];
	v2 =	vmul.f32 v2, v23;
	v13 =	vand.u32 $0xFFFFFFFC, v14;
	v14 =	vmov s31;
	[tilespmem:s24+$0xFFFFFFB0] =	vst v8  }
0x263: {  	v32 =	vld [tilespmem:s5+$0x10];
	v9 =	vunpack.i.u.bf16.f32 v19;
	v8 =	vunpack.i.l.bf16.f32 v19;
	[tilespmem:s24+$0xFFFFFFC0] =	vst v11;
	v11 =	vmul.f32 v16, v6  }
0x264: {  	v18 =	vld [tilespmem:s5+$0xFFFFFF90];
	[tilespmem:s24+$0xFFFFFFE0] =	vst v4;
	v4 =	vunpack.i.u.bf16.f32 v5;
	v5 =	vunpack.i.l.bf16.f32 v5;
	v21 =	vbroadcast v13, $0x0  }
0x265: {  	[tilespmem:s24+$0xA0] =	vst v25;
	v3 =	vand.u32 $0xFFFFFFFD, v14;
	v13 =	vld [tilespmem:s5+$0xFFFFFF80];
	v27 =	vmul.f32 v9, v6;
	v29 =	vmul.f32 v5, v6  }
0x266: {  	v14 =	vunpack.i.u.bf16.f32 v20;
	v20 =	vld [tilespmem:s5+$0xFFFFFFC0];
	v22 =	vbroadcast v3, $0x0;
	v3 =	vmul.f32 v15, v7;
	[tilespmem:s24+$0x90] =	vst v11  }
0x267: {  	v5 =	vunpack.i.u.bf16.f32 v24;
	v9 =	vunpack.i.l.bf16.f32 v24;
	v24 =	vld [tilespmem:s5+$0x20];
	v7 =	vmul.f32 v12, v7;
	[tilespmem:s24+$0xD0] =	vst v27  }
0x268: {  	v12 =	vld [tilespmem:s5+$0xFFFFFFA0];
	v11 =	vunpack.i.l.bf16.f32 v26;
	v27 =	vunpack.i.l.bf16.f32 v32;
	[tilespmem:s24+$0xFFFFFFD0] =	vst v3;
	v3 =	vmul.f32 v14, v23  }
0x269: {  	[tilespmem:s24+$0xFFFFFFF0] =	vst v7;
	v7 =	vmul.f32 v8, v6;
	v8 =	vmul.f32 v4, v6;
	v14 =	vunpack.i.u.bf16.f32 v18  }
0x26a: {  	s28 =	simm.s32 $0x1CE90;
	v25 =	vld [tilespmem:s5+$0x40];
	[tilespmem:s24+$0xB0] =	vst v17;
	v18 =	vunpack.i.l.bf16.f32 v18;
	v6 =	vunpack.i.u.bf16.f32 v26;
	v4 =	vunpack.i.u.bf16.f32 v28  }
0x26b: {  	v17 =	vld [tilespmem:s5+$0x50];
	[tilespmem:s28+$0x60] =	vst v2;
	v26 =	vunpack.i.u.bf16.f32 v31;
	v28 =	vunpack.i.u.bf16.f32 v32;
	v27 =	vmul.f32 v27, v23  }
0x26c: {  	v33 =	vld [tilespmem:s5+$0x70];
	[tilespmem:s24+$0xE0] =	vst v29;
	v26 =	vmul.f32 v26, v23;
	v15 =	vunpack.i.u.bf16.f32 v13;
	v19 =	vunpack.i.l.bf16.f32 v13  }
0x26d: {  	[tilespmem:s28+$0x70] =	vst v3;
	v13 =	vld [tilespmem:s5+$0xFFFFFFF0];
	v3 =	vunpack.i.u.bf16.f32 v20;
	v63 =	vunpack.i.u.bf16.f32 v24;
	v2 =	vunpack.i.u.bf16.f32 v12  }
0x26e: {  	[tilespmem:s24+$0xC0] =	vst v7;
	v16 =	vunpack.i.l.bf16.f32 v12;
	v12 =	vunpack.i.l.bf16.f32 v20;
	v20 =	vunpack.i.l.bf16.f32 v31;
	v31 =	vld [tilespmem:s5+$0x60]  }
0x26f: {  	v34 =	vunpack.i.l.bf16.f32 v24;
	v24 =	vunpack.i.l.bf16.f32 v25;
	[tilespmem:s28+$0x10] =	vst v26;
	v26 =	vmul.f32 v28, v23;
	v29 =	vld.idx.msk [tilespmem:v21+s25+$0x0], $0xffff  }
0x270: {  	[tilespmem:s28+$0x20] =	vst v27;
	v27 =	vunpack.i.l.bf16.f32 v17;
	v21 =	vunpack.i.u.bf16.f32 v17;
	v20 =	vmul.f32 v20, v23  }
0x271: {  	v34 =	vmul.f32 v34, v23;
	v17 =	vld.idx.msk [tilespmem:v30+s25+$0x0], $0xffff;
	v30 =	vmul.f32 v63, v23;
	v23 =	vunpack.i.u.bf16.f32 v33;
	[tilespmem:s28+$0x30] =	vst v26  }
0x272: {  	v26 =	vunpack.i.l.bf16.f32 v33;
	[tilespmem:s28+$0x0] =	vst v20;
	v20 =	vunpack.i.u.bf16.f32 v25;
	v7 =	vunpack.i.u.bf16.f32 v13  }
0x273: {  	s7 =	simm.s32 $0x4;
	v28 =	vld.idx.msk [tilespmem:v22+s25+$0x0], $0xffff;
	[tilespmem:s28+$0x40] =	vst v34;
	v13 =	vunpack.i.l.bf16.f32 v13;
	v22 =	vunpack.i.u.bf16.f32 v31;
	v25 =	vunpack.i.l.bf16.f32 v31  }
.LBB2_19:
0x274: {  	s21 =	sadd.s32 s7, s8;
	s7 =	sadd.s32 $0x4, s7;
	v19 =	vmul.f32 v19, v29;
	v15 =	vmul.f32 v15, v29;
	[tilespmem:s28+$0x50] =	vst v30  }
0x275: {  	v18 =	vmul.f32 v18, v29;
	v14 =	vmul.f32 v14, v29;
	s22 =	sadd.s32 $0x64, s21;
	s29 =	sadd.s32 $0x66, s21;
	p1 =	slt.u32 s7, $0x5C;
	[tilespmem:s24+$0xF0] =	vst v8  }
0x276: {  	v16 =	vmul.f32 v16, v29;
	s24 =	smov.u32 s28;
	v8 =	vmov s22;
	s22 =	sadd.s32 $0x65, s21;
	v30 =	vmov s29;
	s21 =	sadd.s32 $0x67, s21;
	[tilespmem:s28+$0xFFFFFF00] =	vst v19  }
0x277: {  	v8 =	vand.u32 $0xFFFFFFFC, v8;
	v19 =	vmov s22;
	v30 =	vand.u32 $0xFFFFFFFE, v30;
	[tilespmem:s28+$0xFFFFFF10] =	vst v15  }
0x278: {  	v31 =	vbroadcast v8, $0x0;
	v8 =	vand.u32 $0xFFFFFFFD, v19;
	v15 =	vbroadcast v30, $0x0;
	[tilespmem:s28+$0xFFFFFF20] =	vst v18  }
0x279: {  	v2 =	vmul.f32 v2, v29;
	v32 =	vmov s21;
	v30 =	vbroadcast v8, $0x0;
	[tilespmem:s28+$0xFFFFFF30] =	vst v14  }
0x27a: {  	v5 =	vmul.f32 v5, v29;
	v8 =	vmul.f32 v9, v29;
	[tilespmem:s28+$0xFFFFFF40] =	vst v16  }
0x27b: {  	v3 =	vmul.f32 v3, v28;
	[tilespmem:s28+$0xFFFFFF50] =	vst v2;
	v2 =	vmul.f32 v12, v28  }
0x27c: {  	v6 =	vmul.f32 v6, v28;
	s5 =	sadd.s32 $0x100, s5;
	[tilespmem:s28+$0xFFFFFF60] =	vst v8;
	v8 =	vmul.f32 v11, v28  }
0x27d: {  	v4 =	vmul.f32 v4, v28;
	v9 =	vld [tilespmem:s5+$0x30];
	[tilespmem:s28+$0xFFFFFF70] =	vst v5;
	v5 =	vmul.f32 v10, v28  }
0x27e: {  	v7 =	vmul.f32 v7, v28;
	v33 =	vld.idx.msk [tilespmem:v15+s25+$0x0], $0xffff;
	[tilespmem:s28+$0xFFFFFF80] =	vst v2;
	v2 =	vmul.f32 v13, v28  }
0x27f: {  	v11 =	vmul.f32 v24, v17;
	v13 =	vmul.f32 v20, v17;
	v10 =	vld [tilespmem:s5+$0xFFFFFF80];
	[tilespmem:s28+$0xFFFFFF90] =	vst v3  }
0x280: {  	v21 =	vmul.f32 v21, v17;
	v20 =	vmul.f32 v27, v17;
	v3 =	vld [tilespmem:s5+$0xFFFFFF90];
	[tilespmem:s28+$0xFFFFFFA0] =	vst v8  }
0x281: {  	v22 =	vmul.f32 v22, v17;
	v24 =	vmul.f32 v25, v17;
	v12 =	vld [tilespmem:s5+$0xFFFFFFA0];
	[tilespmem:s28+$0xFFFFFFB0] =	vst v6  }
0x282: {  	v25 =	vmul.f32 v26, v17;
	v8 =	vmul.f32 v23, v17;
	v6 =	vld [tilespmem:s5+$0xFFFFFFB0];
	v16 =	vunpack.i.l.bf16.f32 v9;
	[tilespmem:s28+$0xFFFFFFC0] =	vst v5  }
0x283: {  	v5 =	vunpack.i.u.bf16.f32 v9;
	v17 =	vld [tilespmem:s5+$0xFFFFFFC0];
	[tilespmem:s28+$0xFFFFFFD0] =	vst v4  }
0x284: {  	v5 =	vmul.f32 v5, v33;
	v15 =	vunpack.i.u.bf16.f32 v10;
	v19 =	vunpack.i.l.bf16.f32 v10;
	v4 =	vld [tilespmem:s5+$0xFFFFFFD0];
	[tilespmem:s28+$0xFFFFFFE0] =	vst v2  }
0x285: {  	s28 =	sadd.s32 $0x200, s28;
	v14 =	vunpack.i.u.bf16.f32 v3;
	v18 =	vunpack.i.l.bf16.f32 v3;
	v10 =	vld [tilespmem:s5+$0xFFFFFFE0];
	v3 =	vmul.f32 v16, v33;
	[tilespmem:s24+$0xFFFFFFF0] =	vst v7  }
0x286: {  	v2 =	vunpack.i.u.bf16.f32 v12;
	v16 =	vunpack.i.l.bf16.f32 v12;
	v23 =	vld [tilespmem:s5+$0xFFFFFFF0];
	[tilespmem:s28+$0x70] =	vst v5  }
0x287: {  	v5 =	vunpack.i.u.bf16.f32 v6;
	v9 =	vunpack.i.l.bf16.f32 v6;
	v26 =	vld [tilespmem:s5+$0x0];
	[tilespmem:s28+$0x60] =	vst v3  }
0x288: {  	v3 =	vunpack.i.u.bf16.f32 v17;
	v12 =	vunpack.i.l.bf16.f32 v17;
	v17 =	vld [tilespmem:s5+$0x10];
	[tilespmem:s24+$0x80] =	vst v11  }
0x289: {  	v6 =	vunpack.i.u.bf16.f32 v4;
	v11 =	vunpack.i.l.bf16.f32 v4;
	v27 =	vld [tilespmem:s5+$0x20];
	[tilespmem:s24+$0x90] =	vst v13  }
0x28a: {  	v4 =	vunpack.i.u.bf16.f32 v10;
	v10 =	vunpack.i.l.bf16.f32 v10;
	v34 =	vld [tilespmem:s5+$0x40];
	[tilespmem:s24+$0xA0] =	vst v20  }
0x28b: {  	v7 =	vunpack.i.u.bf16.f32 v23;
	v13 =	vunpack.i.l.bf16.f32 v23;
	v23 =	vld [tilespmem:s5+$0x50];
	[tilespmem:s24+$0xB0] =	vst v21  }
0x28c: {  	v20 =	vunpack.i.u.bf16.f32 v26;
	v21 =	vunpack.i.l.bf16.f32 v26;
	v26 =	vld [tilespmem:s5+$0x60];
	[tilespmem:s24+$0xC0] =	vst v24  }
0x28d: {  	v21 =	vmul.f32 v21, v33;
	v35 =	vunpack.i.u.bf16.f32 v17;
	v17 =	vunpack.i.l.bf16.f32 v17;
	v36 =	vld [tilespmem:s5+$0x70];
	[tilespmem:s24+$0xD0] =	vst v22  }
0x28e: {  	v22 =	vmul.f32 v20, v33;
	v29 =	vld.idx.msk [tilespmem:v31+s25+$0x0], $0xffff;
	v31 =	vunpack.i.u.bf16.f32 v27;
	v37 =	vunpack.i.l.bf16.f32 v27;
	[tilespmem:s24+$0xE0] =	vst v25  }
.Ltmp8:
0x28f: {  	v25 =	vmul.f32 v17, v33;
	v28 =	vld.idx.msk [tilespmem:v30+s25+$0x0], $0xffff;
	[tilespmem:s28+$0x0] =	vst v21;
	v20 =	vunpack.i.u.bf16.f32 v34;
	v24 =	vunpack.i.l.bf16.f32 v34;
	(pc) =	sbr.rel @p1 .LBB2_19-.Ltmp8, $4  }
0x290: {  	v30 =	vmul.f32 v35, v33;
	[tilespmem:s28+$0x10] =	vst v22;
	v17 =	vld.idx.msk [tilespmem:v32+s25+$0x0], $0xffff;
	v21 =	vunpack.i.u.bf16.f32 v23;
	v27 =	vunpack.i.l.bf16.f32 v23  }
0x291: {  	v32 =	vmul.f32 v37, v33;
	[tilespmem:s28+$0x20] =	vst v25;
	v22 =	vunpack.i.u.bf16.f32 v26;
	v25 =	vunpack.i.l.bf16.f32 v26  }
0x292: {  	[tilespmem:s28+$0x30] =	vst v30;
	v30 =	vmul.f32 v31, v33;
	v23 =	vunpack.i.u.bf16.f32 v36;
	v26 =	vunpack.i.l.bf16.f32 v36  }
0x293: {  	[tilespmem:s28+$0x40] =	vst v32  }
0x294: {  	v19 =	vmul.f32 v19, v29;
	[tilespmem:s28+$0x50] =	vst v30  }
0x295: {  	v15 =	vmul.f32 v15, v29;
	[tilespmem:s24+$0xF0] =	vst v8  }
0x296: {  	v57 =	vmul.f32 v18, v29;
	[tilespmem:s28+$0xFFFFFF00] =	vst v19  }
0x297: {  	v14 =	vmul.f32 v14, v29;
	[tilespmem:s28+$0xFFFFFF10] =	vst v15  }
0x298: {  	v58 =	vmul.f32 v16, v29;
	[tilespmem:s28+$0xFFFFFF20] =	vst v57  }
0x299: {  	v2 =	vmul.f32 v2, v29;
	[tilespmem:s28+$0xFFFFFF30] =	vst v14  }
0x29a: {  	v59 =	vmul.f32 v9, v29;
	[tilespmem:s28+$0xFFFFFF40] =	vst v58  }
0x29b: {  	v5 =	vmul.f32 v5, v29;
	[tilespmem:s28+$0xFFFFFF50] =	vst v2  }
0x29c: {  	v3 =	vmul.f32 v3, v28;
	[tilespmem:s28+$0xFFFFFF60] =	vst v59  }
0x29d: {  	v60 =	vmul.f32 v11, v28;
	[tilespmem:s28+$0xFFFFFF70] =	vst v5  }
0x29e: {  	v4 =	vmul.f32 v4, v28;
	[tilespmem:s28+$0xFFFFFF90] =	vst v3  }
0x29f: {  	v61 =	vmul.f32 v24, v17;
	[tilespmem:s28+$0xFFFFFFA0] =	vst v60  }
0x2a0: {  	v62 =	vmul.f32 v21, v17;
	[tilespmem:s28+$0xFFFFFFD0] =	vst v4  }
0x2a1: {  	v2 =	vmul.f32 v12, v28;
	[tilespmem:s28+$0x80] =	vst v61  }
0x2a2: {  	v63 =	vmul.f32 v26, v17;
	[tilespmem:s28+$0xB0] =	vst v62  }
0x2a3: {  	[tilespmem:s28+$0xFFFFFF80] =	vst v2;
	v2 =	vmul.f32 v6, v28  }
0x2a4: {  	v3 =	vmul.f32 v10, v28;
	[tilespmem:s28+$0xE0] =	vst v63  }
0x2a5: {  	[tilespmem:s28+$0xFFFFFFB0] =	vst v2;
	v2 =	vmul.f32 v13, v28  }
0x2a6: {  	[tilespmem:s28+$0xFFFFFFC0] =	vst v3;
	v3 =	vmul.f32 v7, v28  }
0x2a7: {  	[tilespmem:s28+$0xFFFFFFE0] =	vst v2;
	v2 =	vmul.f32 v20, v17  }
0x2a8: {  	s23 =	sadd.s32 $0x1, s23;
	[tilespmem:s28+$0xFFFFFFF0] =	vst v3;
	v3 =	vmul.f32 v27, v17  }
0x2a9: {  	p1 =	sne.s32 s23, $0x38;
	[tilespmem:s28+$0x90] =	vst v2;
	v2 =	vmul.f32 v25, v17  }
.Ltmp9:
0x2aa: {  	[tilespmem:s28+$0xA0] =	vst v3;
	v3 =	vmul.f32 v22, v17;
	(pc) =	sbr.rel @p1 .LBB2_16-.Ltmp9, $4  }
0x2ab: {  	[tilespmem:s28+$0xC0] =	vst v2;
	v2 =	vmul.f32 v23, v17  }
0x2ac: {  	[tilespmem:s28+$0xD0] =	vst v3  }
0x2ad: {  	s8 =	sadd.s32 $0xC0, s8;
	[tilespmem:s28+$0xF0] =	vst v2  }
0x2ae: {  	[spmem:s1] =	stream.indirect.scatter.add.f32 [tilespmem:s20], [sflag:$0x4], $0x80, s19, s13, $0xb8;
	[tilespmem:$0x1FB90] =	vst v63  }
0x2af: {  	s7 =	simm.s32 $0x3  }
0x2b0: {  	_ =	swait.ge [sflag:s7], $0x3000  }
0x2b1: {  	[sflag:s7] =	ssyncset.done $0x0  }
0x2b2: {  	s8 =	simm.s32 $0x4;
	[sflag:s7] =	ssyncadd.s32 $0xFFFFD000  }
0x2b3: {  	_ =	swait.ge [sflag:s8], $0x3000  }
0x2b4: {  	[sflag:s8] =	ssyncset.done $0x0  }
0x2b5: {  	[sflag:s8] =	ssyncadd.s32 $0xFFFFD000  }
0x2b6: {  	[bflag:$0x0] =	sbarrier.arrive $0xFFFF  }
0x2b7: {  	s24 =	rddreg [dreg:$0x10]  }
0x2b8: {  	[tilespmem:s10], [sflag:$0x5] =	stream.linear.gather [spmem:s24], $0x3000, $0x38;
	[tilespmem:$0x1FB90] =	vst v63  }
0x2b9: {  	_ =	swait.ge [sflag:s0], $0x3000  }
0x2ba: {  	[sflag:s0] =	ssyncset.done $0x0  }
0x2bb: {  	s5 =	rddreg [dreg:$0x6];
	[sflag:s0] =	ssyncadd.s32 $0xFFFFD000  }
0x2bc: {  	[hbm4b:s5+s2] =	stream.linear.scatter [tilespmem:s10], [sflag:$0x3], $0x3000, $0x38;
	[tilespmem:$0x1FB90] =	vst v63  }
0x2bd: {  	s28 =	rddreg [dreg:$0x11]  }
0x2be: {  	[tilespmem:s20], [sflag:$0x5] =	stream.linear.gather [spmem:s28], $0x3000, $0x38;
	[tilespmem:$0x1FB90] =	vst v63  }
0x2bf: {  	_ =	swait.ge [sflag:s0], $0x3000  }
0x2c0: {  	[sflag:s0] =	ssyncset.done $0x0  }
0x2c1: {  	s30 =	rddreg [dreg:$0x7];
	[sflag:s0] =	ssyncadd.s32 $0xFFFFD000  }
0x2c2: {  	[hbm4b:s30+s2] =	stream.linear.scatter [tilespmem:s20], [sflag:$0x4], $0x3000, $0x38;
	[tilespmem:$0x1FB90] =	vst v63  }
0x2c3: {  	_ =	swait.ge [sflag:s7], $0x3000  }
0x2c4: {  	[sflag:s7] =	ssyncset.done $0x0  }
0x2c5: {  	s29 =	rddreg [dreg:$0x12];
	[sflag:s7] =	ssyncadd.s32 $0xFFFFD000  }
0x2c6: {  	[tilespmem:s10], [sflag:$0x5] =	stream.linear.gather [spmem:s29], $0x3000, $0x38;
	[tilespmem:$0x1FB90] =	vst v63  }
0x2c7: {  	_ =	swait.ge [sflag:s0], $0x3000  }
0x2c8: {  	[sflag:s0] =	ssyncset.done $0x0  }
0x2c9: {  	s31 =	rddreg [dreg:$0x8];
	[sflag:s0] =	ssyncadd.s32 $0xFFFFD000  }
0x2ca: {  	[hbm4b:s31+s2] =	stream.linear.scatter [tilespmem:s10], [sflag:$0x3], $0x3000, $0x38;
	[tilespmem:$0x1FB90] =	vst v63  }
0x2cb: {  	_ =	swait.ge [sflag:s8], $0x3000  }
0x2cc: {  	[sflag:s8] =	ssyncset.done $0x0  }
0x2cd: {  	s21 =	rddreg [dreg:$0x13];
	[sflag:s8] =	ssyncadd.s32 $0xFFFFD000  }
0x2ce: {  	[tilespmem:s20], [sflag:$0x5] =	stream.linear.gather [spmem:s21], $0x3000, $0x38;
	[tilespmem:$0x1FB90] =	vst v63  }
0x2cf: {  	_ =	swait.ge [sflag:s0], $0x3000  }
0x2d0: {  	[sflag:s0] =	ssyncset.done $0x0  }
0x2d1: {  	s22 =	rddreg [dreg:$0x9];
	[sflag:s0] =	ssyncadd.s32 $0xFFFFD000  }
0x2d2: {  	[hbm4b:s22+s2] =	stream.linear.scatter [tilespmem:s20], [sflag:$0x4], $0x3000, $0x38;
	[tilespmem:$0x1FB90] =	vst v63  }
0x2d3: {  	_ =	swait.ge [sflag:s7], $0x3000  }
0x2d4: {  	[sflag:s7] =	ssyncset.done $0x0  }
0x2d5: {  	s23 =	rddreg [dreg:$0x14];
	[sflag:s7] =	ssyncadd.s32 $0xFFFFD000  }
0x2d6: {  	[tilespmem:s10], [sflag:$0x5] =	stream.linear.gather [spmem:s23], $0x3000, $0x38;
	[tilespmem:$0x1FB90] =	vst v63  }
0x2d7: {  	_ =	swait.ge [sflag:s0], $0x3000  }
0x2d8: {  	[sflag:s0] =	ssyncset.done $0x0  }
0x2d9: {  	s30 =	rddreg [dreg:$0xa];
	[sflag:s0] =	ssyncadd.s32 $0xFFFFD000  }
0x2da: {  	[hbm4b:s30+s2] =	stream.linear.scatter [tilespmem:s10], [sflag:$0x3], $0x3000, $0x38;
	[tilespmem:$0x1FB90] =	vst v63  }
0x2db: {  	_ =	swait.ge [sflag:s8], $0x3000  }
0x2dc: {  	[sflag:s8] =	ssyncset.done $0x0  }
0x2dd: {  	s31 =	rddreg [dreg:$0x15];
	[sflag:s8] =	ssyncadd.s32 $0xFFFFD000  }
0x2de: {  	[tilespmem:s20], [sflag:$0x5] =	stream.linear.gather [spmem:s31], $0x3000, $0x38;
	[tilespmem:$0x1FB90] =	vst v63  }
0x2df: {  	_ =	swait.ge [sflag:s0], $0x3000  }
0x2e0: {  	[sflag:s0] =	ssyncset.done $0x0  }
0x2e1: {  	s21 =	rddreg [dreg:$0xb];
	[sflag:s0] =	ssyncadd.s32 $0xFFFFD000  }
0x2e2: {  	[hbm4b:s21+s2] =	stream.linear.scatter [tilespmem:s20], [sflag:$0x4], $0x3000, $0x38;
	[tilespmem:$0x1FB90] =	vst v63  }
0x2e3: {  	_ =	swait.ge [sflag:s7], $0x3000  }
0x2e4: {  	[sflag:s7] =	ssyncset.done $0x0  }
0x2e5: {  	s22 =	rddreg [dreg:$0x16];
	[sflag:s7] =	ssyncadd.s32 $0xFFFFD000  }
0x2e6: {  	[tilespmem:s10], [sflag:$0x5] =	stream.linear.gather [spmem:s22], $0x2000, $0x38;
	[tilespmem:$0x1FB90] =	vst v63  }
0x2e7: {  	_ =	swait.ge [sflag:s0], $0x2000  }
0x2e8: {  	[sflag:s0] =	ssyncset.done $0x0  }
0x2e9: {  	s23 =	rddreg [dreg:$0xc];
	[sflag:s0] =	ssyncadd.s32 $0xFFFFE000  }
0x2ea: {  	[hbm4b:s23+s2] =	stream.linear.scatter [tilespmem:s10], [sflag:$0x3], $0x2000, $0x38;
	[tilespmem:$0x1FB90] =	vst v63  }
0x2eb: {  	_ =	swait.ge [sflag:s8], $0x3000  }
0x2ec: {  	[sflag:s8] =	ssyncset.done $0x0  }
0x2ed: {  	[sflag:s8] =	ssyncadd.s32 $0xFFFFD000  }
0x2ee: {  	_ =	swait.ge [sflag:s7], $0x2000  }
0x2ef: {  	s30 =	rddreg [dreg:$0x1b]  }
0x2f0: {  	s31 =	rddreg [dreg:$0x17];
	s8 =	sadd.s32 $0x1, s30  }
0x2f1: {  	p1 =	sne.s32 s8, s31  }
.Ltmp10:
0x2f2: {  	_ = 	snop;
	(pc) =	sbr.rel @p1 .LBB2_1-.Ltmp10, $3  }
0x2f3: {  	_ =	sdelay $0x1  }
0x2f4: {  	[sflag:s7] =	ssyncset.done $0x0  }
0x2f5: {  	s22 =	simm.s32 $0x6;
	[sflag:s7] =	ssyncadd.s32 $0xFFFFE000  }
0x2f6: {  	_ =	sfence.sel $0x180000  }
0x2f7: {  	[bflag:$0x0] =	sbarrier.arrive $0xFFFF  }
0x2f8: {  	_ =	strace $0x90000047  }
0x2f9: {  	s0 =	stileid.u32;
	[bflag:$0x2] =	sbarrier.arrive $0xFFFF  }
0x2fa: {  	p0 =	sne.s32 s0, $0x0;
	s0 =	rddreg [dreg:$0x3]  }
0x2fb: {  	s0 =	sadd.s32 @!p0 $0x100000, s0  }
0x2fc: {  	[sflag:s0] =	ssyncadd.tile.s32 @!p0 $0x1;
	_ =	shalt  }
.Lfunc_end2:
_tile_overlayer_lowered:
.L_overlay_start_2:
0x2fd: {  	(tag) =	ssettag $0x2  }
0x2fe: {  	s0 =	rddreg [dreg:$0x0];
	s2 =	stileid.u32  }
0x2ff: {  	s1 =	rddreg [dreg:$0x1];
	p0 =	sne.s32 s2, $0x0  }
0x300: {  	s3 =	rddreg [dreg:$0x2];
	[bflag:$0x3] =	sbarrier.arrive $0xFFFF;
	s2 =	simm.s32 @!p0 $0x1C05  }
0x301: {  	[timem:s3], [sflag:s2] =	dma.local @!p0 [hbm:s0], s1  }
0x302: {  	s0 =	simm.s32 @!p0 $0x5  }
0x303: {  	_ =	swait.ge @!p0 [sflag:s0], s1  }
0x304: {  	s1 =	ssub.s32 @!p0 $0x0, s1;
	[sflag:s0] =	ssyncset.done @!p0 $0x0  }
0x305: {  	[sflag:s0] =	ssyncadd.s32 @!p0 s1  }
0x306: {  	[bflag:$0x3] =	sbarrier.arrive $0xFFFF  }
0x307: {  	_ =	shalt  }

</sc_bundles>
